<compile_context>
chip_gen: v7x
topology: tpu7x:2x2x1
jax: 0.10.2.dev20260603
libtpu: 0.0.44.dev20260713+nightly
codegen_flags: <defaults>
</compile_context>

<pallas_src>
import functools

import jax
import jax.numpy as jnp
from jax import lax
from jax.experimental import pallas as pl
from jax.experimental.pallas import tpu as pltpu
from jax.experimental.pallas import tpu_sc as plsc

D = 128
NC, NS = 2, 16
L = 16
NW = NC * NS
B = 128
_BIG = 2 ** 30

_MESH = plsc.VectorSubcoreMesh(
    core_axis_name="c", subcore_axis_name="s", num_cores=NC, num_subcores=NS)


def _relu(x):
    return jnp.maximum(x, 0.0)


def _fill_zero(zref):
    zv = jnp.zeros((L,), jnp.float32)

    def body(i, _):
        for j in range(D // L):
            zref[i, pl.ds(j * L, L)] = zv
        return 0

    lax.fori_loop(0, zref.shape[0], body, 0)


def _pair_gather(na, nbt, src, dst):
    E = src.shape[0]
    per_w = E // NW
    gb = 80
    nb = per_w // gb
    assert per_w % gb == 0 and E % NW == 0

    @functools.partial(
        pl.kernel,
        out_type=jax.ShapeDtypeStruct((E, D), jnp.float32),
        mesh=_MESH,
        scratch_types=[
            pltpu.VMEM((per_w,), jnp.int32),
            pltpu.VMEM((per_w,), jnp.int32),
            pltpu.VMEM((gb, D), jnp.float32),
            pltpu.VMEM((gb, D), jnp.float32),
            pltpu.SemaphoreType.DMA,
            pltpu.SemaphoreType.DMA,
        ],
    )
    def k(na_hbm, nb_hbm, src_hbm, dst_hbm, out_hbm, si, di, ra, rb, s1, s2):
        c = lax.axis_index("c")
        s = lax.axis_index("s")
        w = s * NC + c
        base_w = w * per_w
        pltpu.sync_copy(src_hbm.at[pl.ds(base_w, per_w)], si)
        pltpu.sync_copy(dst_hbm.at[pl.ds(base_w, per_w)], di)

        def body(i, _):
            off = i * gb
            cpa = pltpu.async_copy(na_hbm.at[si.at[pl.ds(off, gb)]], ra, s1)
            cpb = pltpu.async_copy(nb_hbm.at[di.at[pl.ds(off, gb)]], rb, s2)
            cpa.wait()
            cpb.wait()

            @plsc.parallel_loop(0, gb, unroll=2)
            def _(r):
                for j in range(D // L):
                    ra[r, pl.ds(j * L, L)] = (
                        ra[r, pl.ds(j * L, L)] + rb[r, pl.ds(j * L, L)])

            pltpu.sync_copy(ra, out_hbm.at[pl.ds(base_w + off, gb)])
            return 0

        lax.fori_loop(0, nb, body, 0)

    return k(na, nbt, src, dst)


def _rowsum_partial(table, sid2d, S, wb_tiles, wb_rows):
    R = sid2d.shape[0]
    rows_sc = R // NC
    rows_t = rows_sc // NS
    assert rows_t * NS * NC == R
    assert wb_tiles * wb_rows == S

    @functools.partial(
        pl.kernel,
        out_type=jax.ShapeDtypeStruct((NC * S, D), jnp.float32),
        mesh=_MESH,
        scratch_types=[
            pltpu.VMEM((rows_t, B), jnp.int32),
            pltpu.VMEM((B, D), jnp.float32),
            pltpu.VMEM((B, D), jnp.float32),
            pltpu.SemaphoreType.DMA,
            pltpu.SemaphoreType.DMA,
            pltpu.SemaphoreType.DMA,
            pltpu.SemaphoreType.DMA,
            pltpu.VMEM_SHARED((S + 8, D), jnp.float32),
        ],
        compiler_params=pltpu.CompilerParams(needs_layout_passes=False),
    )
    def k(sid_hbm, table_hbm, zero_hbm, out_hbm, sidv, rows0, rows1,
          sg0, sg1, ss0, ss1, acc):
        c = lax.axis_index("c")
        s = lax.axis_index("s")
        r0 = (c * NS + s) * rows_t
        pltpu.sync_copy(sid_hbm.at[pl.ds(r0, rows_t)], sidv)

        @pl.when(s < wb_tiles)
        def _():
            pltpu.sync_copy(zero_hbm, acc.at[pl.ds(s * wb_rows, wb_rows)])

        plsc.subcore_barrier()

        tmax = table.shape[0] - B

        def pair_body(p, _):
            e0 = jnp.minimum((r0 + 2 * p) * B, tmax)
            e1 = jnp.minimum((r0 + 2 * p + 1) * B, tmax)
            cp0 = pltpu.async_copy(table_hbm.at[pl.ds(e0, B)], rows0, sg0)
            cp1 = pltpu.async_copy(table_hbm.at[pl.ds(e1, B)], rows1, sg1)
            cp0.wait()
            a0 = pltpu.async_copy(rows0, acc.at[sidv.at[2 * p]], ss0,
                                  add=True)
            cp1.wait()
            a1 = pltpu.async_copy(rows1, acc.at[sidv.at[2 * p + 1]], ss1,
                                  add=True)
            a0.wait()
            a1.wait()
            return 0

        lax.fori_loop(0, rows_t // 2, pair_body, 0)
        plsc.subcore_barrier()

        @pl.when(s < wb_tiles)
        def _():
            wb = s * wb_rows
            pltpu.sync_copy(acc.at[pl.ds(wb, wb_rows)],
                            out_hbm.at[pl.ds(c * S + wb, wb_rows)])

    return k(sid2d, table, jnp.zeros((wb_rows, D), jnp.float32))


def _segsum(table, gid, sid, S, CH, wb_tiles, wb_rows, bs=64):
    M_pad = sid.shape[0]
    assert M_pad % (NS * L) == 0
    slab = M_pad // NS
    n_chunks = S // CH
    assert n_chunks * CH == S and n_chunks % NC == 0
    ncps = n_chunks // NC
    assert wb_tiles * wb_rows == CH
    cap = slab + 2 * bs
    cap_r = -(-cap // bs)
    has_gid = gid is not None

    scratch = [
        pltpu.VMEM((slab,), jnp.int32),
        pltpu.VMEM((cap,), jnp.int32),
        pltpu.VMEM((cap,), jnp.int32),
        pltpu.VMEM((bs,), jnp.int32),
        pltpu.VMEM((bs, D), jnp.float32),
        pltpu.VMEM((bs, D), jnp.float32),
        pltpu.SemaphoreType.DMA,
        pltpu.SemaphoreType.DMA,
        pltpu.SemaphoreType.DMA,
        pltpu.SemaphoreType.DMA,
    ]
    if has_gid:
        scratch.insert(0, pltpu.VMEM((slab,), jnp.int32))
    multi = ncps > 1
    scratch.append(pltpu.VMEM_SHARED((CH + 8, D), jnp.float32))

    def k(*refs):
        if has_gid:
            (gid_hbm, sid_hbm, table_hbm, zero_hbm, out_hbm, gid_v, sid_v,
             selg, sels, idxs, rows0, rows1, sg0, sg1, ss0, ss1, acc) = refs
        else:
            (sid_hbm, table_hbm, zero_hbm, out_hbm, sid_v, selg, sels,
             idxs, rows0, rows1, sg0, sg1, ss0, ss1, acc) = refs
        c = lax.axis_index("c")
        s = lax.axis_index("s")
        if has_gid:
            pltpu.sync_copy(gid_hbm.at[pl.ds(s * slab, slab)], gid_v)
        pltpu.sync_copy(sid_hbm.at[pl.ds(s * slab, slab)], sid_v)
        nvec = slab // L
        iot = lax.iota(jnp.int32, L)
        zi = jnp.zeros((L,), jnp.int32)
        dvi = jnp.full((L,), CH, jnp.int32)
        gbase = s * slab

        def chunk_body(ci, _):
            lo = (c * ncps + ci) * CH
            hi = lo + CH

            @pl.when(s < wb_tiles)
            def _():
                pltpu.sync_copy(zero_hbm,
                                acc.at[pl.ds(s * wb_rows, wb_rows)])

            plsc.subcore_barrier()

            @plsc.parallel_loop(0, nvec, unroll=4, carry=jnp.int32(0))
            def cnt(i, n):
                sv = sid_v[pl.ds(i * L, L)]
                if has_gid:
                    g = gid_v[pl.ds(i * L, L)]
                else:
                    g = gbase + i * L + iot
                m = (sv >= lo) & (sv < hi)
                plsc.store_compressed(selg.at[pl.ds(n, L)], g, mask=m)
                plsc.store_compressed(sels.at[pl.ds(n, L)], sv - lo, mask=m)
                return n + plsc.all_reduce_population_count(m)[0]

            for j in range(2 * bs // L):
                idxv = cnt + j * L + iot
                plsc.store_scatter(selg, [idxv], zi)
                plsc.store_scatter(sels, [idxv], dvi)

            def drain_body(p, _):
                o0 = p * (2 * bs)
                o1 = o0 + bs
                cp0 = pltpu.async_copy(
                    table_hbm.at[selg.at[pl.ds(o0, bs)]], rows0, sg0)
                cp1 = pltpu.async_copy(
                    table_hbm.at[selg.at[pl.ds(o1, bs)]], rows1, sg1)
                for j in range(bs // L):
                    idxs[pl.ds(j * L, L)] = sels[pl.ds(o0 + j * L, L)]
                cp0.wait()
                a0 = pltpu.async_copy(rows0, acc.at[idxs], ss0, add=True)
                a0.wait()
                for j in range(bs // L):
                    idxs[pl.ds(j * L, L)] = sels[pl.ds(o1 + j * L, L)]
                cp1.wait()
                a1 = pltpu.async_copy(rows1, acc.at[idxs], ss1, add=True)
                a1.wait()
                return 0

            lax.fori_loop(0, (cnt + 2 * bs - 1) // (2 * bs), drain_body, 0)
            plsc.subcore_barrier()

            @pl.when(s < wb_tiles)
            def _():
                wb = s * wb_rows
                pltpu.sync_copy(acc.at[pl.ds(wb, wb_rows)],
                                out_hbm.at[pl.ds(lo + wb, wb_rows)])

            return 0

        lax.fori_loop(0, ncps, chunk_body, 0)

    kk = functools.partial(
        pl.kernel,
        out_type=jax.ShapeDtypeStruct((S, D), jnp.float32),
        mesh=_MESH,
        scratch_types=scratch,
        compiler_params=pltpu.CompilerParams(needs_layout_passes=False),
    )(k)
    zeros = jnp.zeros((wb_rows, D), jnp.float32)
    if has_gid:
        return kk(gid, sid, table, zeros)
    return kk(sid, table, zeros)


def _dot(a, b):
    return jnp.dot(a, b, preferred_element_type=jnp.float32)


def _row_spec(blk):
    return pl.BlockSpec((blk, D), lambda i: (i, 0))


def _full_spec(shape):
    return pl.BlockSpec(shape, lambda i: (0,) * len(shape))


def _tc_tables(node_rep, wa, wb, be):
    n = node_rep.shape[0]
    blk = 1000

    def body(x_ref, wa_ref, wb_ref, be_ref, na_ref, nb_ref):
        x = x_ref[...]
        na_ref[...] = _dot(x, wa_ref[...])
        nb_ref[...] = _dot(x, wb_ref[...]) + be_ref[...]

    return pl.pallas_call(
        body,
        grid=(n // blk,),
        in_specs=[_row_spec(blk), _full_spec((D, D)), _full_spec((D, D)),
                  _full_spec((1, D))],
        out_specs=[_row_spec(blk), _row_spec(blk)],
        out_shape=[jax.ShapeDtypeStruct((n, D), jnp.float32),
                   jax.ShapeDtypeStruct((n, D), jnp.float32)],
    )(node_rep, wa, wb, be)


def _tc_node(node_rep, parts, wna, wnb, bn):
    n = node_rep.shape[0]
    blk = 1000
    nblk = n // blk

    def body(x_ref, a_ref, a2_ref, wa_ref, wb_ref, b_ref, o_ref):
        x = x_ref[...]
        agg = a_ref[...] + a2_ref[...]
        h = _dot(x, wa_ref[...]) + _dot(agg, wb_ref[...]) + b_ref[...]
        o_ref[...] = x + _relu(h)

    return pl.pallas_call(
        body,
        grid=(nblk,),
        in_specs=[_row_spec(blk),
                  pl.BlockSpec((blk, D), lambda i: (i, 0)),
                  pl.BlockSpec((blk, D), lambda i: (i + nblk, 0)),
                  _full_spec((D, D)), _full_spec((D, D)), _full_spec((1, D))],
        out_specs=_row_spec(blk),
        out_shape=jax.ShapeDtypeStruct((n, D), jnp.float32),
    )(node_rep, parts, parts, wna, wnb, bn)


def _tc_cycle(cycle_rep, e2c, wc1, bc1, wc2, bc2, scale_row):
    n = cycle_rep.shape[0]
    blk = 1000

    def body(x_ref, a_ref, w1_ref, b1_ref, w2_ref, b2_ref, sc_ref, o_ref):
        x = x_ref[...]
        h = x * sc_ref[...] + a_ref[...]
        t = _relu(_dot(h, w1_ref[...]) + b1_ref[...])
        o_ref[...] = x + _relu(_dot(t, w2_ref[...]) + b2_ref[...])

    return pl.pallas_call(
        body,
        grid=(n // blk,),
        in_specs=[_row_spec(blk), _row_spec(blk), _full_spec((D, D)),
                  _full_spec((1, D)), _full_spec((D, D)), _full_spec((1, D)),
                  _full_spec((1, D))],
        out_specs=_row_spec(blk),
        out_shape=jax.ShapeDtypeStruct((n, D), jnp.float32),
    )(cycle_rep, e2c, wc1, bc1, wc2, bc2, scale_row)


def _tc_edge(pre, edge_rep, c2e, wec1, bec1, wec2, bec2,
             m1a, m1b, bm1, wm2, bm2, scale_row):
    n = edge_rep.shape[0]
    blk = 512

    def body(p_ref, e_ref, a_ref, w1_ref, b1_ref, w2_ref, b2_ref,
             ma_ref, mb_ref, bm_ref, wm_ref, bo_ref, sc_ref, o_ref):
        e = e_ref[...]
        x1 = _relu(p_ref[...])
        he = e * sc_ref[...] + a_ref[...]
        t = _relu(_dot(he, w1_ref[...]) + b1_ref[...])
        e2 = _relu(_dot(t, w2_ref[...]) + b2_ref[...])
        u = _relu(_dot(x1, ma_ref[...]) + _dot(e2, mb_ref[...]) + bm_ref[...])
        o_ref[...] = e + _dot(u, wm_ref[...]) + bo_ref[...]

    return pl.pallas_call(
        body,
        grid=(n // blk,),
        in_specs=[_row_spec(blk), _row_spec(blk), _row_spec(blk),
                  _full_spec((D, D)), _full_spec((1, D)),
                  _full_spec((D, D)), _full_spec((1, D)),
                  _full_spec((D, D)), _full_spec((D, D)), _full_spec((1, D)),
                  _full_spec((D, D)), _full_spec((1, D)), _full_spec((1, D))],
        out_specs=_row_spec(blk),
        out_shape=jax.ShapeDtypeStruct((n, D), jnp.float32),
    )(pre, edge_rep, c2e, wec1, bec1, wec2, bec2, m1a, m1b, bm1, wm2, bm2,
      scale_row)


def kernel(node_rep, edge_rep, cycle_rep, edge_index, cycle_ids,
           cycle_edge_ids, W_e1, b_e1, W_n, b_n, W_ec1, b_ec1, W_ec2, b_ec2,
           eps_e, W_c1, b_c1, W_c2, b_c2, eps_c, W_m1, b_m1, W_m2, b_m2):
    E = edge_rep.shape[0]
    N = node_rep.shape[0]
    C = cycle_rep.shape[0]
    M = cycle_ids.shape[0]

    src = edge_index[0].astype(jnp.int32)
    dst = edge_index[1].astype(jnp.int32)
    cids = cycle_ids.astype(jnp.int32)
    ceids = cycle_edge_ids.astype(jnp.int32)

    grp = NS * L * 4
    m_pad = -(-M // grp) * grp
    pad = m_pad - M
    zpad = jnp.zeros((pad,), jnp.int32)
    bpad = jnp.full((pad,), _BIG, jnp.int32)
    cids_g = jnp.concatenate([cids, zpad])
    cids_s = jnp.concatenate([cids, bpad])
    ceids_g = jnp.concatenate([ceids, zpad])
    ceids_s = jnp.concatenate([ceids, bpad])
    eid = jnp.arange(E, dtype=jnp.int32)

    na, nbt = _tc_tables(node_rep, W_e1[:D], W_e1[D:], b_e1[None])

    pre = _pair_gather(na, nbt, src, dst)
    assert E % B == 0
    e_rows = -(-(E // B) // (NW * 8)) * NW * 8
    dst_pad = jnp.concatenate(
        [dst, jnp.full((e_rows * B - E,), N, jnp.int32)]).reshape(e_rows, B)
    node_parts = _rowsum_partial(edge_rep, dst_pad, S=N,
                                 wb_tiles=10, wb_rows=1000)
    c2e = _segsum(cycle_rep, cids_g, ceids_s, S=E, CH=8000,
                  wb_tiles=8, wb_rows=1000)
    e2c = _segsum(edge_rep, ceids_g, cids_s, S=C, CH=2000,
                  wb_tiles=10, wb_rows=200)

    scale_e = (1.0 + eps_e) * jnp.ones((1, D), jnp.float32)
    scale_c = (1.0 + eps_c) * jnp.ones((1, D), jnp.float32)
    node_out = _tc_node(node_rep, node_parts, W_n[:D], W_n[D:], b_n[None])
    cycle_out = _tc_cycle(cycle_rep, e2c, W_c1, b_c1[None], W_c2, b_c2[None],
                          scale_c)
    edge_out = _tc_edge(pre, edge_rep, c2e, W_ec1, b_ec1[None], W_ec2,
                        b_ec2[None], W_m1[:D], W_m1[D:], b_m1[None], W_m2,
                        b_m2[None], scale_e)
    return (node_out, edge_out, cycle_out)

# --- scband reference (transcript-rebuilt; emitter-appended) ---
"""Pipeline reference for scband-node-edge-cycle-50869592655512 (READ-ONLY COPY).

The authoritative reference and input builder live on the scoring server;
editing this copy changes nothing except your own understanding.
"""

import jax, jax.numpy as jnp
import numpy as np

N_NODES = 10000
N_EDGES = 320000
N_CYCLES = 20000
N_MEMB = 110000
D = 128


def setup_inputs(seed: int = 0) -> dict:
    key = jax.random.key(seed)
    ks = jax.random.split(key, 24)
    node_rep = jax.random.normal(ks[0], (N_NODES, D), dtype=jnp.float32)
    edge_rep = jax.random.normal(ks[1], (N_EDGES, D), dtype=jnp.float32)
    cycle_rep = jax.random.normal(ks[2], (N_CYCLES, D), dtype=jnp.float32)
    edge_index = jax.random.randint(ks[3], (2, N_EDGES), 0, N_NODES, dtype=jnp.int64 if jax.config.read('jax_enable_x64') else jnp.int32)
    cycle_ids = jnp.sort(jax.random.randint(ks[4], (N_MEMB,), 0, N_CYCLES))
    cycle_edge_ids = jax.random.randint(ks[5], (N_MEMB,), 0, N_EDGES)
    def lin(k, fan_in, fan_out):
        s = 1.0 / np.sqrt(fan_in)
        return jax.random.uniform(k, (fan_in, fan_out), minval=-s, maxval=s, dtype=jnp.float32)
    params = {
        'W_e1': lin(ks[6], 2 * D, D), 'b_e1': jnp.zeros((D,), jnp.float32),
        'W_n': lin(ks[7], 2 * D, D), 'b_n': jnp.zeros((D,), jnp.float32),
        'W_ec1': lin(ks[8], D, D), 'b_ec1': jnp.zeros((D,), jnp.float32),
        'W_ec2': lin(ks[9], D, D), 'b_ec2': jnp.zeros((D,), jnp.float32),
        'eps_e': jnp.float32(0.0),
        'W_c1': lin(ks[10], D, D), 'b_c1': jnp.zeros((D,), jnp.float32),
        'W_c2': lin(ks[11], D, D), 'b_c2': jnp.zeros((D,), jnp.float32),
        'eps_c': jnp.float32(0.0),
        'W_m1': lin(ks[12], 2 * D, D), 'b_m1': jnp.zeros((D,), jnp.float32),
        'W_m2': lin(ks[13], D, D), 'b_m2': jnp.zeros((D,), jnp.float32),
    }
    inp = {'node_rep': node_rep, 'edge_rep': edge_rep, 'cycle_rep': cycle_rep,
           'edge_index': edge_index, 'cycle_ids': cycle_ids, 'cycle_edge_ids': cycle_edge_ids}
    inp.update(params)
    return inp


def reference(node_rep, edge_rep, cycle_rep, edge_index, cycle_ids, cycle_edge_ids,
              W_e1, b_e1, W_n, b_n, W_ec1, b_ec1, W_ec2, b_ec2, eps_e,
              W_c1, b_c1, W_c2, b_c2, eps_c, W_m1, b_m1, W_m2, b_m2):
    n_nodes = node_rep.shape[0]
    n_edges = edge_rep.shape[0]
    n_cycles = cycle_rep.shape[0]
    src = edge_index[0]
    dst = edge_index[1]
    # Edge_node block: edge messages from endpoint node reps; node update from edge aggregation
    edge_out1 = jax.nn.relu(jnp.concatenate([node_rep[src], node_rep[dst]], axis=-1) @ W_e1 + b_e1)
    node_agg = jax.ops.segment_sum(edge_rep, dst, num_segments=n_nodes)
    node_out = jax.nn.relu(jnp.concatenate([node_rep, node_agg], axis=-1) @ W_n + b_n)
    # EdgeCycle block (GIN-style with learnable eps over edge<->cycle incidence)
    cyc_to_edge = jax.ops.segment_sum(cycle_rep[cycle_ids], cycle_edge_ids, num_segments=n_edges)
    h_e = (1.0 + eps_e) * edge_rep + cyc_to_edge
    edge_out2 = jax.nn.relu(jax.nn.relu(h_e @ W_ec1 + b_ec1) @ W_ec2 + b_ec2)
    edge_to_cyc = jax.ops.segment_sum(edge_rep[cycle_edge_ids], cycle_ids, num_segments=n_cycles)
    h_c = (1.0 + eps_c) * cycle_rep + edge_to_cyc
    cycle_out = jax.nn.relu(jax.nn.relu(h_c @ W_c1 + b_c1) @ W_c2 + b_c2)
    # edge_mlp over concatenated edge streams (2-layer invertible-style MLP)
    edge_out = jax.nn.relu(jnp.concatenate([edge_out1, edge_out2], axis=-1) @ W_m1 + b_m1) @ W_m2 + b_m2
    # residual / skip updates
    node_out = node_rep + node_out
    edge_out = edge_rep + edge_out
    cycle_out = cycle_rep + cycle_out
    return (node_out, edge_out, cycle_out)

if __name__ == "__main__":
    import jax
    _d = setup_inputs()
    print(jax.jit(kernel)(*tuple(_d.values())))

</pallas_src>

<mosaic_0001>
#map = affine_map<(d0, d1) -> (0, 0)>
#map1 = affine_map<(d0, d1) -> (0)>
module attributes {stable_mosaic.version = 14 : i64} {
  func.func @k(%arg0: i32, %arg1: i32, %arg2: memref<10000x128xf32, #tpu.memory_space<hbm>>, %arg3: memref<10000x128xf32, #tpu.memory_space<hbm>>, %arg4: memref<320000xi32, #tpu.memory_space<hbm>>, %arg5: memref<320000xi32, #tpu.memory_space<hbm>>, %arg6: memref<320000x128xf32, #tpu.memory_space<hbm>>, %arg7: memref<10000xi32, #tpu.memory_space<vmem>>, %arg8: memref<10000xi32, #tpu.memory_space<vmem>>, %arg9: memref<80x128xf32, #tpu.memory_space<vmem>>, %arg10: memref<80x128xf32, #tpu.memory_space<vmem>>, %arg11: memref<!tpu.dma_semaphore, #tpu.memory_space<semaphore_mem>>, %arg12: memref<!tpu.dma_semaphore, #tpu.memory_space<semaphore_mem>>) attributes {dimension_semantics = [#tpu.dimension_semantics<core_parallel>, #tpu.dimension_semantics<subcore_parallel>], iteration_bounds = array<i64: 2, 16>, scalar_prefetch = 0 : i64, scratch_operands = 6 : i64, tpu.core_type = #tpu.core_type<sc_vector_subcore>, window_params = [{transform_indices = #map}, {transform_indices = #map}, {transform_indices = #map1}, {transform_indices = #map1}, {transform_indices = #map}]} {
    %mul3A = arith.constant 2 : i32
    %mul3A_0 = arith.muli %arg1, %mul3A : i32
    %add3A = arith.addi %mul3A_0, %arg0 : i32
    %mul3A_1 = arith.constant 10000 : i32
    %mul3A_2 = arith.muli %add3A, %mul3A_1 : i32
    "tpu.region"() ({
      %run_scoped3A = tpu.sem_alloc : memref<!tpu.dma_semaphore, #tpu.memory_space<semaphore_mem>>
      %dma_start3A = tpu.memref_slice %arg4[%mul3A_2] : memref<320000xi32, #tpu.memory_space<hbm>> -> memref<10000xi32, #tpu.memory_space<hbm>>
      %dma_start3A_9 = tpu.memref_slice %arg4[%mul3A_2] : memref<320000xi32, #tpu.memory_space<hbm>> -> memref<10000xi32, #tpu.memory_space<hbm>>
      tpu.enqueue_dma source(%dma_start3A_9 : memref<10000xi32, #tpu.memory_space<hbm>>) target(%arg7 : memref<10000xi32, #tpu.memory_space<vmem>>) target_semaphore(%run_scoped3A : memref<!tpu.dma_semaphore, #tpu.memory_space<semaphore_mem>>)
      %dma_wait3A = tpu.memref_slice %arg4[%mul3A_2] : memref<320000xi32, #tpu.memory_space<hbm>> -> memref<10000xi32, #tpu.memory_space<hbm>>
      %dma_wait3A_10 = tpu.memref_slice %arg4[%mul3A_2] : memref<320000xi32, #tpu.memory_space<hbm>> -> memref<10000xi32, #tpu.memory_space<hbm>>
      tpu.wait_dma2 semaphore(%run_scoped3A : memref<!tpu.dma_semaphore, #tpu.memory_space<semaphore_mem>>) src(%dma_wait3A_10 : memref<10000xi32, #tpu.memory_space<hbm>>) dst(%arg7 : memref<10000xi32, #tpu.memory_space<vmem>>)
      tpu.yield
    }) : () -> ()
    "tpu.region"() ({
      %run_scoped3A = tpu.sem_alloc : memref<!tpu.dma_semaphore, #tpu.memory_space<semaphore_mem>>
      %dma_start3A = tpu.memref_slice %arg5[%mul3A_2] : memref<320000xi32, #tpu.memory_space<hbm>> -> memref<10000xi32, #tpu.memory_space<hbm>>
      %dma_start3A_9 = tpu.memref_slice %arg5[%mul3A_2] : memref<320000xi32, #tpu.memory_space<hbm>> -> memref<10000xi32, #tpu.memory_space<hbm>>
      tpu.enqueue_dma source(%dma_start3A_9 : memref<10000xi32, #tpu.memory_space<hbm>>) target(%arg8 : memref<10000xi32, #tpu.memory_space<vmem>>) target_semaphore(%run_scoped3A : memref<!tpu.dma_semaphore, #tpu.memory_space<semaphore_mem>>)
      %dma_wait3A = tpu.memref_slice %arg5[%mul3A_2] : memref<320000xi32, #tpu.memory_space<hbm>> -> memref<10000xi32, #tpu.memory_space<hbm>>
      %dma_wait3A_10 = tpu.memref_slice %arg5[%mul3A_2] : memref<320000xi32, #tpu.memory_space<hbm>> -> memref<10000xi32, #tpu.memory_space<hbm>>
      tpu.wait_dma2 semaphore(%run_scoped3A : memref<!tpu.dma_semaphore, #tpu.memory_space<semaphore_mem>>) src(%dma_wait3A_10 : memref<10000xi32, #tpu.memory_space<hbm>>) dst(%arg8 : memref<10000xi32, #tpu.memory_space<vmem>>)
      tpu.yield
    }) : () -> ()
    %scan3A = arith.constant 0 : i32
    %scan3A_3 = arith.constant 0 : i32
    %scan3A_4 = arith.constant 125 : i32
    %scan3A_5 = arith.addi %scan3A_3, %scan3A_4 : i32
    %scan3A_6 = arith.constant 1 : i32
    %scan3A_7 = scf.for %scan3A_9 = %scan3A_3 to %scan3A_5 step %scan3A_6 iter_args(%scan3A_10 = %scan3A) -> (i32)  : i32 {
      %mul3A_11 = arith.constant 80 : i32
      %mul3A_12 = arith.muli %scan3A_9, %mul3A_11 : i32
      %dma_start3A = tpu.memref_slice %arg7[%mul3A_12] : memref<10000xi32, #tpu.memory_space<vmem>> -> memref<80xi32, #tpu.memory_space<vmem>>
      %dma_start3A_13 = arith.constant 0 : i32
      %dma_start3A_14 = arith.constant 0 : i32
      %dma_start3A_15 = tpu.memref_slice %arg2[%dma_start3A_13, %dma_start3A_14] : memref<10000x128xf32, #tpu.memory_space<hbm>> -> memref<10000x128xf32, #tpu.memory_space<hbm>>
      tpu.enqueue_indirect_dma source(%dma_start3A_15 : memref<10000x128xf32, #tpu.memory_space<hbm>>) target(%arg9 : memref<80x128xf32, #tpu.memory_space<vmem>>) offsets(%dma_start3A : memref<80xi32, #tpu.memory_space<vmem>>) semaphore(%arg11 : memref<!tpu.dma_semaphore, #tpu.memory_space<semaphore_mem>>)
      %dma_start3A_16 = tpu.memref_slice %arg8[%mul3A_12] : memref<10000xi32, #tpu.memory_space<vmem>> -> memref<80xi32, #tpu.memory_space<vmem>>
      %dma_start3A_17 = arith.constant 0 : i32
      %dma_start3A_18 = arith.constant 0 : i32
      %dma_start3A_19 = tpu.memref_slice %arg3[%dma_start3A_17, %dma_start3A_18] : memref<10000x128xf32, #tpu.memory_space<hbm>> -> memref<10000x128xf32, #tpu.memory_space<hbm>>
      tpu.enqueue_indirect_dma source(%dma_start3A_19 : memref<10000x128xf32, #tpu.memory_space<hbm>>) target(%arg10 : memref<80x128xf32, #tpu.memory_space<vmem>>) offsets(%dma_start3A_16 : memref<80xi32, #tpu.memory_space<vmem>>) semaphore(%arg12 : memref<!tpu.dma_semaphore, #tpu.memory_space<semaphore_mem>>)
      %dma_wait3A = tpu.memref_slice %arg7[%mul3A_12] : memref<10000xi32, #tpu.memory_space<vmem>> -> memref<80xi32, #tpu.memory_space<vmem>>
      %dma_wait3A_20 = arith.constant 0 : i32
      %dma_wait3A_21 = arith.constant 0 : i32
      %dma_wait3A_22 = tpu.memref_slice %arg2[%dma_wait3A_20, %dma_wait3A_21] : memref<10000x128xf32, #tpu.memory_space<hbm>> -> memref<10000x128xf32, #tpu.memory_space<hbm>>
      tpu.wait_indirect_dma semaphore(%arg11 : memref<!tpu.dma_semaphore, #tpu.memory_space<semaphore_mem>>) src(%dma_wait3A_22 : memref<10000x128xf32, #tpu.memory_space<hbm>>) dst(%arg9 : memref<80x128xf32, #tpu.memory_space<vmem>>)
      %dma_wait3A_23 = tpu.memref_slice %arg8[%mul3A_12] : memref<10000xi32, #tpu.memory_space<vmem>> -> memref<80xi32, #tpu.memory_space<vmem>>
      %dma_wait3A_24 = arith.constant 0 : i32
      %dma_wait3A_25 = arith.constant 0 : i32
      %dma_wait3A_26 = tpu.memref_slice %arg3[%dma_wait3A_24, %dma_wait3A_25] : memref<10000x128xf32, #tpu.memory_space<hbm>> -> memref<10000x128xf32, #tpu.memory_space<hbm>>
      tpu.wait_indirect_dma semaphore(%arg12 : memref<!tpu.dma_semaphore, #tpu.memory_space<semaphore_mem>>) src(%dma_wait3A_26 : memref<10000x128xf32, #tpu.memory_space<hbm>>) dst(%arg10 : memref<80x128xf32, #tpu.memory_space<vmem>>)
      %parallel_loop3A = arith.constant 0 : i32
      %parallel_loop3A_27 = arith.constant 80 : i32
      %parallel_loop3A_28 = arith.constant 1 : i32
      scf.for %parallel_loop3A_31 = %parallel_loop3A to %parallel_loop3A_27 step %parallel_loop3A_28  : i32 {
        %parallel_loop3A_32 = arith.index_cast %parallel_loop3A_31 : i32 to index
        %parallel_loop3A_33 = arith.constant 0 : index
        %parallel_loop3A_34 = tpu.vector_load %arg9[%parallel_loop3A_32, %parallel_loop3A_33] {strides = array<i32>} : memref<80x128xf32, #tpu.memory_space<vmem>>, vector<1x16xf32>,
        %parallel_loop3A_35 = vector.shape_cast %parallel_loop3A_34 : vector<1x16xf32> to vector<16xf32>
        %parallel_loop3A_36 = arith.index_cast %parallel_loop3A_31 : i32 to index
        %parallel_loop3A_37 = arith.constant 0 : index
        %parallel_loop3A_38 = tpu.vector_load %arg10[%parallel_loop3A_36, %parallel_loop3A_37] {strides = array<i32>} : memref<80x128xf32, #tpu.memory_space<vmem>>, vector<1x16xf32>,
        %parallel_loop3A_39 = vector.shape_cast %parallel_loop3A_38 : vector<1x16xf32> to vector<16xf32>
        %parallel_loop3A_40 = arith.addf %parallel_loop3A_35, %parallel_loop3A_39 : vector<16xf32>
        %parallel_loop3A_41 = arith.index_cast %parallel_loop3A_31 : i32 to index
        %parallel_loop3A_42 = arith.constant 0 : index
        %parallel_loop3A_43 = tpu.vector_load %arg9[%parallel_loop3A_41, %parallel_loop3A_42] {strides = array<i32>} : memref<80x128xf32, #tpu.memory_space<vmem>>, vector<1x16xf32>,
        %parallel_loop3A_44 = vector.shape_cast %parallel_loop3A_43 : vector<1x16xf32> to vector<16xf32>
        %parallel_loop3A_45 = vector.shape_cast %parallel_loop3A_40 : vector<16xf32> to vector<1x16xf32>
        tpu.vector_store %arg9[%parallel_loop3A_41, %parallel_loop3A_42], %parallel_loop3A_45 {strides = array<i32>} : memref<80x128xf32, #tpu.memory_space<vmem>>, vector<1x16xf32>,
        %parallel_loop3A_46 = arith.index_cast %parallel_loop3A_31 : i32 to index
        %parallel_loop3A_47 = arith.constant 16 : index
        %parallel_loop3A_48 = tpu.vector_load %arg9[%parallel_loop3A_46, %parallel_loop3A_47] {strides = array<i32>} : memref<80x128xf32, #tpu.memory_space<vmem>>, vector<1x16xf32>,
        %parallel_loop3A_49 = vector.shape_cast %parallel_loop3A_48 : vector<1x16xf32> to vector<16xf32>
        %parallel_loop3A_50 = arith.index_cast %parallel_loop3A_31 : i32 to index
        %parallel_loop3A_51 = arith.constant 16 : index
        %parallel_loop3A_52 = tpu.vector_load %arg10[%parallel_loop3A_50, %parallel_loop3A_51] {strides = array<i32>} : memref<80x128xf32, #tpu.memory_space<vmem>>, vector<1x16xf32>,
        %parallel_loop3A_53 = vector.shape_cast %parallel_loop3A_52 : vector<1x16xf32> to vector<16xf32>
        %parallel_loop3A_54 = arith.addf %parallel_loop3A_49, %parallel_loop3A_53 : vector<16xf32>
        %parallel_loop3A_55 = arith.index_cast %parallel_loop3A_31 : i32 to index
        %parallel_loop3A_56 = arith.constant 16 : index
        %parallel_loop3A_57 = tpu.vector_load %arg9[%parallel_loop3A_55, %parallel_loop3A_56] {strides = array<i32>} : memref<80x128xf32, #tpu.memory_space<vmem>>, vector<1x16xf32>,
        %parallel_loop3A_58 = vector.shape_cast %parallel_loop3A_57 : vector<1x16xf32> to vector<16xf32>
        %parallel_loop3A_59 = vector.shape_cast %parallel_loop3A_54 : vector<16xf32> to vector<1x16xf32>
        tpu.vector_store %arg9[%parallel_loop3A_55, %parallel_loop3A_56], %parallel_loop3A_59 {strides = array<i32>} : memref<80x128xf32, #tpu.memory_space<vmem>>, vector<1x16xf32>,
        %parallel_loop3A_60 = arith.index_cast %parallel_loop3A_31 : i32 to index
        %parallel_loop3A_61 = arith.constant 32 : index
        %parallel_loop3A_62 = tpu.vector_load %arg9[%parallel_loop3A_60, %parallel_loop3A_61] {strides = array<i32>} : memref<80x128xf32, #tpu.memory_space<vmem>>, vector<1x16xf32>,
        %parallel_loop3A_63 = vector.shape_cast %parallel_loop3A_62 : vector<1x16xf32> to vector<16xf32>
        %parallel_loop3A_64 = arith.index_cast %parallel_loop3A_31 : i32 to index
        %parallel_loop3A_65 = arith.constant 32 : index
        %parallel_loop3A_66 = tpu.vector_load %arg10[%parallel_loop3A_64, %parallel_loop3A_65] {strides = array<i32>} : memref<80x128xf32, #tpu.memory_space<vmem>>, vector<1x16xf32>,
        %parallel_loop3A_67 = vector.shape_cast %parallel_loop3A_66 : vector<1x16xf32> to vector<16xf32>
        %parallel_loop3A_68 = arith.addf %parallel_loop3A_63, %parallel_loop3A_67 : vector<16xf32>
        %parallel_loop3A_69 = arith.index_cast %parallel_loop3A_31 : i32 to index
        %parallel_loop3A_70 = arith.constant 32 : index
        %parallel_loop3A_71 = tpu.vector_load %arg9[%parallel_loop3A_69, %parallel_loop3A_70] {strides = array<i32>} : memref<80x128xf32, #tpu.memory_space<vmem>>, vector<1x16xf32>,
        %parallel_loop3A_72 = vector.shape_cast %parallel_loop3A_71 : vector<1x16xf32> to vector<16xf32>
        %parallel_loop3A_73 = vector.shape_cast %parallel_loop3A_68 : vector<16xf32> to vector<1x16xf32>
        tpu.vector_store %arg9[%parallel_loop3A_69, %parallel_loop3A_70], %parallel_loop3A_73 {strides = array<i32>} : memref<80x128xf32, #tpu.memory_space<vmem>>, vector<1x16xf32>,
        %parallel_loop3A_74 = arith.index_cast %parallel_loop3A_31 : i32 to index
        %parallel_loop3A_75 = arith.constant 48 : index
        %parallel_loop3A_76 = tpu.vector_load %arg9[%parallel_loop3A_74, %parallel_loop3A_75] {strides = array<i32>} : memref<80x128xf32, #tpu.memory_space<vmem>>, vector<1x16xf32>,
        %parallel_loop3A_77 = vector.shape_cast %parallel_loop3A_76 : vector<1x16xf32> to vector<16xf32>
        %parallel_loop3A_78 = arith.index_cast %parallel_loop3A_31 : i32 to index
        %parallel_loop3A_79 = arith.constant 48 : index
        %parallel_loop3A_80 = tpu.vector_load %arg10[%parallel_loop3A_78, %parallel_loop3A_79] {strides = array<i32>} : memref<80x128xf32, #tpu.memory_space<vmem>>, vector<1x16xf32>,
        %parallel_loop3A_81 = vector.shape_cast %parallel_loop3A_80 : vector<1x16xf32> to vector<16xf32>
        %parallel_loop3A_82 = arith.addf %parallel_loop3A_77, %parallel_loop3A_81 : vector<16xf32>
        %parallel_loop3A_83 = arith.index_cast %parallel_loop3A_31 : i32 to index
        %parallel_loop3A_84 = arith.constant 48 : index
        %parallel_loop3A_85 = tpu.vector_load %arg9[%parallel_loop3A_83, %parallel_loop3A_84] {strides = array<i32>} : memref<80x128xf32, #tpu.memory_space<vmem>>, vector<1x16xf32>,
        %parallel_loop3A_86 = vector.shape_cast %parallel_loop3A_85 : vector<1x16xf32> to vector<16xf32>
        %parallel_loop3A_87 = vector.shape_cast %parallel_loop3A_82 : vector<16xf32> to vector<1x16xf32>
        tpu.vector_store %arg9[%parallel_loop3A_83, %parallel_loop3A_84], %parallel_loop3A_87 {strides = array<i32>} : memref<80x128xf32, #tpu.memory_space<vmem>>, vector<1x16xf32>,
        %parallel_loop3A_88 = arith.index_cast %parallel_loop3A_31 : i32 to index
        %parallel_loop3A_89 = arith.constant 64 : index
        %parallel_loop3A_90 = tpu.vector_load %arg9[%parallel_loop3A_88, %parallel_loop3A_89] {strides = array<i32>} : memref<80x128xf32, #tpu.memory_space<vmem>>, vector<1x16xf32>,
        %parallel_loop3A_91 = vector.shape_cast %parallel_loop3A_90 : vector<1x16xf32> to vector<16xf32>
        %parallel_loop3A_92 = arith.index_cast %parallel_loop3A_31 : i32 to index
        %parallel_loop3A_93 = arith.constant 64 : index
        %parallel_loop3A_94 = tpu.vector_load %arg10[%parallel_loop3A_92, %parallel_loop3A_93] {strides = array<i32>} : memref<80x128xf32, #tpu.memory_space<vmem>>, vector<1x16xf32>,
        %parallel_loop3A_95 = vector.shape_cast %parallel_loop3A_94 : vector<1x16xf32> to vector<16xf32>
        %parallel_loop3A_96 = arith.addf %parallel_loop3A_91, %parallel_loop3A_95 : vector<16xf32>
        %parallel_loop3A_97 = arith.index_cast %parallel_loop3A_31 : i32 to index
        %parallel_loop3A_98 = arith.constant 64 : index
        %parallel_loop3A_99 = tpu.vector_load %arg9[%parallel_loop3A_97, %parallel_loop3A_98] {strides = array<i32>} : memref<80x128xf32, #tpu.memory_space<vmem>>, vector<1x16xf32>,
        %parallel_loop3A_100 = vector.shape_cast %parallel_loop3A_99 : vector<1x16xf32> to vector<16xf32>
        %parallel_loop3A_101 = vector.shape_cast %parallel_loop3A_96 : vector<16xf32> to vector<1x16xf32>
        tpu.vector_store %arg9[%parallel_loop3A_97, %parallel_loop3A_98], %parallel_loop3A_101 {strides = array<i32>} : memref<80x128xf32, #tpu.memory_space<vmem>>, vector<1x16xf32>,
        %parallel_loop3A_102 = arith.index_cast %parallel_loop3A_31 : i32 to index
        %parallel_loop3A_103 = arith.constant 80 : index
        %parallel_loop3A_104 = tpu.vector_load %arg9[%parallel_loop3A_102, %parallel_loop3A_103] {strides = array<i32>} : memref<80x128xf32, #tpu.memory_space<vmem>>, vector<1x16xf32>,
        %parallel_loop3A_105 = vector.shape_cast %parallel_loop3A_104 : vector<1x16xf32> to vector<16xf32>
        %parallel_loop3A_106 = arith.index_cast %parallel_loop3A_31 : i32 to index
        %parallel_loop3A_107 = arith.constant 80 : index
        %parallel_loop3A_108 = tpu.vector_load %arg10[%parallel_loop3A_106, %parallel_loop3A_107] {strides = array<i32>} : memref<80x128xf32, #tpu.memory_space<vmem>>, vector<1x16xf32>,
        %parallel_loop3A_109 = vector.shape_cast %parallel_loop3A_108 : vector<1x16xf32> to vector<16xf32>
        %parallel_loop3A_110 = arith.addf %parallel_loop3A_105, %parallel_loop3A_109 : vector<16xf32>
        %parallel_loop3A_111 = arith.index_cast %parallel_loop3A_31 : i32 to index
        %parallel_loop3A_112 = arith.constant 80 : index
        %parallel_loop3A_113 = tpu.vector_load %arg9[%parallel_loop3A_111, %parallel_loop3A_112] {strides = array<i32>} : memref<80x128xf32, #tpu.memory_space<vmem>>, vector<1x16xf32>,
        %parallel_loop3A_114 = vector.shape_cast %parallel_loop3A_113 : vector<1x16xf32> to vector<16xf32>
        %parallel_loop3A_115 = vector.shape_cast %parallel_loop3A_110 : vector<16xf32> to vector<1x16xf32>
        tpu.vector_store %arg9[%parallel_loop3A_111, %parallel_loop3A_112], %parallel_loop3A_115 {strides = array<i32>} : memref<80x128xf32, #tpu.memory_space<vmem>>, vector<1x16xf32>,
        %parallel_loop3A_116 = arith.index_cast %parallel_loop3A_31 : i32 to index
        %parallel_loop3A_117 = arith.constant 96 : index
        %parallel_loop3A_118 = tpu.vector_load %arg9[%parallel_loop3A_116, %parallel_loop3A_117] {strides = array<i32>} : memref<80x128xf32, #tpu.memory_space<vmem>>, vector<1x16xf32>,
        %parallel_loop3A_119 = vector.shape_cast %parallel_loop3A_118 : vector<1x16xf32> to vector<16xf32>
        %parallel_loop3A_120 = arith.index_cast %parallel_loop3A_31 : i32 to index
        %parallel_loop3A_121 = arith.constant 96 : index
        %parallel_loop3A_122 = tpu.vector_load %arg10[%parallel_loop3A_120, %parallel_loop3A_121] {strides = array<i32>} : memref<80x128xf32, #tpu.memory_space<vmem>>, vector<1x16xf32>,
        %parallel_loop3A_123 = vector.shape_cast %parallel_loop3A_122 : vector<1x16xf32> to vector<16xf32>
        %parallel_loop3A_124 = arith.addf %parallel_loop3A_119, %parallel_loop3A_123 : vector<16xf32>
        %parallel_loop3A_125 = arith.index_cast %parallel_loop3A_31 : i32 to index
        %parallel_loop3A_126 = arith.constant 96 : index
        %parallel_loop3A_127 = tpu.vector_load %arg9[%parallel_loop3A_125, %parallel_loop3A_126] {strides = array<i32>} : memref<80x128xf32, #tpu.memory_space<vmem>>, vector<1x16xf32>,
        %parallel_loop3A_128 = vector.shape_cast %parallel_loop3A_127 : vector<1x16xf32> to vector<16xf32>
        %parallel_loop3A_129 = vector.shape_cast %parallel_loop3A_124 : vector<16xf32> to vector<1x16xf32>
        tpu.vector_store %arg9[%parallel_loop3A_125, %parallel_loop3A_126], %parallel_loop3A_129 {strides = array<i32>} : memref<80x128xf32, #tpu.memory_space<vmem>>, vector<1x16xf32>,
        %parallel_loop3A_130 = arith.index_cast %parallel_loop3A_31 : i32 to index
        %parallel_loop3A_131 = arith.constant 112 : index
        %parallel_loop3A_132 = tpu.vector_load %arg9[%parallel_loop3A_130, %parallel_loop3A_131] {strides = array<i32>} : memref<80x128xf32, #tpu.memory_space<vmem>>, vector<1x16xf32>,
        %parallel_loop3A_133 = vector.shape_cast %parallel_loop3A_132 : vector<1x16xf32> to vector<16xf32>
        %parallel_loop3A_134 = arith.index_cast %parallel_loop3A_31 : i32 to index
        %parallel_loop3A_135 = arith.constant 112 : index
        %parallel_loop3A_136 = tpu.vector_load %arg10[%parallel_loop3A_134, %parallel_loop3A_135] {strides = array<i32>} : memref<80x128xf32, #tpu.memory_space<vmem>>, vector<1x16xf32>,
        %parallel_loop3A_137 = vector.shape_cast %parallel_loop3A_136 : vector<1x16xf32> to vector<16xf32>
        %parallel_loop3A_138 = arith.addf %parallel_loop3A_133, %parallel_loop3A_137 : vector<16xf32>
        %parallel_loop3A_139 = arith.index_cast %parallel_loop3A_31 : i32 to index
        %parallel_loop3A_140 = arith.constant 112 : index
        %parallel_loop3A_141 = tpu.vector_load %arg9[%parallel_loop3A_139, %parallel_loop3A_140] {strides = array<i32>} : memref<80x128xf32, #tpu.memory_space<vmem>>, vector<1x16xf32>,
        %parallel_loop3A_142 = vector.shape_cast %parallel_loop3A_141 : vector<1x16xf32> to vector<16xf32>
        %parallel_loop3A_143 = vector.shape_cast %parallel_loop3A_138 : vector<16xf32> to vector<1x16xf32>
        tpu.vector_store %arg9[%parallel_loop3A_139, %parallel_loop3A_140], %parallel_loop3A_143 {strides = array<i32>} : memref<80x128xf32, #tpu.memory_space<vmem>>, vector<1x16xf32>,
      } {sc.loop_unroll_factor = 2 : i64, sc.parallel_access}
      %add3A_29 = arith.addi %mul3A_2, %mul3A_12 : i32
      "tpu.region"() ({
        %run_scoped3A = tpu.sem_alloc : memref<!tpu.dma_semaphore, #tpu.memory_space<semaphore_mem>>
        %dma_start3A_31 = arith.constant 0 : i32
        %dma_start3A_32 = tpu.memref_slice %arg6[%add3A_29, %dma_start3A_31] : memref<320000x128xf32, #tpu.memory_space<hbm>> -> memref<80x128xf32, #tpu.memory_space<hbm>>
        %dma_start3A_33 = arith.constant 0 : i32
        %dma_start3A_34 = tpu.memref_slice %arg6[%add3A_29, %dma_start3A_33] : memref<320000x128xf32, #tpu.memory_space<hbm>> -> memref<80x128xf32, #tpu.memory_space<hbm>>
        tpu.enqueue_dma source(%arg9 : memref<80x128xf32, #tpu.memory_space<vmem>>) target(%dma_start3A_34 : memref<80x128xf32, #tpu.memory_space<hbm>>) target_semaphore(%run_scoped3A : memref<!tpu.dma_semaphore, #tpu.memory_space<semaphore_mem>>)
        %dma_wait3A_35 = arith.constant 0 : i32
        %dma_wait3A_36 = tpu.memref_slice %arg6[%add3A_29, %dma_wait3A_35] : memref<320000x128xf32, #tpu.memory_space<hbm>> -> memref<80x128xf32, #tpu.memory_space<hbm>>
        %dma_wait3A_37 = arith.constant 0 : i32
        %dma_wait3A_38 = tpu.memref_slice %arg6[%add3A_29, %dma_wait3A_37] : memref<320000x128xf32, #tpu.memory_space<hbm>> -> memref<80x128xf32, #tpu.memory_space<hbm>>
        tpu.wait_dma2 semaphore(%run_scoped3A : memref<!tpu.dma_semaphore, #tpu.memory_space<semaphore_mem>>) src(%arg9 : memref<80x128xf32, #tpu.memory_space<vmem>>) dst(%dma_wait3A_38 : memref<80x128xf32, #tpu.memory_space<hbm>>)
        tpu.yield
      }) : () -> ()
      %scan3A_30 = arith.constant 0 : i32
      scf.yield %scan3A_30 : i32
    }
    %scan3A_8 = arith.constant 125 : i32
    return
  }
}

#map = affine_map<(d0, d1) -> (0)>
#map1 = affine_map<(d0, d1) -> (0, 0)>
module attributes {stable_mosaic.version = 14 : i64} {
  func.func @k(%arg0: i32, %arg1: i32, %arg2: memref<110592xi32, #tpu.memory_space<hbm>>, %arg3: memref<110592xi32, #tpu.memory_space<hbm>>, %arg4: memref<20000x128xf32, #tpu.memory_space<hbm>>, %arg5: memref<1000x128xf32, #tpu.memory_space<hbm>>, %arg6: memref<320000x128xf32, #tpu.memory_space<hbm>>, %arg7: memref<6912xi32, #tpu.memory_space<vmem>>, %arg8: memref<6912xi32, #tpu.memory_space<vmem>>, %arg9: memref<7040xi32, #tpu.memory_space<vmem>>, %arg10: memref<7040xi32, #tpu.memory_space<vmem>>, %arg11: memref<64xi32, #tpu.memory_space<vmem>>, %arg12: memref<64x128xf32, #tpu.memory_space<vmem>>, %arg13: memref<64x128xf32, #tpu.memory_space<vmem>>, %arg14: memref<!tpu.dma_semaphore, #tpu.memory_space<semaphore_mem>>, %arg15: memref<!tpu.dma_semaphore, #tpu.memory_space<semaphore_mem>>, %arg16: memref<!tpu.dma_semaphore, #tpu.memory_space<semaphore_mem>>, %arg17: memref<!tpu.dma_semaphore, #tpu.memory_space<semaphore_mem>>, %arg18: memref<8008x128xf32, #tpu.memory_space<vmem_shared>>) attributes {dimension_semantics = [#tpu.dimension_semantics<core_parallel>, #tpu.dimension_semantics<subcore_parallel>], iteration_bounds = array<i64: 2, 16>, scalar_prefetch = 0 : i64, scratch_operands = 12 : i64, tpu.core_type = #tpu.core_type<sc_vector_subcore>, window_params = [{transform_indices = #map}, {transform_indices = #map}, {transform_indices = #map1}, {transform_indices = #map1}, {transform_indices = #map1}]} {
    %mul3A = arith.constant 6912 : i32
    %mul3A_0 = arith.muli %arg1, %mul3A : i32
    "tpu.region"() ({
      %run_scoped3A = tpu.sem_alloc : memref<!tpu.dma_semaphore, #tpu.memory_space<semaphore_mem>>
      %dma_start3A = tpu.memref_slice %arg2[%mul3A_0] : memref<110592xi32, #tpu.memory_space<hbm>> -> memref<6912xi32, #tpu.memory_space<hbm>>
      %dma_start3A_14 = tpu.memref_slice %arg2[%mul3A_0] : memref<110592xi32, #tpu.memory_space<hbm>> -> memref<6912xi32, #tpu.memory_space<hbm>>
      tpu.enqueue_dma source(%dma_start3A_14 : memref<6912xi32, #tpu.memory_space<hbm>>) target(%arg7 : memref<6912xi32, #tpu.memory_space<vmem>>) target_semaphore(%run_scoped3A : memref<!tpu.dma_semaphore, #tpu.memory_space<semaphore_mem>>)
      %dma_wait3A = tpu.memref_slice %arg2[%mul3A_0] : memref<110592xi32, #tpu.memory_space<hbm>> -> memref<6912xi32, #tpu.memory_space<hbm>>
      %dma_wait3A_15 = tpu.memref_slice %arg2[%mul3A_0] : memref<110592xi32, #tpu.memory_space<hbm>> -> memref<6912xi32, #tpu.memory_space<hbm>>
      tpu.wait_dma2 semaphore(%run_scoped3A : memref<!tpu.dma_semaphore, #tpu.memory_space<semaphore_mem>>) src(%dma_wait3A_15 : memref<6912xi32, #tpu.memory_space<hbm>>) dst(%arg7 : memref<6912xi32, #tpu.memory_space<vmem>>)
      tpu.yield
    }) : () -> ()
    %mul3A_1 = arith.constant 6912 : i32
    %mul3A_2 = arith.muli %arg1, %mul3A_1 : i32
    "tpu.region"() ({
      %run_scoped3A = tpu.sem_alloc : memref<!tpu.dma_semaphore, #tpu.memory_space<semaphore_mem>>
      %dma_start3A = tpu.memref_slice %arg3[%mul3A_2] : memref<110592xi32, #tpu.memory_space<hbm>> -> memref<6912xi32, #tpu.memory_space<hbm>>
      %dma_start3A_14 = tpu.memref_slice %arg3[%mul3A_2] : memref<110592xi32, #tpu.memory_space<hbm>> -> memref<6912xi32, #tpu.memory_space<hbm>>
      tpu.enqueue_dma source(%dma_start3A_14 : memref<6912xi32, #tpu.memory_space<hbm>>) target(%arg8 : memref<6912xi32, #tpu.memory_space<vmem>>) target_semaphore(%run_scoped3A : memref<!tpu.dma_semaphore, #tpu.memory_space<semaphore_mem>>)
      %dma_wait3A = tpu.memref_slice %arg3[%mul3A_2] : memref<110592xi32, #tpu.memory_space<hbm>> -> memref<6912xi32, #tpu.memory_space<hbm>>
      %dma_wait3A_15 = tpu.memref_slice %arg3[%mul3A_2] : memref<110592xi32, #tpu.memory_space<hbm>> -> memref<6912xi32, #tpu.memory_space<hbm>>
      tpu.wait_dma2 semaphore(%run_scoped3A : memref<!tpu.dma_semaphore, #tpu.memory_space<semaphore_mem>>) src(%dma_wait3A_15 : memref<6912xi32, #tpu.memory_space<hbm>>) dst(%arg8 : memref<6912xi32, #tpu.memory_space<vmem>>)
      tpu.yield
    }) : () -> ()
    %iota3A = tpu.iota {dimensions = array<i32: 0>} : vector<16xi32>
    %broadcast_in_dim3A = arith.constant 0 : i32
    %broadcast_in_dim3A_3 = vector.broadcast %broadcast_in_dim3A : i32 to vector<16xi32>
    %broadcast_in_dim3A_4 = arith.constant 8000 : i32
    %broadcast_in_dim3A_5 = vector.broadcast %broadcast_in_dim3A_4 : i32 to vector<16xi32>
    %mul3A_6 = arith.constant 6912 : i32
    %mul3A_7 = arith.muli %arg1, %mul3A_6 : i32
    %scan3A = arith.constant 0 : i32
    %scan3A_8 = arith.constant 0 : i32
    %scan3A_9 = arith.constant 20 : i32
    %scan3A_10 = arith.addi %scan3A_8, %scan3A_9 : i32
    %scan3A_11 = arith.constant 1 : i32
    %scan3A_12 = scf.for %scan3A_14 = %scan3A_8 to %scan3A_10 step %scan3A_11 iter_args(%scan3A_15 = %scan3A) -> (i32)  : i32 {
      %mul3A_16 = arith.constant 20 : i32
      %mul3A_17 = arith.muli %arg0, %mul3A_16 : i32
      %add3A = arith.addi %mul3A_17, %scan3A_14 : i32
      %mul3A_18 = arith.constant 8000 : i32
      %mul3A_19 = arith.muli %add3A, %mul3A_18 : i32
      %add3A_20 = arith.constant 8000 : i32
      %add3A_21 = arith.addi %mul3A_19, %add3A_20 : i32
      %lt3A = arith.constant 8 : i32
      %lt3A_22 = arith.cmpi slt, %arg1, %lt3A : i32
      %convert_element_type3A = arith.extui %lt3A_22 : i1 to i32
      %cond3A = arith.constant 0 : i32
      %cond3A_23 = arith.cmpi ne, %convert_element_type3A, %cond3A : i32
      scf.if %cond3A_23 {
        %mul3A_98 = arith.constant 1000 : i32
        %mul3A_99 = arith.muli %arg1, %mul3A_98 : i32
        "tpu.region"() ({
          %run_scoped3A = tpu.sem_alloc : memref<!tpu.dma_semaphore, #tpu.memory_space<semaphore_mem>>
          %dma_start3A = arith.constant 0 : i32
          %dma_start3A_100 = tpu.memref_slice %arg18[%mul3A_99, %dma_start3A] : memref<8008x128xf32, #tpu.memory_space<vmem_shared>> -> memref<1000x128xf32, #tpu.memory_space<vmem_shared>>
          tpu.enqueue_dma source(%arg5 : memref<1000x128xf32, #tpu.memory_space<hbm>>) target(%dma_start3A_100 : memref<1000x128xf32, #tpu.memory_space<vmem_shared>>) target_semaphore(%run_scoped3A : memref<!tpu.dma_semaphore, #tpu.memory_space<semaphore_mem>>)
          %dma_wait3A = arith.constant 0 : i32
          %dma_wait3A_101 = tpu.memref_slice %arg18[%mul3A_99, %dma_wait3A] : memref<8008x128xf32, #tpu.memory_space<vmem_shared>> -> memref<1000x128xf32, #tpu.memory_space<vmem_shared>>
          tpu.wait_dma2 semaphore(%run_scoped3A : memref<!tpu.dma_semaphore, #tpu.memory_space<semaphore_mem>>) src(%arg5 : memref<1000x128xf32, #tpu.memory_space<hbm>>) dst(%dma_wait3A_101 : memref<1000x128xf32, #tpu.memory_space<vmem_shared>>)
          tpu.yield
        }) : () -> ()
      } else {
      }
      %barrier3A = arith.constant 0 : index
      tpu.barrier barrier_id(%barrier3A)
      %parallel_loop3A = arith.constant 0 : i32
      %parallel_loop3A_24 = arith.constant 432 : i32
      %parallel_loop3A_25 = arith.constant 1 : i32
      %parallel_loop3A_26 = arith.constant 0 : i32
      %parallel_loop3A_27 = scf.for %parallel_loop3A_98 = %parallel_loop3A to %parallel_loop3A_24 step %parallel_loop3A_25 iter_args(%parallel_loop3A_99 = %parallel_loop3A_26) -> (i32)  : i32 {
        %parallel_loop3A_100 = arith.constant 16 : i32
        %parallel_loop3A_101 = arith.muli %parallel_loop3A_98, %parallel_loop3A_100 : i32
        %parallel_loop3A_102 = arith.index_cast %parallel_loop3A_101 : i32 to index
        %parallel_loop3A_103 = tpu.vector_load %arg8[%parallel_loop3A_102] {strides = array<i32>} : memref<6912xi32, #tpu.memory_space<vmem>>, vector<16xi32>,
        %parallel_loop3A_104 = arith.constant 16 : i32
        %parallel_loop3A_105 = arith.muli %parallel_loop3A_98, %parallel_loop3A_104 : i32
        %parallel_loop3A_106 = arith.index_cast %parallel_loop3A_105 : i32 to index
        %parallel_loop3A_107 = tpu.vector_load %arg7[%parallel_loop3A_106] {strides = array<i32>} : memref<6912xi32, #tpu.memory_space<vmem>>, vector<16xi32>,
        %parallel_loop3A_108 = vector.broadcast %mul3A_19 : i32 to vector<16xi32>
        %parallel_loop3A_109 = arith.cmpi sge, %parallel_loop3A_103, %parallel_loop3A_108 : vector<16xi32>
        %parallel_loop3A_110 = vector.broadcast %add3A_21 : i32 to vector<16xi32>
        %parallel_loop3A_111 = arith.cmpi slt, %parallel_loop3A_103, %parallel_loop3A_110 : vector<16xi32>
        %parallel_loop3A_112 = arith.andi %parallel_loop3A_109, %parallel_loop3A_111 : vector<16xi1>
        %parallel_loop3A_113 = arith.index_cast %parallel_loop3A_99 : i32 to index
        %parallel_loop3A_114 = tpu.vector_load %arg9[%parallel_loop3A_113] masked %parallel_loop3A_112 {strides = array<i32>} : memref<7040xi32, #tpu.memory_space<vmem>>, vector<16xi32>, vector<16xi1>
        tpu.vector_store %arg9[%parallel_loop3A_113], %parallel_loop3A_107 masked %parallel_loop3A_112 {strides = array<i32>} : memref<7040xi32, #tpu.memory_space<vmem>>, vector<16xi32>, vector<16xi1>
        %parallel_loop3A_115 = vector.broadcast %mul3A_19 : i32 to vector<16xi32>
        %parallel_loop3A_116 = arith.subi %parallel_loop3A_103, %parallel_loop3A_115 : vector<16xi32>
        %parallel_loop3A_117 = arith.index_cast %parallel_loop3A_99 : i32 to index
        %parallel_loop3A_118 = tpu.vector_load %arg10[%parallel_loop3A_117] masked %parallel_loop3A_112 {strides = array<i32>} : memref<7040xi32, #tpu.memory_space<vmem>>, vector<16xi32>, vector<16xi1>
        tpu.vector_store %arg10[%parallel_loop3A_117], %parallel_loop3A_116 masked %parallel_loop3A_112 {strides = array<i32>} : memref<7040xi32, #tpu.memory_space<vmem>>, vector<16xi32>, vector<16xi1>
        %parallel_loop3A_119 = tpu.all_reduce %parallel_loop3A_112 {dim = 0 : i64, kind = #tpu.reduction_kind<sum>} : vector<16xi1> -> vector<16xi32>
        %parallel_loop3A_120 = vector.extract_strided_slice %parallel_loop3A_119 {offsets = [0], sizes = [1], strides = [1]} : vector<16xi32> to vector<1xi32>
        %parallel_loop3A_121 = vector.extract %parallel_loop3A_120[0] : i32 from vector<1xi32>
        %parallel_loop3A_122 = arith.addi %parallel_loop3A_99, %parallel_loop3A_121 : i32
        scf.yield %parallel_loop3A_122 : i32
      } {sc.loop_unroll_factor = 4 : i64, sc.parallel_access}
      %add3A_28 = arith.constant 0 : i32
      %add3A_29 = arith.addi %parallel_loop3A_27, %add3A_28 : i32
      %add3A_30 = vector.broadcast %add3A_29 : i32 to vector<16xi32>
      %add3A_31 = arith.addi %add3A_30, %iota3A : vector<16xi32>
      tpu.vector_store_idx %arg9[%add3A_31], %broadcast_in_dim3A_3 : memref<7040xi32, #tpu.memory_space<vmem>>[vector<16xi32>], vector<16xi32>,
      tpu.vector_store_idx %arg10[%add3A_31], %broadcast_in_dim3A_5 : memref<7040xi32, #tpu.memory_space<vmem>>[vector<16xi32>], vector<16xi32>,
      %add3A_32 = arith.constant 16 : i32
      %add3A_33 = arith.addi %parallel_loop3A_27, %add3A_32 : i32
      %add3A_34 = vector.broadcast %add3A_33 : i32 to vector<16xi32>
      %add3A_35 = arith.addi %add3A_34, %iota3A : vector<16xi32>
      tpu.vector_store_idx %arg9[%add3A_35], %broadcast_in_dim3A_3 : memref<7040xi32, #tpu.memory_space<vmem>>[vector<16xi32>], vector<16xi32>,
      tpu.vector_store_idx %arg10[%add3A_35], %broadcast_in_dim3A_5 : memref<7040xi32, #tpu.memory_space<vmem>>[vector<16xi32>], vector<16xi32>,
      %add3A_36 = arith.constant 32 : i32
      %add3A_37 = arith.addi %parallel_loop3A_27, %add3A_36 : i32
      %add3A_38 = vector.broadcast %add3A_37 : i32 to vector<16xi32>
      %add3A_39 = arith.addi %add3A_38, %iota3A : vector<16xi32>
      tpu.vector_store_idx %arg9[%add3A_39], %broadcast_in_dim3A_3 : memref<7040xi32, #tpu.memory_space<vmem>>[vector<16xi32>], vector<16xi32>,
      tpu.vector_store_idx %arg10[%add3A_39], %broadcast_in_dim3A_5 : memref<7040xi32, #tpu.memory_space<vmem>>[vector<16xi32>], vector<16xi32>,
      %add3A_40 = arith.constant 48 : i32
      %add3A_41 = arith.addi %parallel_loop3A_27, %add3A_40 : i32
      %add3A_42 = vector.broadcast %add3A_41 : i32 to vector<16xi32>
      %add3A_43 = arith.addi %add3A_42, %iota3A : vector<16xi32>
      tpu.vector_store_idx %arg9[%add3A_43], %broadcast_in_dim3A_3 : memref<7040xi32, #tpu.memory_space<vmem>>[vector<16xi32>], vector<16xi32>,
      tpu.vector_store_idx %arg10[%add3A_43], %broadcast_in_dim3A_5 : memref<7040xi32, #tpu.memory_space<vmem>>[vector<16xi32>], vector<16xi32>,
      %add3A_44 = arith.constant 64 : i32
      %add3A_45 = arith.addi %parallel_loop3A_27, %add3A_44 : i32
      %add3A_46 = vector.broadcast %add3A_45 : i32 to vector<16xi32>
      %add3A_47 = arith.addi %add3A_46, %iota3A : vector<16xi32>
      tpu.vector_store_idx %arg9[%add3A_47], %broadcast_in_dim3A_3 : memref<7040xi32, #tpu.memory_space<vmem>>[vector<16xi32>], vector<16xi32>,
      tpu.vector_store_idx %arg10[%add3A_47], %broadcast_in_dim3A_5 : memref<7040xi32, #tpu.memory_space<vmem>>[vector<16xi32>], vector<16xi32>,
      %add3A_48 = arith.constant 80 : i32
      %add3A_49 = arith.addi %parallel_loop3A_27, %add3A_48 : i32
      %add3A_50 = vector.broadcast %add3A_49 : i32 to vector<16xi32>
      %add3A_51 = arith.addi %add3A_50, %iota3A : vector<16xi32>
      tpu.vector_store_idx %arg9[%add3A_51], %broadcast_in_dim3A_3 : memref<7040xi32, #tpu.memory_space<vmem>>[vector<16xi32>], vector<16xi32>,
      tpu.vector_store_idx %arg10[%add3A_51], %broadcast_in_dim3A_5 : memref<7040xi32, #tpu.memory_space<vmem>>[vector<16xi32>], vector<16xi32>,
      %add3A_52 = arith.constant 96 : i32
      %add3A_53 = arith.addi %parallel_loop3A_27, %add3A_52 : i32
      %add3A_54 = vector.broadcast %add3A_53 : i32 to vector<16xi32>
      %add3A_55 = arith.addi %add3A_54, %iota3A : vector<16xi32>
      tpu.vector_store_idx %arg9[%add3A_55], %broadcast_in_dim3A_3 : memref<7040xi32, #tpu.memory_space<vmem>>[vector<16xi32>], vector<16xi32>,
      tpu.vector_store_idx %arg10[%add3A_55], %broadcast_in_dim3A_5 : memref<7040xi32, #tpu.memory_space<vmem>>[vector<16xi32>], vector<16xi32>,
      %add3A_56 = arith.constant 112 : i32
      %add3A_57 = arith.addi %parallel_loop3A_27, %add3A_56 : i32
      %add3A_58 = vector.broadcast %add3A_57 : i32 to vector<16xi32>
      %add3A_59 = arith.addi %add3A_58, %iota3A : vector<16xi32>
      tpu.vector_store_idx %arg9[%add3A_59], %broadcast_in_dim3A_3 : memref<7040xi32, #tpu.memory_space<vmem>>[vector<16xi32>], vector<16xi32>,
      tpu.vector_store_idx %arg10[%add3A_59], %broadcast_in_dim3A_5 : memref<7040xi32, #tpu.memory_space<vmem>>[vector<16xi32>], vector<16xi32>,
      %add3A_60 = arith.constant 128 : i32
      %add3A_61 = arith.addi %parallel_loop3A_27, %add3A_60 : i32
      %sub3A = arith.constant 1 : i32
      %sub3A_62 = arith.subi %add3A_61, %sub3A : i32
      %jit3A = arith.constant 128 : i32
      %div3A = arith.divsi %sub3A_62, %jit3A : i32
      %sign3A = arith.constant 0 : i32
      %sign3A_63 = arith.cmpi sgt, %sub3A_62, %sign3A : i32
      %sign3A_64 = arith.extui %sign3A_63 : i1 to i32
      %sign3A_65 = arith.constant 0 : i32
      %sign3A_66 = arith.cmpi slt, %sub3A_62, %sign3A_65 : i32
      %sign3A_67 = arith.extui %sign3A_66 : i1 to i32
      %sign3A_68 = arith.subi %sign3A_64, %sign3A_67 : i32
      %sign3A_69 = arith.constant 0 : i32
      %sign3A_70 = arith.cmpi sgt, %jit3A, %sign3A_69 : i32
      %sign3A_71 = arith.extui %sign3A_70 : i1 to i32
      %sign3A_72 = arith.constant 0 : i32
      %sign3A_73 = arith.cmpi slt, %jit3A, %sign3A_72 : i32
      %sign3A_74 = arith.extui %sign3A_73 : i1 to i32
      %sign3A_75 = arith.subi %sign3A_71, %sign3A_74 : i32
      %ne3A = arith.cmpi ne, %sign3A_68, %sign3A_75 : i32
      %rem3A = arith.remsi %sub3A_62, %jit3A : i32
      %ne3A_76 = arith.constant 0 : i32
      %ne3A_77 = arith.cmpi ne, %rem3A, %ne3A_76 : i32
      %and3A = arith.andi %ne3A, %ne3A_77 : i1
      %sub3A_78 = arith.constant 1 : i32
      %sub3A_79 = arith.subi %div3A, %sub3A_78 : i32
      %select_n3A = arith.select %and3A, %sub3A_79, %div3A : i32
      %while3A = arith.constant 0 : i32
      %while3A_80 = arith.constant 0 : i32
      %while3A_81 = arith.subi %select_n3A, %while3A : i32
      %while3A_82 = arith.addi %while3A, %while3A_81 : i32
      %while3A_83 = arith.constant 1 : i32
      %while3A_84 = arith.divsi %while3A_81, %while3A_83 : i32
      %while3A_85 = arith.muli %while3A_84, %while3A_83 : i32
      %while3A_86 = arith.addi %while3A, %while3A_85 : i32
      %while3A_87 = arith.constant 1 : i32
      %while3A_88 = scf.for %while3A_98 = %while3A to %while3A_86 step %while3A_87 iter_args(%while3A_99 = %while3A_80) -> (i32)  : i32 {
        %mul3A_100 = arith.constant 128 : i32
        %mul3A_101 = arith.muli %while3A_98, %mul3A_100 : i32
        %add3A_102 = arith.constant 64 : i32
        %add3A_103 = arith.addi %mul3A_101, %add3A_102 : i32
        %dma_start3A = tpu.memref_slice %arg9[%mul3A_101] : memref<7040xi32, #tpu.memory_space<vmem>> -> memref<64xi32, #tpu.memory_space<vmem>>
        %dma_start3A_104 = arith.constant 0 : i32
        %dma_start3A_105 = arith.constant 0 : i32
        %dma_start3A_106 = tpu.memref_slice %arg4[%dma_start3A_104, %dma_start3A_105] : memref<20000x128xf32, #tpu.memory_space<hbm>> -> memref<20000x128xf32, #tpu.memory_space<hbm>>
        tpu.enqueue_indirect_dma source(%dma_start3A_106 : memref<20000x128xf32, #tpu.memory_space<hbm>>) target(%arg12 : memref<64x128xf32, #tpu.memory_space<vmem>>) offsets(%dma_start3A : memref<64xi32, #tpu.memory_space<vmem>>) semaphore(%arg14 : memref<!tpu.dma_semaphore, #tpu.memory_space<semaphore_mem>>)
        %dma_start3A_107 = tpu.memref_slice %arg9[%add3A_103] : memref<7040xi32, #tpu.memory_space<vmem>> -> memref<64xi32, #tpu.memory_space<vmem>>
        %dma_start3A_108 = arith.constant 0 : i32
        %dma_start3A_109 = arith.constant 0 : i32
        %dma_start3A_110 = tpu.memref_slice %arg4[%dma_start3A_108, %dma_start3A_109] : memref<20000x128xf32, #tpu.memory_space<hbm>> -> memref<20000x128xf32, #tpu.memory_space<hbm>>
        tpu.enqueue_indirect_dma source(%dma_start3A_110 : memref<20000x128xf32, #tpu.memory_space<hbm>>) target(%arg13 : memref<64x128xf32, #tpu.memory_space<vmem>>) offsets(%dma_start3A_107 : memref<64xi32, #tpu.memory_space<vmem>>) semaphore(%arg15 : memref<!tpu.dma_semaphore, #tpu.memory_space<semaphore_mem>>)
        %add3A_111 = arith.constant 0 : i32
        %add3A_112 = arith.addi %mul3A_101, %add3A_111 : i32
        %get3A = arith.index_cast %add3A_112 : i32 to index
        %get3A_113 = tpu.vector_load %arg10[%get3A] {strides = array<i32>} : memref<7040xi32, #tpu.memory_space<vmem>>, vector<16xi32>,
        %swap3A = arith.constant 0 : index
        %swap3A_114 = tpu.vector_load %arg11[%swap3A] {strides = array<i32>} : memref<64xi32, #tpu.memory_space<vmem>>, vector<16xi32>,
        tpu.vector_store %arg11[%swap3A], %get3A_113 {strides = array<i32>} : memref<64xi32, #tpu.memory_space<vmem>>, vector<16xi32>,
        %add3A_115 = arith.constant 16 : i32
        %add3A_116 = arith.addi %mul3A_101, %add3A_115 : i32
        %get3A_117 = arith.index_cast %add3A_116 : i32 to index
        %get3A_118 = tpu.vector_load %arg10[%get3A_117] {strides = array<i32>} : memref<7040xi32, #tpu.memory_space<vmem>>, vector<16xi32>,
        %swap3A_119 = arith.constant 16 : index
        %swap3A_120 = tpu.vector_load %arg11[%swap3A_119] {strides = array<i32>} : memref<64xi32, #tpu.memory_space<vmem>>, vector<16xi32>,
        tpu.vector_store %arg11[%swap3A_119], %get3A_118 {strides = array<i32>} : memref<64xi32, #tpu.memory_space<vmem>>, vector<16xi32>,
        %add3A_121 = arith.constant 32 : i32
        %add3A_122 = arith.addi %mul3A_101, %add3A_121 : i32
        %get3A_123 = arith.index_cast %add3A_122 : i32 to index
        %get3A_124 = tpu.vector_load %arg10[%get3A_123] {strides = array<i32>} : memref<7040xi32, #tpu.memory_space<vmem>>, vector<16xi32>,
        %swap3A_125 = arith.constant 32 : index
        %swap3A_126 = tpu.vector_load %arg11[%swap3A_125] {strides = array<i32>} : memref<64xi32, #tpu.memory_space<vmem>>, vector<16xi32>,
        tpu.vector_store %arg11[%swap3A_125], %get3A_124 {strides = array<i32>} : memref<64xi32, #tpu.memory_space<vmem>>, vector<16xi32>,
        %add3A_127 = arith.constant 48 : i32
        %add3A_128 = arith.addi %mul3A_101, %add3A_127 : i32
        %get3A_129 = arith.index_cast %add3A_128 : i32 to index
        %get3A_130 = tpu.vector_load %arg10[%get3A_129] {strides = array<i32>} : memref<7040xi32, #tpu.memory_space<vmem>>, vector<16xi32>,
        %swap3A_131 = arith.constant 48 : index
        %swap3A_132 = tpu.vector_load %arg11[%swap3A_131] {strides = array<i32>} : memref<64xi32, #tpu.memory_space<vmem>>, vector<16xi32>,
        tpu.vector_store %arg11[%swap3A_131], %get3A_130 {strides = array<i32>} : memref<64xi32, #tpu.memory_space<vmem>>, vector<16xi32>,
        %dma_wait3A = tpu.memref_slice %arg9[%mul3A_101] : memref<7040xi32, #tpu.memory_space<vmem>> -> memref<64xi32, #tpu.memory_space<vmem>>
        %dma_wait3A_133 = arith.constant 0 : i32
        %dma_wait3A_134 = arith.constant 0 : i32
        %dma_wait3A_135 = tpu.memref_slice %arg4[%dma_wait3A_133, %dma_wait3A_134] : memref<20000x128xf32, #tpu.memory_space<hbm>> -> memref<20000x128xf32, #tpu.memory_space<hbm>>
        tpu.wait_indirect_dma semaphore(%arg14 : memref<!tpu.dma_semaphore, #tpu.memory_space<semaphore_mem>>) src(%dma_wait3A_135 : memref<20000x128xf32, #tpu.memory_space<hbm>>) dst(%arg12 : memref<64x128xf32, #tpu.memory_space<vmem>>)
        %dma_start3A_136 = arith.constant 0 : i32
        %dma_start3A_137 = arith.constant 0 : i32
        %dma_start3A_138 = tpu.memref_slice %arg18[%dma_start3A_136, %dma_start3A_137] : memref<8008x128xf32, #tpu.memory_space<vmem_shared>> -> memref<8008x128xf32, #tpu.memory_space<vmem_shared>>
        tpu.enqueue_indirect_dma source(%arg12 : memref<64x128xf32, #tpu.memory_space<vmem>>) target(%dma_start3A_138 : memref<8008x128xf32, #tpu.memory_space<vmem_shared>>) offsets(%arg11 : memref<64xi32, #tpu.memory_space<vmem>>) semaphore(%arg16 : memref<!tpu.dma_semaphore, #tpu.memory_space<semaphore_mem>>) {add = true}
        %dma_wait3A_139 = arith.constant 0 : i32
        %dma_wait3A_140 = arith.constant 0 : i32
        %dma_wait3A_141 = tpu.memref_slice %arg18[%dma_wait3A_139, %dma_wait3A_140] : memref<8008x128xf32, #tpu.memory_space<vmem_shared>> -> memref<8008x128xf32, #tpu.memory_space<vmem_shared>>
        tpu.wait_indirect_dma semaphore(%arg16 : memref<!tpu.dma_semaphore, #tpu.memory_space<semaphore_mem>>) src(%arg12 : memref<64x128xf32, #tpu.memory_space<vmem>>) dst(%dma_wait3A_141 : memref<8008x128xf32, #tpu.memory_space<vmem_shared>>)
        %add3A_142 = arith.constant 0 : i32
        %add3A_143 = arith.addi %add3A_103, %add3A_142 : i32
        %get3A_144 = arith.index_cast %add3A_143 : i32 to index
        %get3A_145 = tpu.vector_load %arg10[%get3A_144] {strides = array<i32>} : memref<7040xi32, #tpu.memory_space<vmem>>, vector<16xi32>,
        %swap3A_146 = arith.constant 0 : index
        %swap3A_147 = tpu.vector_load %arg11[%swap3A_146] {strides = array<i32>} : memref<64xi32, #tpu.memory_space<vmem>>, vector<16xi32>,
        tpu.vector_store %arg11[%swap3A_146], %get3A_145 {strides = array<i32>} : memref<64xi32, #tpu.memory_space<vmem>>, vector<16xi32>,
        %add3A_148 = arith.constant 16 : i32
        %add3A_149 = arith.addi %add3A_103, %add3A_148 : i32
        %get3A_150 = arith.index_cast %add3A_149 : i32 to index
        %get3A_151 = tpu.vector_load %arg10[%get3A_150] {strides = array<i32>} : memref<7040xi32, #tpu.memory_space<vmem>>, vector<16xi32>,
        %swap3A_152 = arith.constant 16 : index
        %swap3A_153 = tpu.vector_load %arg11[%swap3A_152] {strides = array<i32>} : memref<64xi32, #tpu.memory_space<vmem>>, vector<16xi32>,
        tpu.vector_store %arg11[%swap3A_152], %get3A_151 {strides = array<i32>} : memref<64xi32, #tpu.memory_space<vmem>>, vector<16xi32>,
        %add3A_154 = arith.constant 32 : i32
        %add3A_155 = arith.addi %add3A_103, %add3A_154 : i32
        %get3A_156 = arith.index_cast %add3A_155 : i32 to index
        %get3A_157 = tpu.vector_load %arg10[%get3A_156] {strides = array<i32>} : memref<7040xi32, #tpu.memory_space<vmem>>, vector<16xi32>,
        %swap3A_158 = arith.constant 32 : index
        %swap3A_159 = tpu.vector_load %arg11[%swap3A_158] {strides = array<i32>} : memref<64xi32, #tpu.memory_space<vmem>>, vector<16xi32>,
        tpu.vector_store %arg11[%swap3A_158], %get3A_157 {strides = array<i32>} : memref<64xi32, #tpu.memory_space<vmem>>, vector<16xi32>,
        %add3A_160 = arith.constant 48 : i32
        %add3A_161 = arith.addi %add3A_103, %add3A_160 : i32
        %get3A_162 = arith.index_cast %add3A_161 : i32 to index
        %get3A_163 = tpu.vector_load %arg10[%get3A_162] {strides = array<i32>} : memref<7040xi32, #tpu.memory_space<vmem>>, vector<16xi32>,
        %swap3A_164 = arith.constant 48 : index
        %swap3A_165 = tpu.vector_load %arg11[%swap3A_164] {strides = array<i32>} : memref<64xi32, #tpu.memory_space<vmem>>, vector<16xi32>,
        tpu.vector_store %arg11[%swap3A_164], %get3A_163 {strides = array<i32>} : memref<64xi32, #tpu.memory_space<vmem>>, vector<16xi32>,
        %dma_wait3A_166 = tpu.memref_slice %arg9[%add3A_103] : memref<7040xi32, #tpu.memory_space<vmem>> -> memref<64xi32, #tpu.memory_space<vmem>>
        %dma_wait3A_167 = arith.constant 0 : i32
        %dma_wait3A_168 = arith.constant 0 : i32
        %dma_wait3A_169 = tpu.memref_slice %arg4[%dma_wait3A_167, %dma_wait3A_168] : memref<20000x128xf32, #tpu.memory_space<hbm>> -> memref<20000x128xf32, #tpu.memory_space<hbm>>
        tpu.wait_indirect_dma semaphore(%arg15 : memref<!tpu.dma_semaphore, #tpu.memory_space<semaphore_mem>>) src(%dma_wait3A_169 : memref<20000x128xf32, #tpu.memory_space<hbm>>) dst(%arg13 : memref<64x128xf32, #tpu.memory_space<vmem>>)
        %dma_start3A_170 = arith.constant 0 : i32
        %dma_start3A_171 = arith.constant 0 : i32
        %dma_start3A_172 = tpu.memref_slice %arg18[%dma_start3A_170, %dma_start3A_171] : memref<8008x128xf32, #tpu.memory_space<vmem_shared>> -> memref<8008x128xf32, #tpu.memory_space<vmem_shared>>
        tpu.enqueue_indirect_dma source(%arg13 : memref<64x128xf32, #tpu.memory_space<vmem>>) target(%dma_start3A_172 : memref<8008x128xf32, #tpu.memory_space<vmem_shared>>) offsets(%arg11 : memref<64xi32, #tpu.memory_space<vmem>>) semaphore(%arg17 : memref<!tpu.dma_semaphore, #tpu.memory_space<semaphore_mem>>) {add = true}
        %dma_wait3A_173 = arith.constant 0 : i32
        %dma_wait3A_174 = arith.constant 0 : i32
        %dma_wait3A_175 = tpu.memref_slice %arg18[%dma_wait3A_173, %dma_wait3A_174] : memref<8008x128xf32, #tpu.memory_space<vmem_shared>> -> memref<8008x128xf32, #tpu.memory_space<vmem_shared>>
        tpu.wait_indirect_dma semaphore(%arg17 : memref<!tpu.dma_semaphore, #tpu.memory_space<semaphore_mem>>) src(%arg13 : memref<64x128xf32, #tpu.memory_space<vmem>>) dst(%dma_wait3A_175 : memref<8008x128xf32, #tpu.memory_space<vmem_shared>>)
        %while3A_176 = arith.constant 0 : i32
        scf.yield %while3A_176 : i32
      }
      %while3A_89 = arith.constant 1 : i32
      %while3A_90 = scf.for %while3A_98 = %while3A_86 to %while3A_82 step %while3A_89 iter_args(%while3A_99 = %while3A_88) -> (i32)  : i32 {
        %mul3A_100 = arith.constant 128 : i32
        %mul3A_101 = arith.muli %while3A_98, %mul3A_100 : i32
        %add3A_102 = arith.constant 64 : i32
        %add3A_103 = arith.addi %mul3A_101, %add3A_102 : i32
        %dma_start3A = tpu.memref_slice %arg9[%mul3A_101] : memref<7040xi32, #tpu.memory_space<vmem>> -> memref<64xi32, #tpu.memory_space<vmem>>
        %dma_start3A_104 = arith.constant 0 : i32
        %dma_start3A_105 = arith.constant 0 : i32
        %dma_start3A_106 = tpu.memref_slice %arg4[%dma_start3A_104, %dma_start3A_105] : memref<20000x128xf32, #tpu.memory_space<hbm>> -> memref<20000x128xf32, #tpu.memory_space<hbm>>
        tpu.enqueue_indirect_dma source(%dma_start3A_106 : memref<20000x128xf32, #tpu.memory_space<hbm>>) target(%arg12 : memref<64x128xf32, #tpu.memory_space<vmem>>) offsets(%dma_start3A : memref<64xi32, #tpu.memory_space<vmem>>) semaphore(%arg14 : memref<!tpu.dma_semaphore, #tpu.memory_space<semaphore_mem>>)
        %dma_start3A_107 = tpu.memref_slice %arg9[%add3A_103] : memref<7040xi32, #tpu.memory_space<vmem>> -> memref<64xi32, #tpu.memory_space<vmem>>
        %dma_start3A_108 = arith.constant 0 : i32
        %dma_start3A_109 = arith.constant 0 : i32
        %dma_start3A_110 = tpu.memref_slice %arg4[%dma_start3A_108, %dma_start3A_109] : memref<20000x128xf32, #tpu.memory_space<hbm>> -> memref<20000x128xf32, #tpu.memory_space<hbm>>
        tpu.enqueue_indirect_dma source(%dma_start3A_110 : memref<20000x128xf32, #tpu.memory_space<hbm>>) target(%arg13 : memref<64x128xf32, #tpu.memory_space<vmem>>) offsets(%dma_start3A_107 : memref<64xi32, #tpu.memory_space<vmem>>) semaphore(%arg15 : memref<!tpu.dma_semaphore, #tpu.memory_space<semaphore_mem>>)
        %add3A_111 = arith.constant 0 : i32
        %add3A_112 = arith.addi %mul3A_101, %add3A_111 : i32
        %get3A = arith.index_cast %add3A_112 : i32 to index
        %get3A_113 = tpu.vector_load %arg10[%get3A] {strides = array<i32>} : memref<7040xi32, #tpu.memory_space<vmem>>, vector<16xi32>,
        %swap3A = arith.constant 0 : index
        %swap3A_114 = tpu.vector_load %arg11[%swap3A] {strides = array<i32>} : memref<64xi32, #tpu.memory_space<vmem>>, vector<16xi32>,
        tpu.vector_store %arg11[%swap3A], %get3A_113 {strides = array<i32>} : memref<64xi32, #tpu.memory_space<vmem>>, vector<16xi32>,
        %add3A_115 = arith.constant 16 : i32
        %add3A_116 = arith.addi %mul3A_101, %add3A_115 : i32
        %get3A_117 = arith.index_cast %add3A_116 : i32 to index
        %get3A_118 = tpu.vector_load %arg10[%get3A_117] {strides = array<i32>} : memref<7040xi32, #tpu.memory_space<vmem>>, vector<16xi32>,
        %swap3A_119 = arith.constant 16 : index
        %swap3A_120 = tpu.vector_load %arg11[%swap3A_119] {strides = array<i32>} : memref<64xi32, #tpu.memory_space<vmem>>, vector<16xi32>,
        tpu.vector_store %arg11[%swap3A_119], %get3A_118 {strides = array<i32>} : memref<64xi32, #tpu.memory_space<vmem>>, vector<16xi32>,
        %add3A_121 = arith.constant 32 : i32
        %add3A_122 = arith.addi %mul3A_101, %add3A_121 : i32
        %get3A_123 = arith.index_cast %add3A_122 : i32 to index
        %get3A_124 = tpu.vector_load %arg10[%get3A_123] {strides = array<i32>} : memref<7040xi32, #tpu.memory_space<vmem>>, vector<16xi32>,
        %swap3A_125 = arith.constant 32 : index
        %swap3A_126 = tpu.vector_load %arg11[%swap3A_125] {strides = array<i32>} : memref<64xi32, #tpu.memory_space<vmem>>, vector<16xi32>,
        tpu.vector_store %arg11[%swap3A_125], %get3A_124 {strides = array<i32>} : memref<64xi32, #tpu.memory_space<vmem>>, vector<16xi32>,
        %add3A_127 = arith.constant 48 : i32
        %add3A_128 = arith.addi %mul3A_101, %add3A_127 : i32
        %get3A_129 = arith.index_cast %add3A_128 : i32 to index
        %get3A_130 = tpu.vector_load %arg10[%get3A_129] {strides = array<i32>} : memref<7040xi32, #tpu.memory_space<vmem>>, vector<16xi32>,
        %swap3A_131 = arith.constant 48 : index
        %swap3A_132 = tpu.vector_load %arg11[%swap3A_131] {strides = array<i32>} : memref<64xi32, #tpu.memory_space<vmem>>, vector<16xi32>,
        tpu.vector_store %arg11[%swap3A_131], %get3A_130 {strides = array<i32>} : memref<64xi32, #tpu.memory_space<vmem>>, vector<16xi32>,
        %dma_wait3A = tpu.memref_slice %arg9[%mul3A_101] : memref<7040xi32, #tpu.memory_space<vmem>> -> memref<64xi32, #tpu.memory_space<vmem>>
        %dma_wait3A_133 = arith.constant 0 : i32
        %dma_wait3A_134 = arith.constant 0 : i32
        %dma_wait3A_135 = tpu.memref_slice %arg4[%dma_wait3A_133, %dma_wait3A_134] : memref<20000x128xf32, #tpu.memory_space<hbm>> -> memref<20000x128xf32, #tpu.memory_space<hbm>>
        tpu.wait_indirect_dma semaphore(%arg14 : memref<!tpu.dma_semaphore, #tpu.memory_space<semaphore_mem>>) src(%dma_wait3A_135 : memref<20000x128xf32, #tpu.memory_space<hbm>>) dst(%arg12 : memref<64x128xf32, #tpu.memory_space<vmem>>)
        %dma_start3A_136 = arith.constant 0 : i32
        %dma_start3A_137 = arith.constant 0 : i32
        %dma_start3A_138 = tpu.memref_slice %arg18[%dma_start3A_136, %dma_start3A_137] : memref<8008x128xf32, #tpu.memory_space<vmem_shared>> -> memref<8008x128xf32, #tpu.memory_space<vmem_shared>>
        tpu.enqueue_indirect_dma source(%arg12 : memref<64x128xf32, #tpu.memory_space<vmem>>) target(%dma_start3A_138 : memref<8008x128xf32, #tpu.memory_space<vmem_shared>>) offsets(%arg11 : memref<64xi32, #tpu.memory_space<vmem>>) semaphore(%arg16 : memref<!tpu.dma_semaphore, #tpu.memory_space<semaphore_mem>>) {add = true}
        %dma_wait3A_139 = arith.constant 0 : i32
        %dma_wait3A_140 = arith.constant 0 : i32
        %dma_wait3A_141 = tpu.memref_slice %arg18[%dma_wait3A_139, %dma_wait3A_140] : memref<8008x128xf32, #tpu.memory_space<vmem_shared>> -> memref<8008x128xf32, #tpu.memory_space<vmem_shared>>
        tpu.wait_indirect_dma semaphore(%arg16 : memref<!tpu.dma_semaphore, #tpu.memory_space<semaphore_mem>>) src(%arg12 : memref<64x128xf32, #tpu.memory_space<vmem>>) dst(%dma_wait3A_141 : memref<8008x128xf32, #tpu.memory_space<vmem_shared>>)
        %add3A_142 = arith.constant 0 : i32
        %add3A_143 = arith.addi %add3A_103, %add3A_142 : i32
        %get3A_144 = arith.index_cast %add3A_143 : i32 to index
        %get3A_145 = tpu.vector_load %arg10[%get3A_144] {strides = array<i32>} : memref<7040xi32, #tpu.memory_space<vmem>>, vector<16xi32>,
        %swap3A_146 = arith.constant 0 : index
        %swap3A_147 = tpu.vector_load %arg11[%swap3A_146] {strides = array<i32>} : memref<64xi32, #tpu.memory_space<vmem>>, vector<16xi32>,
        tpu.vector_store %arg11[%swap3A_146], %get3A_145 {strides = array<i32>} : memref<64xi32, #tpu.memory_space<vmem>>, vector<16xi32>,
        %add3A_148 = arith.constant 16 : i32
        %add3A_149 = arith.addi %add3A_103, %add3A_148 : i32
        %get3A_150 = arith.index_cast %add3A_149 : i32 to index
        %get3A_151 = tpu.vector_load %arg10[%get3A_150] {strides = array<i32>} : memref<7040xi32, #tpu.memory_space<vmem>>, vector<16xi32>,
        %swap3A_152 = arith.constant 16 : index
        %swap3A_153 = tpu.vector_load %arg11[%swap3A_152] {strides = array<i32>} : memref<64xi32, #tpu.memory_space<vmem>>, vector<16xi32>,
        tpu.vector_store %arg11[%swap3A_152], %get3A_151 {strides = array<i32>} : memref<64xi32, #tpu.memory_space<vmem>>, vector<16xi32>,
        %add3A_154 = arith.constant 32 : i32
        %add3A_155 = arith.addi %add3A_103, %add3A_154 : i32
        %get3A_156 = arith.index_cast %add3A_155 : i32 to index
        %get3A_157 = tpu.vector_load %arg10[%get3A_156] {strides = array<i32>} : memref<7040xi32, #tpu.memory_space<vmem>>, vector<16xi32>,
        %swap3A_158 = arith.constant 32 : index
        %swap3A_159 = tpu.vector_load %arg11[%swap3A_158] {strides = array<i32>} : memref<64xi32, #tpu.memory_space<vmem>>, vector<16xi32>,
        tpu.vector_store %arg11[%swap3A_158], %get3A_157 {strides = array<i32>} : memref<64xi32, #tpu.memory_space<vmem>>, vector<16xi32>,
        %add3A_160 = arith.constant 48 : i32
        %add3A_161 = arith.addi %add3A_103, %add3A_160 : i32
        %get3A_162 = arith.index_cast %add3A_161 : i32 to index
        %get3A_163 = tpu.vector_load %arg10[%get3A_162] {strides = array<i32>} : memref<7040xi32, #tpu.memory_space<vmem>>, vector<16xi32>,
        %swap3A_164 = arith.constant 48 : index
        %swap3A_165 = tpu.vector_load %arg11[%swap3A_164] {strides = array<i32>} : memref<64xi32, #tpu.memory_space<vmem>>, vector<16xi32>,
        tpu.vector_store %arg11[%swap3A_164], %get3A_163 {strides = array<i32>} : memref<64xi32, #tpu.memory_space<vmem>>, vector<16xi32>,
        %dma_wait3A_166 = tpu.memref_slice %arg9[%add3A_103] : memref<7040xi32, #tpu.memory_space<vmem>> -> memref<64xi32, #tpu.memory_space<vmem>>
        %dma_wait3A_167 = arith.constant 0 : i32
        %dma_wait3A_168 = arith.constant 0 : i32
        %dma_wait3A_169 = tpu.memref_slice %arg4[%dma_wait3A_167, %dma_wait3A_168] : memref<20000x128xf32, #tpu.memory_space<hbm>> -> memref<20000x128xf32, #tpu.memory_space<hbm>>
        tpu.wait_indirect_dma semaphore(%arg15 : memref<!tpu.dma_semaphore, #tpu.memory_space<semaphore_mem>>) src(%dma_wait3A_169 : memref<20000x128xf32, #tpu.memory_space<hbm>>) dst(%arg13 : memref<64x128xf32, #tpu.memory_space<vmem>>)
        %dma_start3A_170 = arith.constant 0 : i32
        %dma_start3A_171 = arith.constant 0 : i32
        %dma_start3A_172 = tpu.memref_slice %arg18[%dma_start3A_170, %dma_start3A_171] : memref<8008x128xf32, #tpu.memory_space<vmem_shared>> -> memref<8008x128xf32, #tpu.memory_space<vmem_shared>>
        tpu.enqueue_indirect_dma source(%arg13 : memref<64x128xf32, #tpu.memory_space<vmem>>) target(%dma_start3A_172 : memref<8008x128xf32, #tpu.memory_space<vmem_shared>>) offsets(%arg11 : memref<64xi32, #tpu.memory_space<vmem>>) semaphore(%arg17 : memref<!tpu.dma_semaphore, #tpu.memory_space<semaphore_mem>>) {add = true}
        %dma_wait3A_173 = arith.constant 0 : i32
        %dma_wait3A_174 = arith.constant 0 : i32
        %dma_wait3A_175 = tpu.memref_slice %arg18[%dma_wait3A_173, %dma_wait3A_174] : memref<8008x128xf32, #tpu.memory_space<vmem_shared>> -> memref<8008x128xf32, #tpu.memory_space<vmem_shared>>
        tpu.wait_indirect_dma semaphore(%arg17 : memref<!tpu.dma_semaphore, #tpu.memory_space<semaphore_mem>>) src(%arg13 : memref<64x128xf32, #tpu.memory_space<vmem>>) dst(%dma_wait3A_175 : memref<8008x128xf32, #tpu.memory_space<vmem_shared>>)
        %while3A_176 = arith.constant 0 : i32
        scf.yield %while3A_176 : i32
      }
      %barrier3A_91 = arith.constant 0 : index
      tpu.barrier barrier_id(%barrier3A_91)
      %lt3A_92 = arith.constant 8 : i32
      %lt3A_93 = arith.cmpi slt, %arg1, %lt3A_92 : i32
      %convert_element_type3A_94 = arith.extui %lt3A_93 : i1 to i32
      %cond3A_95 = arith.constant 0 : i32
      %cond3A_96 = arith.cmpi ne, %convert_element_type3A_94, %cond3A_95 : i32
      scf.if %cond3A_96 {
        %mul3A_98 = arith.constant 1000 : i32
        %mul3A_99 = arith.muli %arg1, %mul3A_98 : i32
        %add3A_100 = arith.addi %mul3A_19, %mul3A_99 : i32
        "tpu.region"() ({
          %run_scoped3A = tpu.sem_alloc : memref<!tpu.dma_semaphore, #tpu.memory_space<semaphore_mem>>
          %dma_start3A = arith.constant 0 : i32
          %dma_start3A_101 = tpu.memref_slice %arg6[%add3A_100, %dma_start3A] : memref<320000x128xf32, #tpu.memory_space<hbm>> -> memref<1000x128xf32, #tpu.memory_space<hbm>>
          %dma_start3A_102 = arith.constant 0 : i32
          %dma_start3A_103 = tpu.memref_slice %arg18[%mul3A_99, %dma_start3A_102] : memref<8008x128xf32, #tpu.memory_space<vmem_shared>> -> memref<1000x128xf32, #tpu.memory_space<vmem_shared>>
          tpu.enqueue_dma source(%dma_start3A_103 : memref<1000x128xf32, #tpu.memory_space<vmem_shared>>) target(%dma_start3A_101 : memref<1000x128xf32, #tpu.memory_space<hbm>>) target_semaphore(%run_scoped3A : memref<!tpu.dma_semaphore, #tpu.memory_space<semaphore_mem>>)
          %dma_wait3A = arith.constant 0 : i32
          %dma_wait3A_104 = tpu.memref_slice %arg6[%add3A_100, %dma_wait3A] : memref<320000x128xf32, #tpu.memory_space<hbm>> -> memref<1000x128xf32, #tpu.memory_space<hbm>>
          %dma_wait3A_105 = arith.constant 0 : i32
          %dma_wait3A_106 = tpu.memref_slice %arg18[%mul3A_99, %dma_wait3A_105] : memref<8008x128xf32, #tpu.memory_space<vmem_shared>> -> memref<1000x128xf32, #tpu.memory_space<vmem_shared>>
          tpu.wait_dma2 semaphore(%run_scoped3A : memref<!tpu.dma_semaphore, #tpu.memory_space<semaphore_mem>>) src(%dma_wait3A_106 : memref<1000x128xf32, #tpu.memory_space<vmem_shared>>) dst(%dma_wait3A_104 : memref<1000x128xf32, #tpu.memory_space<hbm>>)
          tpu.yield
        }) : () -> ()
      } else {
      }
      %scan3A_97 = arith.constant 0 : i32
      scf.yield %scan3A_97 : i32
    }
    %scan3A_13 = arith.constant 20 : i32
    return
  }
}

#map = affine_map<(d0, d1) -> (0)>
#map1 = affine_map<(d0, d1) -> (0, 0)>
module attributes {stable_mosaic.version = 14 : i64} {
  func.func @k(%arg0: i32, %arg1: i32, %arg2: memref<110592xi32, #tpu.memory_space<hbm>>, %arg3: memref<110592xi32, #tpu.memory_space<hbm>>, %arg4: memref<320000x128xf32, #tpu.memory_space<hbm>>, %arg5: memref<200x128xf32, #tpu.memory_space<hbm>>, %arg6: memref<20000x128xf32, #tpu.memory_space<hbm>>, %arg7: memref<6912xi32, #tpu.memory_space<vmem>>, %arg8: memref<6912xi32, #tpu.memory_space<vmem>>, %arg9: memref<7040xi32, #tpu.memory_space<vmem>>, %arg10: memref<7040xi32, #tpu.memory_space<vmem>>, %arg11: memref<64xi32, #tpu.memory_space<vmem>>, %arg12: memref<64x128xf32, #tpu.memory_space<vmem>>, %arg13: memref<64x128xf32, #tpu.memory_space<vmem>>, %arg14: memref<!tpu.dma_semaphore, #tpu.memory_space<semaphore_mem>>, %arg15: memref<!tpu.dma_semaphore, #tpu.memory_space<semaphore_mem>>, %arg16: memref<!tpu.dma_semaphore, #tpu.memory_space<semaphore_mem>>, %arg17: memref<!tpu.dma_semaphore, #tpu.memory_space<semaphore_mem>>, %arg18: memref<2008x128xf32, #tpu.memory_space<vmem_shared>>) attributes {dimension_semantics = [#tpu.dimension_semantics<core_parallel>, #tpu.dimension_semantics<subcore_parallel>], iteration_bounds = array<i64: 2, 16>, scalar_prefetch = 0 : i64, scratch_operands = 12 : i64, tpu.core_type = #tpu.core_type<sc_vector_subcore>, window_params = [{transform_indices = #map}, {transform_indices = #map}, {transform_indices = #map1}, {transform_indices = #map1}, {transform_indices = #map1}]} {
    %mul3A = arith.constant 6912 : i32
    %mul3A_0 = arith.muli %arg1, %mul3A : i32
    "tpu.region"() ({
      %run_scoped3A = tpu.sem_alloc : memref<!tpu.dma_semaphore, #tpu.memory_space<semaphore_mem>>
      %dma_start3A = tpu.memref_slice %arg2[%mul3A_0] : memref<110592xi32, #tpu.memory_space<hbm>> -> memref<6912xi32, #tpu.memory_space<hbm>>
      %dma_start3A_14 = tpu.memref_slice %arg2[%mul3A_0] : memref<110592xi32, #tpu.memory_space<hbm>> -> memref<6912xi32, #tpu.memory_space<hbm>>
      tpu.enqueue_dma source(%dma_start3A_14 : memref<6912xi32, #tpu.memory_space<hbm>>) target(%arg7 : memref<6912xi32, #tpu.memory_space<vmem>>) target_semaphore(%run_scoped3A : memref<!tpu.dma_semaphore, #tpu.memory_space<semaphore_mem>>)
      %dma_wait3A = tpu.memref_slice %arg2[%mul3A_0] : memref<110592xi32, #tpu.memory_space<hbm>> -> memref<6912xi32, #tpu.memory_space<hbm>>
      %dma_wait3A_15 = tpu.memref_slice %arg2[%mul3A_0] : memref<110592xi32, #tpu.memory_space<hbm>> -> memref<6912xi32, #tpu.memory_space<hbm>>
      tpu.wait_dma2 semaphore(%run_scoped3A : memref<!tpu.dma_semaphore, #tpu.memory_space<semaphore_mem>>) src(%dma_wait3A_15 : memref<6912xi32, #tpu.memory_space<hbm>>) dst(%arg7 : memref<6912xi32, #tpu.memory_space<vmem>>)
      tpu.yield
    }) : () -> ()
    %mul3A_1 = arith.constant 6912 : i32
    %mul3A_2 = arith.muli %arg1, %mul3A_1 : i32
    "tpu.region"() ({
      %run_scoped3A = tpu.sem_alloc : memref<!tpu.dma_semaphore, #tpu.memory_space<semaphore_mem>>
      %dma_start3A = tpu.memref_slice %arg3[%mul3A_2] : memref<110592xi32, #tpu.memory_space<hbm>> -> memref<6912xi32, #tpu.memory_space<hbm>>
      %dma_start3A_14 = tpu.memref_slice %arg3[%mul3A_2] : memref<110592xi32, #tpu.memory_space<hbm>> -> memref<6912xi32, #tpu.memory_space<hbm>>
      tpu.enqueue_dma source(%dma_start3A_14 : memref<6912xi32, #tpu.memory_space<hbm>>) target(%arg8 : memref<6912xi32, #tpu.memory_space<vmem>>) target_semaphore(%run_scoped3A : memref<!tpu.dma_semaphore, #tpu.memory_space<semaphore_mem>>)
      %dma_wait3A = tpu.memref_slice %arg3[%mul3A_2] : memref<110592xi32, #tpu.memory_space<hbm>> -> memref<6912xi32, #tpu.memory_space<hbm>>
      %dma_wait3A_15 = tpu.memref_slice %arg3[%mul3A_2] : memref<110592xi32, #tpu.memory_space<hbm>> -> memref<6912xi32, #tpu.memory_space<hbm>>
      tpu.wait_dma2 semaphore(%run_scoped3A : memref<!tpu.dma_semaphore, #tpu.memory_space<semaphore_mem>>) src(%dma_wait3A_15 : memref<6912xi32, #tpu.memory_space<hbm>>) dst(%arg8 : memref<6912xi32, #tpu.memory_space<vmem>>)
      tpu.yield
    }) : () -> ()
    %iota3A = tpu.iota {dimensions = array<i32: 0>} : vector<16xi32>
    %broadcast_in_dim3A = arith.constant 0 : i32
    %broadcast_in_dim3A_3 = vector.broadcast %broadcast_in_dim3A : i32 to vector<16xi32>
    %broadcast_in_dim3A_4 = arith.constant 2000 : i32
    %broadcast_in_dim3A_5 = vector.broadcast %broadcast_in_dim3A_4 : i32 to vector<16xi32>
    %mul3A_6 = arith.constant 6912 : i32
    %mul3A_7 = arith.muli %arg1, %mul3A_6 : i32
    %scan3A = arith.constant 0 : i32
    %scan3A_8 = arith.constant 0 : i32
    %scan3A_9 = arith.constant 5 : i32
    %scan3A_10 = arith.addi %scan3A_8, %scan3A_9 : i32
    %scan3A_11 = arith.constant 1 : i32
    %scan3A_12 = scf.for %scan3A_14 = %scan3A_8 to %scan3A_10 step %scan3A_11 iter_args(%scan3A_15 = %scan3A) -> (i32)  : i32 {
      %mul3A_16 = arith.constant 5 : i32
      %mul3A_17 = arith.muli %arg0, %mul3A_16 : i32
      %add3A = arith.addi %mul3A_17, %scan3A_14 : i32
      %mul3A_18 = arith.constant 2000 : i32
      %mul3A_19 = arith.muli %add3A, %mul3A_18 : i32
      %add3A_20 = arith.constant 2000 : i32
      %add3A_21 = arith.addi %mul3A_19, %add3A_20 : i32
      %lt3A = arith.constant 10 : i32
      %lt3A_22 = arith.cmpi slt, %arg1, %lt3A : i32
      %convert_element_type3A = arith.extui %lt3A_22 : i1 to i32
      %cond3A = arith.constant 0 : i32
      %cond3A_23 = arith.cmpi ne, %convert_element_type3A, %cond3A : i32
      scf.if %cond3A_23 {
        %mul3A_98 = arith.constant 200 : i32
        %mul3A_99 = arith.muli %arg1, %mul3A_98 : i32
        "tpu.region"() ({
          %run_scoped3A = tpu.sem_alloc : memref<!tpu.dma_semaphore, #tpu.memory_space<semaphore_mem>>
          %dma_start3A = arith.constant 0 : i32
          %dma_start3A_100 = tpu.memref_slice %arg18[%mul3A_99, %dma_start3A] : memref<2008x128xf32, #tpu.memory_space<vmem_shared>> -> memref<200x128xf32, #tpu.memory_space<vmem_shared>>
          tpu.enqueue_dma source(%arg5 : memref<200x128xf32, #tpu.memory_space<hbm>>) target(%dma_start3A_100 : memref<200x128xf32, #tpu.memory_space<vmem_shared>>) target_semaphore(%run_scoped3A : memref<!tpu.dma_semaphore, #tpu.memory_space<semaphore_mem>>)
          %dma_wait3A = arith.constant 0 : i32
          %dma_wait3A_101 = tpu.memref_slice %arg18[%mul3A_99, %dma_wait3A] : memref<2008x128xf32, #tpu.memory_space<vmem_shared>> -> memref<200x128xf32, #tpu.memory_space<vmem_shared>>
          tpu.wait_dma2 semaphore(%run_scoped3A : memref<!tpu.dma_semaphore, #tpu.memory_space<semaphore_mem>>) src(%arg5 : memref<200x128xf32, #tpu.memory_space<hbm>>) dst(%dma_wait3A_101 : memref<200x128xf32, #tpu.memory_space<vmem_shared>>)
          tpu.yield
        }) : () -> ()
      } else {
      }
      %barrier3A = arith.constant 0 : index
      tpu.barrier barrier_id(%barrier3A)
      %parallel_loop3A = arith.constant 0 : i32
      %parallel_loop3A_24 = arith.constant 432 : i32
      %parallel_loop3A_25 = arith.constant 1 : i32
      %parallel_loop3A_26 = arith.constant 0 : i32
      %parallel_loop3A_27 = scf.for %parallel_loop3A_98 = %parallel_loop3A to %parallel_loop3A_24 step %parallel_loop3A_25 iter_args(%parallel_loop3A_99 = %parallel_loop3A_26) -> (i32)  : i32 {
        %parallel_loop3A_100 = arith.constant 16 : i32
        %parallel_loop3A_101 = arith.muli %parallel_loop3A_98, %parallel_loop3A_100 : i32
        %parallel_loop3A_102 = arith.index_cast %parallel_loop3A_101 : i32 to index
        %parallel_loop3A_103 = tpu.vector_load %arg8[%parallel_loop3A_102] {strides = array<i32>} : memref<6912xi32, #tpu.memory_space<vmem>>, vector<16xi32>,
        %parallel_loop3A_104 = arith.constant 16 : i32
        %parallel_loop3A_105 = arith.muli %parallel_loop3A_98, %parallel_loop3A_104 : i32
        %parallel_loop3A_106 = arith.index_cast %parallel_loop3A_105 : i32 to index
        %parallel_loop3A_107 = tpu.vector_load %arg7[%parallel_loop3A_106] {strides = array<i32>} : memref<6912xi32, #tpu.memory_space<vmem>>, vector<16xi32>,
        %parallel_loop3A_108 = vector.broadcast %mul3A_19 : i32 to vector<16xi32>
        %parallel_loop3A_109 = arith.cmpi sge, %parallel_loop3A_103, %parallel_loop3A_108 : vector<16xi32>
        %parallel_loop3A_110 = vector.broadcast %add3A_21 : i32 to vector<16xi32>
        %parallel_loop3A_111 = arith.cmpi slt, %parallel_loop3A_103, %parallel_loop3A_110 : vector<16xi32>
        %parallel_loop3A_112 = arith.andi %parallel_loop3A_109, %parallel_loop3A_111 : vector<16xi1>
        %parallel_loop3A_113 = arith.index_cast %parallel_loop3A_99 : i32 to index
        %parallel_loop3A_114 = tpu.vector_load %arg9[%parallel_loop3A_113] masked %parallel_loop3A_112 {strides = array<i32>} : memref<7040xi32, #tpu.memory_space<vmem>>, vector<16xi32>, vector<16xi1>
        tpu.vector_store %arg9[%parallel_loop3A_113], %parallel_loop3A_107 masked %parallel_loop3A_112 {strides = array<i32>} : memref<7040xi32, #tpu.memory_space<vmem>>, vector<16xi32>, vector<16xi1>
        %parallel_loop3A_115 = vector.broadcast %mul3A_19 : i32 to vector<16xi32>
        %parallel_loop3A_116 = arith.subi %parallel_loop3A_103, %parallel_loop3A_115 : vector<16xi32>
        %parallel_loop3A_117 = arith.index_cast %parallel_loop3A_99 : i32 to index
        %parallel_loop3A_118 = tpu.vector_load %arg10[%parallel_loop3A_117] masked %parallel_loop3A_112 {strides = array<i32>} : memref<7040xi32, #tpu.memory_space<vmem>>, vector<16xi32>, vector<16xi1>
        tpu.vector_store %arg10[%parallel_loop3A_117], %parallel_loop3A_116 masked %parallel_loop3A_112 {strides = array<i32>} : memref<7040xi32, #tpu.memory_space<vmem>>, vector<16xi32>, vector<16xi1>
        %parallel_loop3A_119 = tpu.all_reduce %parallel_loop3A_112 {dim = 0 : i64, kind = #tpu.reduction_kind<sum>} : vector<16xi1> -> vector<16xi32>
        %parallel_loop3A_120 = vector.extract_strided_slice %parallel_loop3A_119 {offsets = [0], sizes = [1], strides = [1]} : vector<16xi32> to vector<1xi32>
        %parallel_loop3A_121 = vector.extract %parallel_loop3A_120[0] : i32 from vector<1xi32>
        %parallel_loop3A_122 = arith.addi %parallel_loop3A_99, %parallel_loop3A_121 : i32
        scf.yield %parallel_loop3A_122 : i32
      } {sc.loop_unroll_factor = 4 : i64, sc.parallel_access}
      %add3A_28 = arith.constant 0 : i32
      %add3A_29 = arith.addi %parallel_loop3A_27, %add3A_28 : i32
      %add3A_30 = vector.broadcast %add3A_29 : i32 to vector<16xi32>
      %add3A_31 = arith.addi %add3A_30, %iota3A : vector<16xi32>
      tpu.vector_store_idx %arg9[%add3A_31], %broadcast_in_dim3A_3 : memref<7040xi32, #tpu.memory_space<vmem>>[vector<16xi32>], vector<16xi32>,
      tpu.vector_store_idx %arg10[%add3A_31], %broadcast_in_dim3A_5 : memref<7040xi32, #tpu.memory_space<vmem>>[vector<16xi32>], vector<16xi32>,
      %add3A_32 = arith.constant 16 : i32
      %add3A_33 = arith.addi %parallel_loop3A_27, %add3A_32 : i32
      %add3A_34 = vector.broadcast %add3A_33 : i32 to vector<16xi32>
      %add3A_35 = arith.addi %add3A_34, %iota3A : vector<16xi32>
      tpu.vector_store_idx %arg9[%add3A_35], %broadcast_in_dim3A_3 : memref<7040xi32, #tpu.memory_space<vmem>>[vector<16xi32>], vector<16xi32>,
      tpu.vector_store_idx %arg10[%add3A_35], %broadcast_in_dim3A_5 : memref<7040xi32, #tpu.memory_space<vmem>>[vector<16xi32>], vector<16xi32>,
      %add3A_36 = arith.constant 32 : i32
      %add3A_37 = arith.addi %parallel_loop3A_27, %add3A_36 : i32
      %add3A_38 = vector.broadcast %add3A_37 : i32 to vector<16xi32>
      %add3A_39 = arith.addi %add3A_38, %iota3A : vector<16xi32>
      tpu.vector_store_idx %arg9[%add3A_39], %broadcast_in_dim3A_3 : memref<7040xi32, #tpu.memory_space<vmem>>[vector<16xi32>], vector<16xi32>,
      tpu.vector_store_idx %arg10[%add3A_39], %broadcast_in_dim3A_5 : memref<7040xi32, #tpu.memory_space<vmem>>[vector<16xi32>], vector<16xi32>,
      %add3A_40 = arith.constant 48 : i32
      %add3A_41 = arith.addi %parallel_loop3A_27, %add3A_40 : i32
      %add3A_42 = vector.broadcast %add3A_41 : i32 to vector<16xi32>
      %add3A_43 = arith.addi %add3A_42, %iota3A : vector<16xi32>
      tpu.vector_store_idx %arg9[%add3A_43], %broadcast_in_dim3A_3 : memref<7040xi32, #tpu.memory_space<vmem>>[vector<16xi32>], vector<16xi32>,
      tpu.vector_store_idx %arg10[%add3A_43], %broadcast_in_dim3A_5 : memref<7040xi32, #tpu.memory_space<vmem>>[vector<16xi32>], vector<16xi32>,
      %add3A_44 = arith.constant 64 : i32
      %add3A_45 = arith.addi %parallel_loop3A_27, %add3A_44 : i32
      %add3A_46 = vector.broadcast %add3A_45 : i32 to vector<16xi32>
      %add3A_47 = arith.addi %add3A_46, %iota3A : vector<16xi32>
      tpu.vector_store_idx %arg9[%add3A_47], %broadcast_in_dim3A_3 : memref<7040xi32, #tpu.memory_space<vmem>>[vector<16xi32>], vector<16xi32>,
      tpu.vector_store_idx %arg10[%add3A_47], %broadcast_in_dim3A_5 : memref<7040xi32, #tpu.memory_space<vmem>>[vector<16xi32>], vector<16xi32>,
      %add3A_48 = arith.constant 80 : i32
      %add3A_49 = arith.addi %parallel_loop3A_27, %add3A_48 : i32
      %add3A_50 = vector.broadcast %add3A_49 : i32 to vector<16xi32>
      %add3A_51 = arith.addi %add3A_50, %iota3A : vector<16xi32>
      tpu.vector_store_idx %arg9[%add3A_51], %broadcast_in_dim3A_3 : memref<7040xi32, #tpu.memory_space<vmem>>[vector<16xi32>], vector<16xi32>,
      tpu.vector_store_idx %arg10[%add3A_51], %broadcast_in_dim3A_5 : memref<7040xi32, #tpu.memory_space<vmem>>[vector<16xi32>], vector<16xi32>,
      %add3A_52 = arith.constant 96 : i32
      %add3A_53 = arith.addi %parallel_loop3A_27, %add3A_52 : i32
      %add3A_54 = vector.broadcast %add3A_53 : i32 to vector<16xi32>
      %add3A_55 = arith.addi %add3A_54, %iota3A : vector<16xi32>
      tpu.vector_store_idx %arg9[%add3A_55], %broadcast_in_dim3A_3 : memref<7040xi32, #tpu.memory_space<vmem>>[vector<16xi32>], vector<16xi32>,
      tpu.vector_store_idx %arg10[%add3A_55], %broadcast_in_dim3A_5 : memref<7040xi32, #tpu.memory_space<vmem>>[vector<16xi32>], vector<16xi32>,
      %add3A_56 = arith.constant 112 : i32
      %add3A_57 = arith.addi %parallel_loop3A_27, %add3A_56 : i32
      %add3A_58 = vector.broadcast %add3A_57 : i32 to vector<16xi32>
      %add3A_59 = arith.addi %add3A_58, %iota3A : vector<16xi32>
      tpu.vector_store_idx %arg9[%add3A_59], %broadcast_in_dim3A_3 : memref<7040xi32, #tpu.memory_space<vmem>>[vector<16xi32>], vector<16xi32>,
      tpu.vector_store_idx %arg10[%add3A_59], %broadcast_in_dim3A_5 : memref<7040xi32, #tpu.memory_space<vmem>>[vector<16xi32>], vector<16xi32>,
      %add3A_60 = arith.constant 128 : i32
      %add3A_61 = arith.addi %parallel_loop3A_27, %add3A_60 : i32
      %sub3A = arith.constant 1 : i32
      %sub3A_62 = arith.subi %add3A_61, %sub3A : i32
      %jit3A = arith.constant 128 : i32
      %div3A = arith.divsi %sub3A_62, %jit3A : i32
      %sign3A = arith.constant 0 : i32
      %sign3A_63 = arith.cmpi sgt, %sub3A_62, %sign3A : i32
      %sign3A_64 = arith.extui %sign3A_63 : i1 to i32
      %sign3A_65 = arith.constant 0 : i32
      %sign3A_66 = arith.cmpi slt, %sub3A_62, %sign3A_65 : i32
      %sign3A_67 = arith.extui %sign3A_66 : i1 to i32
      %sign3A_68 = arith.subi %sign3A_64, %sign3A_67 : i32
      %sign3A_69 = arith.constant 0 : i32
      %sign3A_70 = arith.cmpi sgt, %jit3A, %sign3A_69 : i32
      %sign3A_71 = arith.extui %sign3A_70 : i1 to i32
      %sign3A_72 = arith.constant 0 : i32
      %sign3A_73 = arith.cmpi slt, %jit3A, %sign3A_72 : i32
      %sign3A_74 = arith.extui %sign3A_73 : i1 to i32
      %sign3A_75 = arith.subi %sign3A_71, %sign3A_74 : i32
      %ne3A = arith.cmpi ne, %sign3A_68, %sign3A_75 : i32
      %rem3A = arith.remsi %sub3A_62, %jit3A : i32
      %ne3A_76 = arith.constant 0 : i32
      %ne3A_77 = arith.cmpi ne, %rem3A, %ne3A_76 : i32
      %and3A = arith.andi %ne3A, %ne3A_77 : i1
      %sub3A_78 = arith.constant 1 : i32
      %sub3A_79 = arith.subi %div3A, %sub3A_78 : i32
      %select_n3A = arith.select %and3A, %sub3A_79, %div3A : i32
      %while3A = arith.constant 0 : i32
      %while3A_80 = arith.constant 0 : i32
      %while3A_81 = arith.subi %select_n3A, %while3A : i32
      %while3A_82 = arith.addi %while3A, %while3A_81 : i32
      %while3A_83 = arith.constant 1 : i32
      %while3A_84 = arith.divsi %while3A_81, %while3A_83 : i32
      %while3A_85 = arith.muli %while3A_84, %while3A_83 : i32
      %while3A_86 = arith.addi %while3A, %while3A_85 : i32
      %while3A_87 = arith.constant 1 : i32
      %while3A_88 = scf.for %while3A_98 = %while3A to %while3A_86 step %while3A_87 iter_args(%while3A_99 = %while3A_80) -> (i32)  : i32 {
        %mul3A_100 = arith.constant 128 : i32
        %mul3A_101 = arith.muli %while3A_98, %mul3A_100 : i32
        %add3A_102 = arith.constant 64 : i32
        %add3A_103 = arith.addi %mul3A_101, %add3A_102 : i32
        %dma_start3A = tpu.memref_slice %arg9[%mul3A_101] : memref<7040xi32, #tpu.memory_space<vmem>> -> memref<64xi32, #tpu.memory_space<vmem>>
        %dma_start3A_104 = arith.constant 0 : i32
        %dma_start3A_105 = arith.constant 0 : i32
        %dma_start3A_106 = tpu.memref_slice %arg4[%dma_start3A_104, %dma_start3A_105] : memref<320000x128xf32, #tpu.memory_space<hbm>> -> memref<320000x128xf32, #tpu.memory_space<hbm>>
        tpu.enqueue_indirect_dma source(%dma_start3A_106 : memref<320000x128xf32, #tpu.memory_space<hbm>>) target(%arg12 : memref<64x128xf32, #tpu.memory_space<vmem>>) offsets(%dma_start3A : memref<64xi32, #tpu.memory_space<vmem>>) semaphore(%arg14 : memref<!tpu.dma_semaphore, #tpu.memory_space<semaphore_mem>>)
        %dma_start3A_107 = tpu.memref_slice %arg9[%add3A_103] : memref<7040xi32, #tpu.memory_space<vmem>> -> memref<64xi32, #tpu.memory_space<vmem>>
        %dma_start3A_108 = arith.constant 0 : i32
        %dma_start3A_109 = arith.constant 0 : i32
        %dma_start3A_110 = tpu.memref_slice %arg4[%dma_start3A_108, %dma_start3A_109] : memref<320000x128xf32, #tpu.memory_space<hbm>> -> memref<320000x128xf32, #tpu.memory_space<hbm>>
        tpu.enqueue_indirect_dma source(%dma_start3A_110 : memref<320000x128xf32, #tpu.memory_space<hbm>>) target(%arg13 : memref<64x128xf32, #tpu.memory_space<vmem>>) offsets(%dma_start3A_107 : memref<64xi32, #tpu.memory_space<vmem>>) semaphore(%arg15 : memref<!tpu.dma_semaphore, #tpu.memory_space<semaphore_mem>>)
        %add3A_111 = arith.constant 0 : i32
        %add3A_112 = arith.addi %mul3A_101, %add3A_111 : i32
        %get3A = arith.index_cast %add3A_112 : i32 to index
        %get3A_113 = tpu.vector_load %arg10[%get3A] {strides = array<i32>} : memref<7040xi32, #tpu.memory_space<vmem>>, vector<16xi32>,
        %swap3A = arith.constant 0 : index
        %swap3A_114 = tpu.vector_load %arg11[%swap3A] {strides = array<i32>} : memref<64xi32, #tpu.memory_space<vmem>>, vector<16xi32>,
        tpu.vector_store %arg11[%swap3A], %get3A_113 {strides = array<i32>} : memref<64xi32, #tpu.memory_space<vmem>>, vector<16xi32>,
        %add3A_115 = arith.constant 16 : i32
        %add3A_116 = arith.addi %mul3A_101, %add3A_115 : i32
        %get3A_117 = arith.index_cast %add3A_116 : i32 to index
        %get3A_118 = tpu.vector_load %arg10[%get3A_117] {strides = array<i32>} : memref<7040xi32, #tpu.memory_space<vmem>>, vector<16xi32>,
        %swap3A_119 = arith.constant 16 : index
        %swap3A_120 = tpu.vector_load %arg11[%swap3A_119] {strides = array<i32>} : memref<64xi32, #tpu.memory_space<vmem>>, vector<16xi32>,
        tpu.vector_store %arg11[%swap3A_119], %get3A_118 {strides = array<i32>} : memref<64xi32, #tpu.memory_space<vmem>>, vector<16xi32>,
        %add3A_121 = arith.constant 32 : i32
        %add3A_122 = arith.addi %mul3A_101, %add3A_121 : i32
        %get3A_123 = arith.index_cast %add3A_122 : i32 to index
        %get3A_124 = tpu.vector_load %arg10[%get3A_123] {strides = array<i32>} : memref<7040xi32, #tpu.memory_space<vmem>>, vector<16xi32>,
        %swap3A_125 = arith.constant 32 : index
        %swap3A_126 = tpu.vector_load %arg11[%swap3A_125] {strides = array<i32>} : memref<64xi32, #tpu.memory_space<vmem>>, vector<16xi32>,
        tpu.vector_store %arg11[%swap3A_125], %get3A_124 {strides = array<i32>} : memref<64xi32, #tpu.memory_space<vmem>>, vector<16xi32>,
        %add3A_127 = arith.constant 48 : i32
        %add3A_128 = arith.addi %mul3A_101, %add3A_127 : i32
        %get3A_129 = arith.index_cast %add3A_128 : i32 to index
        %get3A_130 = tpu.vector_load %arg10[%get3A_129] {strides = array<i32>} : memref<7040xi32, #tpu.memory_space<vmem>>, vector<16xi32>,
        %swap3A_131 = arith.constant 48 : index
        %swap3A_132 = tpu.vector_load %arg11[%swap3A_131] {strides = array<i32>} : memref<64xi32, #tpu.memory_space<vmem>>, vector<16xi32>,
        tpu.vector_store %arg11[%swap3A_131], %get3A_130 {strides = array<i32>} : memref<64xi32, #tpu.memory_space<vmem>>, vector<16xi32>,
        %dma_wait3A = tpu.memref_slice %arg9[%mul3A_101] : memref<7040xi32, #tpu.memory_space<vmem>> -> memref<64xi32, #tpu.memory_space<vmem>>
        %dma_wait3A_133 = arith.constant 0 : i32
        %dma_wait3A_134 = arith.constant 0 : i32
        %dma_wait3A_135 = tpu.memref_slice %arg4[%dma_wait3A_133, %dma_wait3A_134] : memref<320000x128xf32, #tpu.memory_space<hbm>> -> memref<320000x128xf32, #tpu.memory_space<hbm>>
        tpu.wait_indirect_dma semaphore(%arg14 : memref<!tpu.dma_semaphore, #tpu.memory_space<semaphore_mem>>) src(%dma_wait3A_135 : memref<320000x128xf32, #tpu.memory_space<hbm>>) dst(%arg12 : memref<64x128xf32, #tpu.memory_space<vmem>>)
        %dma_start3A_136 = arith.constant 0 : i32
        %dma_start3A_137 = arith.constant 0 : i32
        %dma_start3A_138 = tpu.memref_slice %arg18[%dma_start3A_136, %dma_start3A_137] : memref<2008x128xf32, #tpu.memory_space<vmem_shared>> -> memref<2008x128xf32, #tpu.memory_space<vmem_shared>>
        tpu.enqueue_indirect_dma source(%arg12 : memref<64x128xf32, #tpu.memory_space<vmem>>) target(%dma_start3A_138 : memref<2008x128xf32, #tpu.memory_space<vmem_shared>>) offsets(%arg11 : memref<64xi32, #tpu.memory_space<vmem>>) semaphore(%arg16 : memref<!tpu.dma_semaphore, #tpu.memory_space<semaphore_mem>>) {add = true}
        %dma_wait3A_139 = arith.constant 0 : i32
        %dma_wait3A_140 = arith.constant 0 : i32
        %dma_wait3A_141 = tpu.memref_slice %arg18[%dma_wait3A_139, %dma_wait3A_140] : memref<2008x128xf32, #tpu.memory_space<vmem_shared>> -> memref<2008x128xf32, #tpu.memory_space<vmem_shared>>
        tpu.wait_indirect_dma semaphore(%arg16 : memref<!tpu.dma_semaphore, #tpu.memory_space<semaphore_mem>>) src(%arg12 : memref<64x128xf32, #tpu.memory_space<vmem>>) dst(%dma_wait3A_141 : memref<2008x128xf32, #tpu.memory_space<vmem_shared>>)
        %add3A_142 = arith.constant 0 : i32
        %add3A_143 = arith.addi %add3A_103, %add3A_142 : i32
        %get3A_144 = arith.index_cast %add3A_143 : i32 to index
        %get3A_145 = tpu.vector_load %arg10[%get3A_144] {strides = array<i32>} : memref<7040xi32, #tpu.memory_space<vmem>>, vector<16xi32>,
        %swap3A_146 = arith.constant 0 : index
        %swap3A_147 = tpu.vector_load %arg11[%swap3A_146] {strides = array<i32>} : memref<64xi32, #tpu.memory_space<vmem>>, vector<16xi32>,
        tpu.vector_store %arg11[%swap3A_146], %get3A_145 {strides = array<i32>} : memref<64xi32, #tpu.memory_space<vmem>>, vector<16xi32>,
        %add3A_148 = arith.constant 16 : i32
        %add3A_149 = arith.addi %add3A_103, %add3A_148 : i32
        %get3A_150 = arith.index_cast %add3A_149 : i32 to index
        %get3A_151 = tpu.vector_load %arg10[%get3A_150] {strides = array<i32>} : memref<7040xi32, #tpu.memory_space<vmem>>, vector<16xi32>,
        %swap3A_152 = arith.constant 16 : index
        %swap3A_153 = tpu.vector_load %arg11[%swap3A_152] {strides = array<i32>} : memref<64xi32, #tpu.memory_space<vmem>>, vector<16xi32>,
        tpu.vector_store %arg11[%swap3A_152], %get3A_151 {strides = array<i32>} : memref<64xi32, #tpu.memory_space<vmem>>, vector<16xi32>,
        %add3A_154 = arith.constant 32 : i32
        %add3A_155 = arith.addi %add3A_103, %add3A_154 : i32
        %get3A_156 = arith.index_cast %add3A_155 : i32 to index
        %get3A_157 = tpu.vector_load %arg10[%get3A_156] {strides = array<i32>} : memref<7040xi32, #tpu.memory_space<vmem>>, vector<16xi32>,
        %swap3A_158 = arith.constant 32 : index
        %swap3A_159 = tpu.vector_load %arg11[%swap3A_158] {strides = array<i32>} : memref<64xi32, #tpu.memory_space<vmem>>, vector<16xi32>,
        tpu.vector_store %arg11[%swap3A_158], %get3A_157 {strides = array<i32>} : memref<64xi32, #tpu.memory_space<vmem>>, vector<16xi32>,
        %add3A_160 = arith.constant 48 : i32
        %add3A_161 = arith.addi %add3A_103, %add3A_160 : i32
        %get3A_162 = arith.index_cast %add3A_161 : i32 to index
        %get3A_163 = tpu.vector_load %arg10[%get3A_162] {strides = array<i32>} : memref<7040xi32, #tpu.memory_space<vmem>>, vector<16xi32>,
        %swap3A_164 = arith.constant 48 : index
        %swap3A_165 = tpu.vector_load %arg11[%swap3A_164] {strides = array<i32>} : memref<64xi32, #tpu.memory_space<vmem>>, vector<16xi32>,
        tpu.vector_store %arg11[%swap3A_164], %get3A_163 {strides = array<i32>} : memref<64xi32, #tpu.memory_space<vmem>>, vector<16xi32>,
        %dma_wait3A_166 = tpu.memref_slice %arg9[%add3A_103] : memref<7040xi32, #tpu.memory_space<vmem>> -> memref<64xi32, #tpu.memory_space<vmem>>
        %dma_wait3A_167 = arith.constant 0 : i32
        %dma_wait3A_168 = arith.constant 0 : i32
        %dma_wait3A_169 = tpu.memref_slice %arg4[%dma_wait3A_167, %dma_wait3A_168] : memref<320000x128xf32, #tpu.memory_space<hbm>> -> memref<320000x128xf32, #tpu.memory_space<hbm>>
        tpu.wait_indirect_dma semaphore(%arg15 : memref<!tpu.dma_semaphore, #tpu.memory_space<semaphore_mem>>) src(%dma_wait3A_169 : memref<320000x128xf32, #tpu.memory_space<hbm>>) dst(%arg13 : memref<64x128xf32, #tpu.memory_space<vmem>>)
        %dma_start3A_170 = arith.constant 0 : i32
        %dma_start3A_171 = arith.constant 0 : i32
        %dma_start3A_172 = tpu.memref_slice %arg18[%dma_start3A_170, %dma_start3A_171] : memref<2008x128xf32, #tpu.memory_space<vmem_shared>> -> memref<2008x128xf32, #tpu.memory_space<vmem_shared>>
        tpu.enqueue_indirect_dma source(%arg13 : memref<64x128xf32, #tpu.memory_space<vmem>>) target(%dma_start3A_172 : memref<2008x128xf32, #tpu.memory_space<vmem_shared>>) offsets(%arg11 : memref<64xi32, #tpu.memory_space<vmem>>) semaphore(%arg17 : memref<!tpu.dma_semaphore, #tpu.memory_space<semaphore_mem>>) {add = true}
        %dma_wait3A_173 = arith.constant 0 : i32
        %dma_wait3A_174 = arith.constant 0 : i32
        %dma_wait3A_175 = tpu.memref_slice %arg18[%dma_wait3A_173, %dma_wait3A_174] : memref<2008x128xf32, #tpu.memory_space<vmem_shared>> -> memref<2008x128xf32, #tpu.memory_space<vmem_shared>>
        tpu.wait_indirect_dma semaphore(%arg17 : memref<!tpu.dma_semaphore, #tpu.memory_space<semaphore_mem>>) src(%arg13 : memref<64x128xf32, #tpu.memory_space<vmem>>) dst(%dma_wait3A_175 : memref<2008x128xf32, #tpu.memory_space<vmem_shared>>)
        %while3A_176 = arith.constant 0 : i32
        scf.yield %while3A_176 : i32
      }
      %while3A_89 = arith.constant 1 : i32
      %while3A_90 = scf.for %while3A_98 = %while3A_86 to %while3A_82 step %while3A_89 iter_args(%while3A_99 = %while3A_88) -> (i32)  : i32 {
        %mul3A_100 = arith.constant 128 : i32
        %mul3A_101 = arith.muli %while3A_98, %mul3A_100 : i32
        %add3A_102 = arith.constant 64 : i32
        %add3A_103 = arith.addi %mul3A_101, %add3A_102 : i32
        %dma_start3A = tpu.memref_slice %arg9[%mul3A_101] : memref<7040xi32, #tpu.memory_space<vmem>> -> memref<64xi32, #tpu.memory_space<vmem>>
        %dma_start3A_104 = arith.constant 0 : i32
        %dma_start3A_105 = arith.constant 0 : i32
        %dma_start3A_106 = tpu.memref_slice %arg4[%dma_start3A_104, %dma_start3A_105] : memref<320000x128xf32, #tpu.memory_space<hbm>> -> memref<320000x128xf32, #tpu.memory_space<hbm>>
        tpu.enqueue_indirect_dma source(%dma_start3A_106 : memref<320000x128xf32, #tpu.memory_space<hbm>>) target(%arg12 : memref<64x128xf32, #tpu.memory_space<vmem>>) offsets(%dma_start3A : memref<64xi32, #tpu.memory_space<vmem>>) semaphore(%arg14 : memref<!tpu.dma_semaphore, #tpu.memory_space<semaphore_mem>>)
        %dma_start3A_107 = tpu.memref_slice %arg9[%add3A_103] : memref<7040xi32, #tpu.memory_space<vmem>> -> memref<64xi32, #tpu.memory_space<vmem>>
        %dma_start3A_108 = arith.constant 0 : i32
        %dma_start3A_109 = arith.constant 0 : i32
        %dma_start3A_110 = tpu.memref_slice %arg4[%dma_start3A_108, %dma_start3A_109] : memref<320000x128xf32, #tpu.memory_space<hbm>> -> memref<320000x128xf32, #tpu.memory_space<hbm>>
        tpu.enqueue_indirect_dma source(%dma_start3A_110 : memref<320000x128xf32, #tpu.memory_space<hbm>>) target(%arg13 : memref<64x128xf32, #tpu.memory_space<vmem>>) offsets(%dma_start3A_107 : memref<64xi32, #tpu.memory_space<vmem>>) semaphore(%arg15 : memref<!tpu.dma_semaphore, #tpu.memory_space<semaphore_mem>>)
        %add3A_111 = arith.constant 0 : i32
        %add3A_112 = arith.addi %mul3A_101, %add3A_111 : i32
        %get3A = arith.index_cast %add3A_112 : i32 to index
        %get3A_113 = tpu.vector_load %arg10[%get3A] {strides = array<i32>} : memref<7040xi32, #tpu.memory_space<vmem>>, vector<16xi32>,
        %swap3A = arith.constant 0 : index
        %swap3A_114 = tpu.vector_load %arg11[%swap3A] {strides = array<i32>} : memref<64xi32, #tpu.memory_space<vmem>>, vector<16xi32>,
        tpu.vector_store %arg11[%swap3A], %get3A_113 {strides = array<i32>} : memref<64xi32, #tpu.memory_space<vmem>>, vector<16xi32>,
        %add3A_115 = arith.constant 16 : i32
        %add3A_116 = arith.addi %mul3A_101, %add3A_115 : i32
        %get3A_117 = arith.index_cast %add3A_116 : i32 to index
        %get3A_118 = tpu.vector_load %arg10[%get3A_117] {strides = array<i32>} : memref<7040xi32, #tpu.memory_space<vmem>>, vector<16xi32>,
        %swap3A_119 = arith.constant 16 : index
        %swap3A_120 = tpu.vector_load %arg11[%swap3A_119] {strides = array<i32>} : memref<64xi32, #tpu.memory_space<vmem>>, vector<16xi32>,
        tpu.vector_store %arg11[%swap3A_119], %get3A_118 {strides = array<i32>} : memref<64xi32, #tpu.memory_space<vmem>>, vector<16xi32>,
        %add3A_121 = arith.constant 32 : i32
        %add3A_122 = arith.addi %mul3A_101, %add3A_121 : i32
        %get3A_123 = arith.index_cast %add3A_122 : i32 to index
        %get3A_124 = tpu.vector_load %arg10[%get3A_123] {strides = array<i32>} : memref<7040xi32, #tpu.memory_space<vmem>>, vector<16xi32>,
        %swap3A_125 = arith.constant 32 : index
        %swap3A_126 = tpu.vector_load %arg11[%swap3A_125] {strides = array<i32>} : memref<64xi32, #tpu.memory_space<vmem>>, vector<16xi32>,
        tpu.vector_store %arg11[%swap3A_125], %get3A_124 {strides = array<i32>} : memref<64xi32, #tpu.memory_space<vmem>>, vector<16xi32>,
        %add3A_127 = arith.constant 48 : i32
        %add3A_128 = arith.addi %mul3A_101, %add3A_127 : i32
        %get3A_129 = arith.index_cast %add3A_128 : i32 to index
        %get3A_130 = tpu.vector_load %arg10[%get3A_129] {strides = array<i32>} : memref<7040xi32, #tpu.memory_space<vmem>>, vector<16xi32>,
        %swap3A_131 = arith.constant 48 : index
        %swap3A_132 = tpu.vector_load %arg11[%swap3A_131] {strides = array<i32>} : memref<64xi32, #tpu.memory_space<vmem>>, vector<16xi32>,
        tpu.vector_store %arg11[%swap3A_131], %get3A_130 {strides = array<i32>} : memref<64xi32, #tpu.memory_space<vmem>>, vector<16xi32>,
        %dma_wait3A = tpu.memref_slice %arg9[%mul3A_101] : memref<7040xi32, #tpu.memory_space<vmem>> -> memref<64xi32, #tpu.memory_space<vmem>>
        %dma_wait3A_133 = arith.constant 0 : i32
        %dma_wait3A_134 = arith.constant 0 : i32
        %dma_wait3A_135 = tpu.memref_slice %arg4[%dma_wait3A_133, %dma_wait3A_134] : memref<320000x128xf32, #tpu.memory_space<hbm>> -> memref<320000x128xf32, #tpu.memory_space<hbm>>
        tpu.wait_indirect_dma semaphore(%arg14 : memref<!tpu.dma_semaphore, #tpu.memory_space<semaphore_mem>>) src(%dma_wait3A_135 : memref<320000x128xf32, #tpu.memory_space<hbm>>) dst(%arg12 : memref<64x128xf32, #tpu.memory_space<vmem>>)
        %dma_start3A_136 = arith.constant 0 : i32
        %dma_start3A_137 = arith.constant 0 : i32
        %dma_start3A_138 = tpu.memref_slice %arg18[%dma_start3A_136, %dma_start3A_137] : memref<2008x128xf32, #tpu.memory_space<vmem_shared>> -> memref<2008x128xf32, #tpu.memory_space<vmem_shared>>
        tpu.enqueue_indirect_dma source(%arg12 : memref<64x128xf32, #tpu.memory_space<vmem>>) target(%dma_start3A_138 : memref<2008x128xf32, #tpu.memory_space<vmem_shared>>) offsets(%arg11 : memref<64xi32, #tpu.memory_space<vmem>>) semaphore(%arg16 : memref<!tpu.dma_semaphore, #tpu.memory_space<semaphore_mem>>) {add = true}
        %dma_wait3A_139 = arith.constant 0 : i32
        %dma_wait3A_140 = arith.constant 0 : i32
        %dma_wait3A_141 = tpu.memref_slice %arg18[%dma_wait3A_139, %dma_wait3A_140] : memref<2008x128xf32, #tpu.memory_space<vmem_shared>> -> memref<2008x128xf32, #tpu.memory_space<vmem_shared>>
        tpu.wait_indirect_dma semaphore(%arg16 : memref<!tpu.dma_semaphore, #tpu.memory_space<semaphore_mem>>) src(%arg12 : memref<64x128xf32, #tpu.memory_space<vmem>>) dst(%dma_wait3A_141 : memref<2008x128xf32, #tpu.memory_space<vmem_shared>>)
        %add3A_142 = arith.constant 0 : i32
        %add3A_143 = arith.addi %add3A_103, %add3A_142 : i32
        %get3A_144 = arith.index_cast %add3A_143 : i32 to index
        %get3A_145 = tpu.vector_load %arg10[%get3A_144] {strides = array<i32>} : memref<7040xi32, #tpu.memory_space<vmem>>, vector<16xi32>,
        %swap3A_146 = arith.constant 0 : index
        %swap3A_147 = tpu.vector_load %arg11[%swap3A_146] {strides = array<i32>} : memref<64xi32, #tpu.memory_space<vmem>>, vector<16xi32>,
        tpu.vector_store %arg11[%swap3A_146], %get3A_145 {strides = array<i32>} : memref<64xi32, #tpu.memory_space<vmem>>, vector<16xi32>,
        %add3A_148 = arith.constant 16 : i32
        %add3A_149 = arith.addi %add3A_103, %add3A_148 : i32
        %get3A_150 = arith.index_cast %add3A_149 : i32 to index
        %get3A_151 = tpu.vector_load %arg10[%get3A_150] {strides = array<i32>} : memref<7040xi32, #tpu.memory_space<vmem>>, vector<16xi32>,
        %swap3A_152 = arith.constant 16 : index
        %swap3A_153 = tpu.vector_load %arg11[%swap3A_152] {strides = array<i32>} : memref<64xi32, #tpu.memory_space<vmem>>, vector<16xi32>,
        tpu.vector_store %arg11[%swap3A_152], %get3A_151 {strides = array<i32>} : memref<64xi32, #tpu.memory_space<vmem>>, vector<16xi32>,
        %add3A_154 = arith.constant 32 : i32
        %add3A_155 = arith.addi %add3A_103, %add3A_154 : i32
        %get3A_156 = arith.index_cast %add3A_155 : i32 to index
        %get3A_157 = tpu.vector_load %arg10[%get3A_156] {strides = array<i32>} : memref<7040xi32, #tpu.memory_space<vmem>>, vector<16xi32>,
        %swap3A_158 = arith.constant 32 : index
        %swap3A_159 = tpu.vector_load %arg11[%swap3A_158] {strides = array<i32>} : memref<64xi32, #tpu.memory_space<vmem>>, vector<16xi32>,
        tpu.vector_store %arg11[%swap3A_158], %get3A_157 {strides = array<i32>} : memref<64xi32, #tpu.memory_space<vmem>>, vector<16xi32>,
        %add3A_160 = arith.constant 48 : i32
        %add3A_161 = arith.addi %add3A_103, %add3A_160 : i32
        %get3A_162 = arith.index_cast %add3A_161 : i32 to index
        %get3A_163 = tpu.vector_load %arg10[%get3A_162] {strides = array<i32>} : memref<7040xi32, #tpu.memory_space<vmem>>, vector<16xi32>,
        %swap3A_164 = arith.constant 48 : index
        %swap3A_165 = tpu.vector_load %arg11[%swap3A_164] {strides = array<i32>} : memref<64xi32, #tpu.memory_space<vmem>>, vector<16xi32>,
        tpu.vector_store %arg11[%swap3A_164], %get3A_163 {strides = array<i32>} : memref<64xi32, #tpu.memory_space<vmem>>, vector<16xi32>,
        %dma_wait3A_166 = tpu.memref_slice %arg9[%add3A_103] : memref<7040xi32, #tpu.memory_space<vmem>> -> memref<64xi32, #tpu.memory_space<vmem>>
        %dma_wait3A_167 = arith.constant 0 : i32
        %dma_wait3A_168 = arith.constant 0 : i32
        %dma_wait3A_169 = tpu.memref_slice %arg4[%dma_wait3A_167, %dma_wait3A_168] : memref<320000x128xf32, #tpu.memory_space<hbm>> -> memref<320000x128xf32, #tpu.memory_space<hbm>>
        tpu.wait_indirect_dma semaphore(%arg15 : memref<!tpu.dma_semaphore, #tpu.memory_space<semaphore_mem>>) src(%dma_wait3A_169 : memref<320000x128xf32, #tpu.memory_space<hbm>>) dst(%arg13 : memref<64x128xf32, #tpu.memory_space<vmem>>)
        %dma_start3A_170 = arith.constant 0 : i32
        %dma_start3A_171 = arith.constant 0 : i32
        %dma_start3A_172 = tpu.memref_slice %arg18[%dma_start3A_170, %dma_start3A_171] : memref<2008x128xf32, #tpu.memory_space<vmem_shared>> -> memref<2008x128xf32, #tpu.memory_space<vmem_shared>>
        tpu.enqueue_indirect_dma source(%arg13 : memref<64x128xf32, #tpu.memory_space<vmem>>) target(%dma_start3A_172 : memref<2008x128xf32, #tpu.memory_space<vmem_shared>>) offsets(%arg11 : memref<64xi32, #tpu.memory_space<vmem>>) semaphore(%arg17 : memref<!tpu.dma_semaphore, #tpu.memory_space<semaphore_mem>>) {add = true}
        %dma_wait3A_173 = arith.constant 0 : i32
        %dma_wait3A_174 = arith.constant 0 : i32
        %dma_wait3A_175 = tpu.memref_slice %arg18[%dma_wait3A_173, %dma_wait3A_174] : memref<2008x128xf32, #tpu.memory_space<vmem_shared>> -> memref<2008x128xf32, #tpu.memory_space<vmem_shared>>
        tpu.wait_indirect_dma semaphore(%arg17 : memref<!tpu.dma_semaphore, #tpu.memory_space<semaphore_mem>>) src(%arg13 : memref<64x128xf32, #tpu.memory_space<vmem>>) dst(%dma_wait3A_175 : memref<2008x128xf32, #tpu.memory_space<vmem_shared>>)
        %while3A_176 = arith.constant 0 : i32
        scf.yield %while3A_176 : i32
      }
      %barrier3A_91 = arith.constant 0 : index
      tpu.barrier barrier_id(%barrier3A_91)
      %lt3A_92 = arith.constant 10 : i32
      %lt3A_93 = arith.cmpi slt, %arg1, %lt3A_92 : i32
      %convert_element_type3A_94 = arith.extui %lt3A_93 : i1 to i32
      %cond3A_95 = arith.constant 0 : i32
      %cond3A_96 = arith.cmpi ne, %convert_element_type3A_94, %cond3A_95 : i32
      scf.if %cond3A_96 {
        %mul3A_98 = arith.constant 200 : i32
        %mul3A_99 = arith.muli %arg1, %mul3A_98 : i32
        %add3A_100 = arith.addi %mul3A_19, %mul3A_99 : i32
        "tpu.region"() ({
          %run_scoped3A = tpu.sem_alloc : memref<!tpu.dma_semaphore, #tpu.memory_space<semaphore_mem>>
          %dma_start3A = arith.constant 0 : i32
          %dma_start3A_101 = tpu.memref_slice %arg6[%add3A_100, %dma_start3A] : memref<20000x128xf32, #tpu.memory_space<hbm>> -> memref<200x128xf32, #tpu.memory_space<hbm>>
          %dma_start3A_102 = arith.constant 0 : i32
          %dma_start3A_103 = tpu.memref_slice %arg18[%mul3A_99, %dma_start3A_102] : memref<2008x128xf32, #tpu.memory_space<vmem_shared>> -> memref<200x128xf32, #tpu.memory_space<vmem_shared>>
          tpu.enqueue_dma source(%dma_start3A_103 : memref<200x128xf32, #tpu.memory_space<vmem_shared>>) target(%dma_start3A_101 : memref<200x128xf32, #tpu.memory_space<hbm>>) target_semaphore(%run_scoped3A : memref<!tpu.dma_semaphore, #tpu.memory_space<semaphore_mem>>)
          %dma_wait3A = arith.constant 0 : i32
          %dma_wait3A_104 = tpu.memref_slice %arg6[%add3A_100, %dma_wait3A] : memref<20000x128xf32, #tpu.memory_space<hbm>> -> memref<200x128xf32, #tpu.memory_space<hbm>>
          %dma_wait3A_105 = arith.constant 0 : i32
          %dma_wait3A_106 = tpu.memref_slice %arg18[%mul3A_99, %dma_wait3A_105] : memref<2008x128xf32, #tpu.memory_space<vmem_shared>> -> memref<200x128xf32, #tpu.memory_space<vmem_shared>>
          tpu.wait_dma2 semaphore(%run_scoped3A : memref<!tpu.dma_semaphore, #tpu.memory_space<semaphore_mem>>) src(%dma_wait3A_106 : memref<200x128xf32, #tpu.memory_space<vmem_shared>>) dst(%dma_wait3A_104 : memref<200x128xf32, #tpu.memory_space<hbm>>)
          tpu.yield
        }) : () -> ()
      } else {
      }
      %scan3A_97 = arith.constant 0 : i32
      scf.yield %scan3A_97 : i32
    }
    %scan3A_13 = arith.constant 5 : i32
    return
  }
}

#map = affine_map<(d0, d1) -> (0, 0)>
module attributes {stable_mosaic.version = 14 : i64} {
  func.func @k(%arg0: i32, %arg1: i32, %arg2: memref<2560x128xi32, #tpu.memory_space<hbm>>, %arg3: memref<320000x128xf32, #tpu.memory_space<hbm>>, %arg4: memref<1000x128xf32, #tpu.memory_space<hbm>>, %arg5: memref<20000x128xf32, #tpu.memory_space<hbm>>, %arg6: memref<80x128xi32, #tpu.memory_space<vmem>>, %arg7: memref<128x128xf32, #tpu.memory_space<vmem>>, %arg8: memref<128x128xf32, #tpu.memory_space<vmem>>, %arg9: memref<!tpu.dma_semaphore, #tpu.memory_space<semaphore_mem>>, %arg10: memref<!tpu.dma_semaphore, #tpu.memory_space<semaphore_mem>>, %arg11: memref<!tpu.dma_semaphore, #tpu.memory_space<semaphore_mem>>, %arg12: memref<!tpu.dma_semaphore, #tpu.memory_space<semaphore_mem>>, %arg13: memref<10008x128xf32, #tpu.memory_space<vmem_shared>>) attributes {dimension_semantics = [#tpu.dimension_semantics<core_parallel>, #tpu.dimension_semantics<subcore_parallel>], iteration_bounds = array<i64: 2, 16>, scalar_prefetch = 0 : i64, scratch_operands = 8 : i64, tpu.core_type = #tpu.core_type<sc_vector_subcore>, window_params = [{transform_indices = #map}, {transform_indices = #map}, {transform_indices = #map}, {transform_indices = #map}]} {
    %mul3A = arith.constant 16 : i32
    %mul3A_0 = arith.muli %arg0, %mul3A : i32
    %add3A = arith.addi %mul3A_0, %arg1 : i32
    %mul3A_1 = arith.constant 80 : i32
    %mul3A_2 = arith.muli %add3A, %mul3A_1 : i32
    "tpu.region"() ({
      %run_scoped3A = tpu.sem_alloc : memref<!tpu.dma_semaphore, #tpu.memory_space<semaphore_mem>>
      %dma_start3A = arith.constant 0 : i32
      %dma_start3A_17 = tpu.memref_slice %arg2[%mul3A_2, %dma_start3A] : memref<2560x128xi32, #tpu.memory_space<hbm>> -> memref<80x128xi32, #tpu.memory_space<hbm>>
      %dma_start3A_18 = arith.constant 0 : i32
      %dma_start3A_19 = tpu.memref_slice %arg2[%mul3A_2, %dma_start3A_18] : memref<2560x128xi32, #tpu.memory_space<hbm>> -> memref<80x128xi32, #tpu.memory_space<hbm>>
      tpu.enqueue_dma source(%dma_start3A_19 : memref<80x128xi32, #tpu.memory_space<hbm>>) target(%arg6 : memref<80x128xi32, #tpu.memory_space<vmem>>) target_semaphore(%run_scoped3A : memref<!tpu.dma_semaphore, #tpu.memory_space<semaphore_mem>>)
      %dma_wait3A = arith.constant 0 : i32
      %dma_wait3A_20 = tpu.memref_slice %arg2[%mul3A_2, %dma_wait3A] : memref<2560x128xi32, #tpu.memory_space<hbm>> -> memref<80x128xi32, #tpu.memory_space<hbm>>
      %dma_wait3A_21 = arith.constant 0 : i32
      %dma_wait3A_22 = tpu.memref_slice %arg2[%mul3A_2, %dma_wait3A_21] : memref<2560x128xi32, #tpu.memory_space<hbm>> -> memref<80x128xi32, #tpu.memory_space<hbm>>
      tpu.wait_dma2 semaphore(%run_scoped3A : memref<!tpu.dma_semaphore, #tpu.memory_space<semaphore_mem>>) src(%dma_wait3A_22 : memref<80x128xi32, #tpu.memory_space<hbm>>) dst(%arg6 : memref<80x128xi32, #tpu.memory_space<vmem>>)
      tpu.yield
    }) : () -> ()
    %lt3A = arith.constant 10 : i32
    %lt3A_3 = arith.cmpi slt, %arg1, %lt3A : i32
    %convert_element_type3A = arith.extui %lt3A_3 : i1 to i32
    %cond3A = arith.constant 0 : i32
    %cond3A_4 = arith.cmpi ne, %convert_element_type3A, %cond3A : i32
    scf.if %cond3A_4 {
      %mul3A_17 = arith.constant 1000 : i32
      %mul3A_18 = arith.muli %arg1, %mul3A_17 : i32
      "tpu.region"() ({
        %run_scoped3A = tpu.sem_alloc : memref<!tpu.dma_semaphore, #tpu.memory_space<semaphore_mem>>
        %dma_start3A = arith.constant 0 : i32
        %dma_start3A_19 = tpu.memref_slice %arg13[%mul3A_18, %dma_start3A] : memref<10008x128xf32, #tpu.memory_space<vmem_shared>> -> memref<1000x128xf32, #tpu.memory_space<vmem_shared>>
        tpu.enqueue_dma source(%arg4 : memref<1000x128xf32, #tpu.memory_space<hbm>>) target(%dma_start3A_19 : memref<1000x128xf32, #tpu.memory_space<vmem_shared>>) target_semaphore(%run_scoped3A : memref<!tpu.dma_semaphore, #tpu.memory_space<semaphore_mem>>)
        %dma_wait3A = arith.constant 0 : i32
        %dma_wait3A_20 = tpu.memref_slice %arg13[%mul3A_18, %dma_wait3A] : memref<10008x128xf32, #tpu.memory_space<vmem_shared>> -> memref<1000x128xf32, #tpu.memory_space<vmem_shared>>
        tpu.wait_dma2 semaphore(%run_scoped3A : memref<!tpu.dma_semaphore, #tpu.memory_space<semaphore_mem>>) src(%arg4 : memref<1000x128xf32, #tpu.memory_space<hbm>>) dst(%dma_wait3A_20 : memref<1000x128xf32, #tpu.memory_space<vmem_shared>>)
        tpu.yield
      }) : () -> ()
    } else {
    }
    %barrier3A = arith.constant 0 : index
    tpu.barrier barrier_id(%barrier3A)
    %scan3A = arith.constant 0 : i32
    %scan3A_5 = arith.constant 0 : i32
    %scan3A_6 = arith.constant 40 : i32
    %scan3A_7 = arith.addi %scan3A_5, %scan3A_6 : i32
    %scan3A_8 = arith.constant 1 : i32
    %scan3A_9 = scf.for %scan3A_17 = %scan3A_5 to %scan3A_7 step %scan3A_8 iter_args(%scan3A_18 = %scan3A) -> (i32)  : i32 {
      %mul3A_19 = arith.constant 2 : i32
      %mul3A_20 = arith.muli %mul3A_19, %scan3A_17 : i32
      %add3A_21 = arith.addi %mul3A_2, %mul3A_20 : i32
      %mul3A_22 = arith.constant 128 : i32
      %mul3A_23 = arith.muli %add3A_21, %mul3A_22 : i32
      %min3A = arith.constant 319872 : i32
      %min3A_24 = arith.minsi %mul3A_23, %min3A : i32
      %mul3A_25 = arith.constant 2 : i32
      %mul3A_26 = arith.muli %mul3A_25, %scan3A_17 : i32
      %add3A_27 = arith.addi %mul3A_2, %mul3A_26 : i32
      %add3A_28 = arith.constant 1 : i32
      %add3A_29 = arith.addi %add3A_27, %add3A_28 : i32
      %mul3A_30 = arith.constant 128 : i32
      %mul3A_31 = arith.muli %add3A_29, %mul3A_30 : i32
      %min3A_32 = arith.constant 319872 : i32
      %min3A_33 = arith.minsi %mul3A_31, %min3A_32 : i32
      %dma_start3A = arith.constant 0 : i32
      %dma_start3A_34 = tpu.memref_slice %arg3[%min3A_24, %dma_start3A] : memref<320000x128xf32, #tpu.memory_space<hbm>> -> memref<128x128xf32, #tpu.memory_space<hbm>>
      %dma_start3A_35 = arith.constant 0 : i32
      %dma_start3A_36 = tpu.memref_slice %arg3[%min3A_24, %dma_start3A_35] : memref<320000x128xf32, #tpu.memory_space<hbm>> -> memref<128x128xf32, #tpu.memory_space<hbm>>
      tpu.enqueue_dma source(%dma_start3A_36 : memref<128x128xf32, #tpu.memory_space<hbm>>) target(%arg7 : memref<128x128xf32, #tpu.memory_space<vmem>>) target_semaphore(%arg9 : memref<!tpu.dma_semaphore, #tpu.memory_space<semaphore_mem>>)
      %dma_start3A_37 = arith.constant 0 : i32
      %dma_start3A_38 = tpu.memref_slice %arg3[%min3A_33, %dma_start3A_37] : memref<320000x128xf32, #tpu.memory_space<hbm>> -> memref<128x128xf32, #tpu.memory_space<hbm>>
      %dma_start3A_39 = arith.constant 0 : i32
      %dma_start3A_40 = tpu.memref_slice %arg3[%min3A_33, %dma_start3A_39] : memref<320000x128xf32, #tpu.memory_space<hbm>> -> memref<128x128xf32, #tpu.memory_space<hbm>>
      tpu.enqueue_dma source(%dma_start3A_40 : memref<128x128xf32, #tpu.memory_space<hbm>>) target(%arg8 : memref<128x128xf32, #tpu.memory_space<vmem>>) target_semaphore(%arg10 : memref<!tpu.dma_semaphore, #tpu.memory_space<semaphore_mem>>)
      %dma_wait3A = arith.constant 0 : i32
      %dma_wait3A_41 = tpu.memref_slice %arg3[%min3A_24, %dma_wait3A] : memref<320000x128xf32, #tpu.memory_space<hbm>> -> memref<128x128xf32, #tpu.memory_space<hbm>>
      %dma_wait3A_42 = arith.constant 0 : i32
      %dma_wait3A_43 = tpu.memref_slice %arg3[%min3A_24, %dma_wait3A_42] : memref<320000x128xf32, #tpu.memory_space<hbm>> -> memref<128x128xf32, #tpu.memory_space<hbm>>
      tpu.wait_dma2 semaphore(%arg9 : memref<!tpu.dma_semaphore, #tpu.memory_space<semaphore_mem>>) src(%dma_wait3A_43 : memref<128x128xf32, #tpu.memory_space<hbm>>) dst(%arg7 : memref<128x128xf32, #tpu.memory_space<vmem>>)
      %mul3A_44 = arith.constant 2 : i32
      %mul3A_45 = arith.muli %mul3A_44, %scan3A_17 : i32
      %dma_start3A_46 = arith.constant 0 : i32
      %dma_start3A_47 = tpu.memref_slice %arg6[%mul3A_45, %dma_start3A_46] : memref<80x128xi32, #tpu.memory_space<vmem>> -> memref<1x128xi32, #tpu.memory_space<vmem>>
      %dma_start3A_48 = tpu.memref_squeeze %dma_start3A_47 : memref<1x128xi32, #tpu.memory_space<vmem>> -> memref<128xi32, #tpu.memory_space<vmem>>
      %dma_start3A_49 = arith.constant 0 : i32
      %dma_start3A_50 = arith.constant 0 : i32
      %dma_start3A_51 = tpu.memref_slice %arg13[%dma_start3A_49, %dma_start3A_50] : memref<10008x128xf32, #tpu.memory_space<vmem_shared>> -> memref<10008x128xf32, #tpu.memory_space<vmem_shared>>
      tpu.enqueue_indirect_dma source(%arg7 : memref<128x128xf32, #tpu.memory_space<vmem>>) target(%dma_start3A_51 : memref<10008x128xf32, #tpu.memory_space<vmem_shared>>) offsets(%dma_start3A_48 : memref<128xi32, #tpu.memory_space<vmem>>) semaphore(%arg11 : memref<!tpu.dma_semaphore, #tpu.memory_space<semaphore_mem>>) {add = true}
      %dma_wait3A_52 = arith.constant 0 : i32
      %dma_wait3A_53 = tpu.memref_slice %arg3[%min3A_33, %dma_wait3A_52] : memref<320000x128xf32, #tpu.memory_space<hbm>> -> memref<128x128xf32, #tpu.memory_space<hbm>>
      %dma_wait3A_54 = arith.constant 0 : i32
      %dma_wait3A_55 = tpu.memref_slice %arg3[%min3A_33, %dma_wait3A_54] : memref<320000x128xf32, #tpu.memory_space<hbm>> -> memref<128x128xf32, #tpu.memory_space<hbm>>
      tpu.wait_dma2 semaphore(%arg10 : memref<!tpu.dma_semaphore, #tpu.memory_space<semaphore_mem>>) src(%dma_wait3A_55 : memref<128x128xf32, #tpu.memory_space<hbm>>) dst(%arg8 : memref<128x128xf32, #tpu.memory_space<vmem>>)
      %mul3A_56 = arith.constant 2 : i32
      %mul3A_57 = arith.muli %mul3A_56, %scan3A_17 : i32
      %add3A_58 = arith.constant 1 : i32
      %add3A_59 = arith.addi %mul3A_57, %add3A_58 : i32
      %dma_start3A_60 = arith.constant 0 : i32
      %dma_start3A_61 = tpu.memref_slice %arg6[%add3A_59, %dma_start3A_60] : memref<80x128xi32, #tpu.memory_space<vmem>> -> memref<1x128xi32, #tpu.memory_space<vmem>>
      %dma_start3A_62 = tpu.memref_squeeze %dma_start3A_61 : memref<1x128xi32, #tpu.memory_space<vmem>> -> memref<128xi32, #tpu.memory_space<vmem>>
      %dma_start3A_63 = arith.constant 0 : i32
      %dma_start3A_64 = arith.constant 0 : i32
      %dma_start3A_65 = tpu.memref_slice %arg13[%dma_start3A_63, %dma_start3A_64] : memref<10008x128xf32, #tpu.memory_space<vmem_shared>> -> memref<10008x128xf32, #tpu.memory_space<vmem_shared>>
      tpu.enqueue_indirect_dma source(%arg8 : memref<128x128xf32, #tpu.memory_space<vmem>>) target(%dma_start3A_65 : memref<10008x128xf32, #tpu.memory_space<vmem_shared>>) offsets(%dma_start3A_62 : memref<128xi32, #tpu.memory_space<vmem>>) semaphore(%arg12 : memref<!tpu.dma_semaphore, #tpu.memory_space<semaphore_mem>>) {add = true}
      %dma_wait3A_66 = arith.constant 0 : i32
      %dma_wait3A_67 = tpu.memref_slice %arg6[%mul3A_45, %dma_wait3A_66] : memref<80x128xi32, #tpu.memory_space<vmem>> -> memref<1x128xi32, #tpu.memory_space<vmem>>
      %dma_wait3A_68 = tpu.memref_squeeze %dma_wait3A_67 : memref<1x128xi32, #tpu.memory_space<vmem>> -> memref<128xi32, #tpu.memory_space<vmem>>
      %dma_wait3A_69 = arith.constant 0 : i32
      %dma_wait3A_70 = arith.constant 0 : i32
      %dma_wait3A_71 = tpu.memref_slice %arg13[%dma_wait3A_69, %dma_wait3A_70] : memref<10008x128xf32, #tpu.memory_space<vmem_shared>> -> memref<10008x128xf32, #tpu.memory_space<vmem_shared>>
      tpu.wait_indirect_dma semaphore(%arg11 : memref<!tpu.dma_semaphore, #tpu.memory_space<semaphore_mem>>) src(%arg7 : memref<128x128xf32, #tpu.memory_space<vmem>>) dst(%dma_wait3A_71 : memref<10008x128xf32, #tpu.memory_space<vmem_shared>>)
      %dma_wait3A_72 = arith.constant 0 : i32
      %dma_wait3A_73 = tpu.memref_slice %arg6[%add3A_59, %dma_wait3A_72] : memref<80x128xi32, #tpu.memory_space<vmem>> -> memref<1x128xi32, #tpu.memory_space<vmem>>
      %dma_wait3A_74 = tpu.memref_squeeze %dma_wait3A_73 : memref<1x128xi32, #tpu.memory_space<vmem>> -> memref<128xi32, #tpu.memory_space<vmem>>
      %dma_wait3A_75 = arith.constant 0 : i32
      %dma_wait3A_76 = arith.constant 0 : i32
      %dma_wait3A_77 = tpu.memref_slice %arg13[%dma_wait3A_75, %dma_wait3A_76] : memref<10008x128xf32, #tpu.memory_space<vmem_shared>> -> memref<10008x128xf32, #tpu.memory_space<vmem_shared>>
      tpu.wait_indirect_dma semaphore(%arg12 : memref<!tpu.dma_semaphore, #tpu.memory_space<semaphore_mem>>) src(%arg8 : memref<128x128xf32, #tpu.memory_space<vmem>>) dst(%dma_wait3A_77 : memref<10008x128xf32, #tpu.memory_space<vmem_shared>>)
      %scan3A_78 = arith.constant 0 : i32
      scf.yield %scan3A_78 : i32
    }
    %scan3A_10 = arith.constant 40 : i32
    %barrier3A_11 = arith.constant 0 : index
    tpu.barrier barrier_id(%barrier3A_11)
    %lt3A_12 = arith.constant 10 : i32
    %lt3A_13 = arith.cmpi slt, %arg1, %lt3A_12 : i32
    %convert_element_type3A_14 = arith.extui %lt3A_13 : i1 to i32
    %cond3A_15 = arith.constant 0 : i32
    %cond3A_16 = arith.cmpi ne, %convert_element_type3A_14, %cond3A_15 : i32
    scf.if %cond3A_16 {
      %mul3A_17 = arith.constant 1000 : i32
      %mul3A_18 = arith.muli %arg1, %mul3A_17 : i32
      %mul3A_19 = arith.constant 10000 : i32
      %mul3A_20 = arith.muli %arg0, %mul3A_19 : i32
      %add3A_21 = arith.addi %mul3A_20, %mul3A_18 : i32
      "tpu.region"() ({
        %run_scoped3A = tpu.sem_alloc : memref<!tpu.dma_semaphore, #tpu.memory_space<semaphore_mem>>
        %dma_start3A = arith.constant 0 : i32
        %dma_start3A_22 = tpu.memref_slice %arg5[%add3A_21, %dma_start3A] : memref<20000x128xf32, #tpu.memory_space<hbm>> -> memref<1000x128xf32, #tpu.memory_space<hbm>>
        %dma_start3A_23 = arith.constant 0 : i32
        %dma_start3A_24 = tpu.memref_slice %arg13[%mul3A_18, %dma_start3A_23] : memref<10008x128xf32, #tpu.memory_space<vmem_shared>> -> memref<1000x128xf32, #tpu.memory_space<vmem_shared>>
        tpu.enqueue_dma source(%dma_start3A_24 : memref<1000x128xf32, #tpu.memory_space<vmem_shared>>) target(%dma_start3A_22 : memref<1000x128xf32, #tpu.memory_space<hbm>>) target_semaphore(%run_scoped3A : memref<!tpu.dma_semaphore, #tpu.memory_space<semaphore_mem>>)
        %dma_wait3A = arith.constant 0 : i32
        %dma_wait3A_25 = tpu.memref_slice %arg5[%add3A_21, %dma_wait3A] : memref<20000x128xf32, #tpu.memory_space<hbm>> -> memref<1000x128xf32, #tpu.memory_space<hbm>>
        %dma_wait3A_26 = arith.constant 0 : i32
        %dma_wait3A_27 = tpu.memref_slice %arg13[%mul3A_18, %dma_wait3A_26] : memref<10008x128xf32, #tpu.memory_space<vmem_shared>> -> memref<1000x128xf32, #tpu.memory_space<vmem_shared>>
        tpu.wait_dma2 semaphore(%run_scoped3A : memref<!tpu.dma_semaphore, #tpu.memory_space<semaphore_mem>>) src(%dma_wait3A_27 : memref<1000x128xf32, #tpu.memory_space<vmem_shared>>) dst(%dma_wait3A_25 : memref<1000x128xf32, #tpu.memory_space<hbm>>)
        tpu.yield
      }) : () -> ()
    } else {
    }
    return
  }
}

module attributes {stable_mosaic.version = 14 : i64} {
  func.func @body(%arg0: i32, %arg1: memref<1000x128xf32, #tpu.memory_space<vmem>>, %arg2: memref<128x128xf32, #tpu.memory_space<vmem>>, %arg3: memref<128x128xf32, #tpu.memory_space<vmem>>, %arg4: memref<1x128xf32, #tpu.memory_space<vmem>>, %arg5: memref<1000x128xf32, #tpu.memory_space<vmem>>, %arg6: memref<1000x128xf32, #tpu.memory_space<vmem>>) attributes {dimension_semantics = [#tpu.dimension_semantics<arbitrary>], iteration_bounds = array<i64: 10>, scalar_prefetch = 0 : i64, scratch_operands = 0 : i64, tpu.core_type = #tpu.core_type<tc>, window_params = [{transform_indices = @transform_0, window_bounds = array<i64: 1000, 128>}, {pipeline_mode = #tpu.pipeline_mode<synchronous>, transform_indices = @transform_1, window_bounds = array<i64: 128, 128>}, {pipeline_mode = #tpu.pipeline_mode<synchronous>, transform_indices = @transform_2, window_bounds = array<i64: 128, 128>}, {pipeline_mode = #tpu.pipeline_mode<synchronous>, transform_indices = @transform_3, window_bounds = array<i64: 1, 128>}, {transform_indices = @transform_4, window_bounds = array<i64: 1000, 128>}, {transform_indices = @transform_5, window_bounds = array<i64: 1000, 128>}]} {
    %get3A = arith.constant 0 : index
    %get3A_0 = arith.constant 0 : index
    %get3A_1 = vector.load %arg1[%get3A, %get3A_0] : memref<1000x128xf32, #tpu.memory_space<vmem>>, vector<1000x128xf32>
    %get3A_2 = arith.constant 0 : index
    %get3A_3 = arith.constant 0 : index
    %get3A_4 = vector.load %arg2[%get3A_2, %get3A_3] : memref<128x128xf32, #tpu.memory_space<vmem>>, vector<128x128xf32>
    %dot_general3A = arith.constant dense<0.000000e+00> : vector<1000x128xf32>
    %dot_general3A_5 = tpu.matmul %get3A_1, %get3A_4, %dot_general3A {dimension_numbers = #tpu.dot_dimension_numbers<[1], [0], [0], [1], [0, 0, 1, 1], [], []>, transpose_lhs_hint = false} : vector<1000x128xf32>, vector<128x128xf32>, vector<1000x128xf32> -> vector<1000x128xf32>
    %swap3A = arith.constant 0 : index
    %swap3A_6 = arith.constant 0 : index
    %swap3A_7 = vector.load %arg5[%swap3A, %swap3A_6] : memref<1000x128xf32, #tpu.memory_space<vmem>>, vector<1000x128xf32>
    tpu.vector_store %arg5[%swap3A, %swap3A_6], %dot_general3A_5 {strides = array<i32>} : memref<1000x128xf32, #tpu.memory_space<vmem>>, vector<1000x128xf32>,
    %get3A_8 = arith.constant 0 : index
    %get3A_9 = arith.constant 0 : index
    %get3A_10 = vector.load %arg3[%get3A_8, %get3A_9] : memref<128x128xf32, #tpu.memory_space<vmem>>, vector<128x128xf32>
    %dot_general3A_11 = arith.constant dense<0.000000e+00> : vector<1000x128xf32>
    %dot_general3A_12 = tpu.matmul %get3A_1, %get3A_10, %dot_general3A_11 {dimension_numbers = #tpu.dot_dimension_numbers<[1], [0], [0], [1], [0, 0, 1, 1], [], []>, transpose_lhs_hint = false} : vector<1000x128xf32>, vector<128x128xf32>, vector<1000x128xf32> -> vector<1000x128xf32>
    %get3A_13 = arith.constant 0 : index
    %get3A_14 = arith.constant 0 : index
    %get3A_15 = vector.load %arg4[%get3A_13, %get3A_14] : memref<1x128xf32, #tpu.memory_space<vmem>>, vector<1x128xf32>
    %add3A = vector.broadcast %get3A_15 : vector<1x128xf32> to vector<1000x128xf32>
    %add3A_16 = arith.addf %dot_general3A_12, %add3A : vector<1000x128xf32>
    %swap3A_17 = arith.constant 0 : index
    %swap3A_18 = arith.constant 0 : index
    %swap3A_19 = vector.load %arg6[%swap3A_17, %swap3A_18] : memref<1000x128xf32, #tpu.memory_space<vmem>>, vector<1000x128xf32>
    tpu.vector_store %arg6[%swap3A_17, %swap3A_18], %add3A_16 {strides = array<i32>} : memref<1000x128xf32, #tpu.memory_space<vmem>>, vector<1000x128xf32>,
    return
  }
  func.func @transform_0(%arg0: i32) -> (i32, i32) {
    %c0_i32 = arith.constant 0 : i32
    %c0_i32_0 = arith.constant 0 : i32
    return %arg0, %c0_i32 : i32, i32
  }
  func.func @transform_1(%arg0: i32) -> (i32, i32) {
    %c0_i32 = arith.constant 0 : i32
    %c0_i32_0 = arith.constant 0 : i32
    %c0_i32_1 = arith.constant 0 : i32
    return %c0_i32, %c0_i32_0 : i32, i32
  }
  func.func @transform_2(%arg0: i32) -> (i32, i32) {
    %c0_i32 = arith.constant 0 : i32
    %c0_i32_0 = arith.constant 0 : i32
    %c0_i32_1 = arith.constant 0 : i32
    return %c0_i32, %c0_i32_0 : i32, i32
  }
  func.func @transform_3(%arg0: i32) -> (i32, i32) {
    %c0_i32 = arith.constant 0 : i32
    %c0_i32_0 = arith.constant 0 : i32
    %c0_i32_1 = arith.constant 0 : i32
    return %c0_i32, %c0_i32_0 : i32, i32
  }
  func.func @transform_4(%arg0: i32) -> (i32, i32) {
    %c0_i32 = arith.constant 0 : i32
    %c0_i32_0 = arith.constant 0 : i32
    return %arg0, %c0_i32 : i32, i32
  }
  func.func @transform_5(%arg0: i32) -> (i32, i32) {
    %c0_i32 = arith.constant 0 : i32
    %c0_i32_0 = arith.constant 0 : i32
    return %arg0, %c0_i32 : i32, i32
  }
}

module attributes {stable_mosaic.version = 14 : i64} {
  func.func @body(%arg0: i32, %arg1: memref<1000x128xf32, #tpu.memory_space<vmem>>, %arg2: memref<1000x128xf32, #tpu.memory_space<vmem>>, %arg3: memref<1000x128xf32, #tpu.memory_space<vmem>>, %arg4: memref<128x128xf32, #tpu.memory_space<vmem>>, %arg5: memref<128x128xf32, #tpu.memory_space<vmem>>, %arg6: memref<1x128xf32, #tpu.memory_space<vmem>>, %arg7: memref<1000x128xf32, #tpu.memory_space<vmem>>) attributes {dimension_semantics = [#tpu.dimension_semantics<arbitrary>], iteration_bounds = array<i64: 10>, scalar_prefetch = 0 : i64, scratch_operands = 0 : i64, tpu.core_type = #tpu.core_type<tc>, window_params = [{transform_indices = @transform_0, window_bounds = array<i64: 1000, 128>}, {transform_indices = @transform_1, window_bounds = array<i64: 1000, 128>}, {transform_indices = @transform_2, window_bounds = array<i64: 1000, 128>}, {pipeline_mode = #tpu.pipeline_mode<synchronous>, transform_indices = @transform_3, window_bounds = array<i64: 128, 128>}, {pipeline_mode = #tpu.pipeline_mode<synchronous>, transform_indices = @transform_4, window_bounds = array<i64: 128, 128>}, {pipeline_mode = #tpu.pipeline_mode<synchronous>, transform_indices = @transform_5, window_bounds = array<i64: 1, 128>}, {transform_indices = @transform_6, window_bounds = array<i64: 1000, 128>}]} {
    %get3A = arith.constant 0 : index
    %get3A_0 = arith.constant 0 : index
    %get3A_1 = vector.load %arg1[%get3A, %get3A_0] : memref<1000x128xf32, #tpu.memory_space<vmem>>, vector<1000x128xf32>
    %get3A_2 = arith.constant 0 : index
    %get3A_3 = arith.constant 0 : index
    %get3A_4 = vector.load %arg2[%get3A_2, %get3A_3] : memref<1000x128xf32, #tpu.memory_space<vmem>>, vector<1000x128xf32>
    %get3A_5 = arith.constant 0 : index
    %get3A_6 = arith.constant 0 : index
    %get3A_7 = vector.load %arg3[%get3A_5, %get3A_6] : memref<1000x128xf32, #tpu.memory_space<vmem>>, vector<1000x128xf32>
    %add3A = arith.addf %get3A_4, %get3A_7 : vector<1000x128xf32>
    %get3A_8 = arith.constant 0 : index
    %get3A_9 = arith.constant 0 : index
    %get3A_10 = vector.load %arg4[%get3A_8, %get3A_9] : memref<128x128xf32, #tpu.memory_space<vmem>>, vector<128x128xf32>
    %dot_general3A = arith.constant dense<0.000000e+00> : vector<1000x128xf32>
    %dot_general3A_11 = tpu.matmul %get3A_1, %get3A_10, %dot_general3A {dimension_numbers = #tpu.dot_dimension_numbers<[1], [0], [0], [1], [0, 0, 1, 1], [], []>, transpose_lhs_hint = false} : vector<1000x128xf32>, vector<128x128xf32>, vector<1000x128xf32> -> vector<1000x128xf32>
    %get3A_12 = arith.constant 0 : index
    %get3A_13 = arith.constant 0 : index
    %get3A_14 = vector.load %arg5[%get3A_12, %get3A_13] : memref<128x128xf32, #tpu.memory_space<vmem>>, vector<128x128xf32>
    %dot_general3A_15 = arith.constant dense<0.000000e+00> : vector<1000x128xf32>
    %dot_general3A_16 = tpu.matmul %add3A, %get3A_14, %dot_general3A_15 {dimension_numbers = #tpu.dot_dimension_numbers<[1], [0], [0], [1], [0, 0, 1, 1], [], []>, transpose_lhs_hint = false} : vector<1000x128xf32>, vector<128x128xf32>, vector<1000x128xf32> -> vector<1000x128xf32>
    %add3A_17 = arith.addf %dot_general3A_11, %dot_general3A_16 : vector<1000x128xf32>
    %get3A_18 = arith.constant 0 : index
    %get3A_19 = arith.constant 0 : index
    %get3A_20 = vector.load %arg6[%get3A_18, %get3A_19] : memref<1x128xf32, #tpu.memory_space<vmem>>, vector<1x128xf32>
    %add3A_21 = vector.broadcast %get3A_20 : vector<1x128xf32> to vector<1000x128xf32>
    %add3A_22 = arith.addf %add3A_17, %add3A_21 : vector<1000x128xf32>
    %max3A = arith.constant 0.000000e+00 : f32
    %max3A_23 = vector.broadcast %max3A : f32 to vector<1000x128xf32>
    %max3A_24 = arith.maximumf %add3A_22, %max3A_23 : vector<1000x128xf32>
    %add3A_25 = arith.addf %get3A_1, %max3A_24 : vector<1000x128xf32>
    %swap3A = arith.constant 0 : index
    %swap3A_26 = arith.constant 0 : index
    %swap3A_27 = vector.load %arg7[%swap3A, %swap3A_26] : memref<1000x128xf32, #tpu.memory_space<vmem>>, vector<1000x128xf32>
    tpu.vector_store %arg7[%swap3A, %swap3A_26], %add3A_25 {strides = array<i32>} : memref<1000x128xf32, #tpu.memory_space<vmem>>, vector<1000x128xf32>,
    return
  }
  func.func @transform_0(%arg0: i32) -> (i32, i32) {
    %c0_i32 = arith.constant 0 : i32
    %c0_i32_0 = arith.constant 0 : i32
    return %arg0, %c0_i32 : i32, i32
  }
  func.func @transform_1(%arg0: i32) -> (i32, i32) {
    %c0_i32 = arith.constant 0 : i32
    %c0_i32_0 = arith.constant 0 : i32
    return %arg0, %c0_i32 : i32, i32
  }
  func.func @transform_2(%arg0: i32) -> (i32, i32) {
    %add3A = arith.constant 10 : i32
    %add3A_0 = arith.addi %arg0, %add3A : i32
    %c0_i32 = arith.constant 0 : i32
    %c0_i32_1 = arith.constant 0 : i32
    return %add3A_0, %c0_i32 : i32, i32
  }
  func.func @transform_3(%arg0: i32) -> (i32, i32) {
    %c0_i32 = arith.constant 0 : i32
    %c0_i32_0 = arith.constant 0 : i32
    %c0_i32_1 = arith.constant 0 : i32
    return %c0_i32, %c0_i32_0 : i32, i32
  }
  func.func @transform_4(%arg0: i32) -> (i32, i32) {
    %c0_i32 = arith.constant 0 : i32
    %c0_i32_0 = arith.constant 0 : i32
    %c0_i32_1 = arith.constant 0 : i32
    return %c0_i32, %c0_i32_0 : i32, i32
  }
  func.func @transform_5(%arg0: i32) -> (i32, i32) {
    %c0_i32 = arith.constant 0 : i32
    %c0_i32_0 = arith.constant 0 : i32
    %c0_i32_1 = arith.constant 0 : i32
    return %c0_i32, %c0_i32_0 : i32, i32
  }
  func.func @transform_6(%arg0: i32) -> (i32, i32) {
    %c0_i32 = arith.constant 0 : i32
    %c0_i32_0 = arith.constant 0 : i32
    return %arg0, %c0_i32 : i32, i32
  }
}

module attributes {stable_mosaic.version = 14 : i64} {
  func.func @body(%arg0: i32, %arg1: memref<1000x128xf32, #tpu.memory_space<vmem>>, %arg2: memref<1000x128xf32, #tpu.memory_space<vmem>>, %arg3: memref<128x128xf32, #tpu.memory_space<vmem>>, %arg4: memref<1x128xf32, #tpu.memory_space<vmem>>, %arg5: memref<128x128xf32, #tpu.memory_space<vmem>>, %arg6: memref<1x128xf32, #tpu.memory_space<vmem>>, %arg7: memref<1x128xf32, #tpu.memory_space<vmem>>, %arg8: memref<1000x128xf32, #tpu.memory_space<vmem>>) attributes {dimension_semantics = [#tpu.dimension_semantics<arbitrary>], iteration_bounds = array<i64: 20>, scalar_prefetch = 0 : i64, scratch_operands = 0 : i64, tpu.core_type = #tpu.core_type<tc>, window_params = [{transform_indices = @transform_0, window_bounds = array<i64: 1000, 128>}, {transform_indices = @transform_1, window_bounds = array<i64: 1000, 128>}, {pipeline_mode = #tpu.pipeline_mode<synchronous>, transform_indices = @transform_2, window_bounds = array<i64: 128, 128>}, {pipeline_mode = #tpu.pipeline_mode<synchronous>, transform_indices = @transform_3, window_bounds = array<i64: 1, 128>}, {pipeline_mode = #tpu.pipeline_mode<synchronous>, transform_indices = @transform_4, window_bounds = array<i64: 128, 128>}, {pipeline_mode = #tpu.pipeline_mode<synchronous>, transform_indices = @transform_5, window_bounds = array<i64: 1, 128>}, {pipeline_mode = #tpu.pipeline_mode<synchronous>, transform_indices = @transform_6, window_bounds = array<i64: 1, 128>}, {transform_indices = @transform_7, window_bounds = array<i64: 1000, 128>}]} {
    %get3A = arith.constant 0 : index
    %get3A_0 = arith.constant 0 : index
    %get3A_1 = vector.load %arg1[%get3A, %get3A_0] : memref<1000x128xf32, #tpu.memory_space<vmem>>, vector<1000x128xf32>
    %get3A_2 = arith.constant 0 : index
    %get3A_3 = arith.constant 0 : index
    %get3A_4 = vector.load %arg7[%get3A_2, %get3A_3] : memref<1x128xf32, #tpu.memory_space<vmem>>, vector<1x128xf32>
    %mul3A = vector.broadcast %get3A_4 : vector<1x128xf32> to vector<1000x128xf32>
    %mul3A_5 = arith.mulf %get3A_1, %mul3A : vector<1000x128xf32>
    %get3A_6 = arith.constant 0 : index
    %get3A_7 = arith.constant 0 : index
    %get3A_8 = vector.load %arg2[%get3A_6, %get3A_7] : memref<1000x128xf32, #tpu.memory_space<vmem>>, vector<1000x128xf32>
    %add3A = arith.addf %mul3A_5, %get3A_8 : vector<1000x128xf32>
    %get3A_9 = arith.constant 0 : index
    %get3A_10 = arith.constant 0 : index
    %get3A_11 = vector.load %arg3[%get3A_9, %get3A_10] : memref<128x128xf32, #tpu.memory_space<vmem>>, vector<128x128xf32>
    %dot_general3A = arith.constant dense<0.000000e+00> : vector<1000x128xf32>
    %dot_general3A_12 = tpu.matmul %add3A, %get3A_11, %dot_general3A {dimension_numbers = #tpu.dot_dimension_numbers<[1], [0], [0], [1], [0, 0, 1, 1], [], []>, transpose_lhs_hint = false} : vector<1000x128xf32>, vector<128x128xf32>, vector<1000x128xf32> -> vector<1000x128xf32>
    %get3A_13 = arith.constant 0 : index
    %get3A_14 = arith.constant 0 : index
    %get3A_15 = vector.load %arg4[%get3A_13, %get3A_14] : memref<1x128xf32, #tpu.memory_space<vmem>>, vector<1x128xf32>
    %add3A_16 = vector.broadcast %get3A_15 : vector<1x128xf32> to vector<1000x128xf32>
    %add3A_17 = arith.addf %dot_general3A_12, %add3A_16 : vector<1000x128xf32>
    %max3A = arith.constant 0.000000e+00 : f32
    %max3A_18 = vector.broadcast %max3A : f32 to vector<1000x128xf32>
    %max3A_19 = arith.maximumf %add3A_17, %max3A_18 : vector<1000x128xf32>
    %get3A_20 = arith.constant 0 : index
    %get3A_21 = arith.constant 0 : index
    %get3A_22 = vector.load %arg5[%get3A_20, %get3A_21] : memref<128x128xf32, #tpu.memory_space<vmem>>, vector<128x128xf32>
    %dot_general3A_23 = arith.constant dense<0.000000e+00> : vector<1000x128xf32>
    %dot_general3A_24 = tpu.matmul %max3A_19, %get3A_22, %dot_general3A_23 {dimension_numbers = #tpu.dot_dimension_numbers<[1], [0], [0], [1], [0, 0, 1, 1], [], []>, transpose_lhs_hint = false} : vector<1000x128xf32>, vector<128x128xf32>, vector<1000x128xf32> -> vector<1000x128xf32>
    %get3A_25 = arith.constant 0 : index
    %get3A_26 = arith.constant 0 : index
    %get3A_27 = vector.load %arg6[%get3A_25, %get3A_26] : memref<1x128xf32, #tpu.memory_space<vmem>>, vector<1x128xf32>
    %add3A_28 = vector.broadcast %get3A_27 : vector<1x128xf32> to vector<1000x128xf32>
    %add3A_29 = arith.addf %dot_general3A_24, %add3A_28 : vector<1000x128xf32>
    %max3A_30 = arith.constant 0.000000e+00 : f32
    %max3A_31 = vector.broadcast %max3A_30 : f32 to vector<1000x128xf32>
    %max3A_32 = arith.maximumf %add3A_29, %max3A_31 : vector<1000x128xf32>
    %add3A_33 = arith.addf %get3A_1, %max3A_32 : vector<1000x128xf32>
    %swap3A = arith.constant 0 : index
    %swap3A_34 = arith.constant 0 : index
    %swap3A_35 = vector.load %arg8[%swap3A, %swap3A_34] : memref<1000x128xf32, #tpu.memory_space<vmem>>, vector<1000x128xf32>
    tpu.vector_store %arg8[%swap3A, %swap3A_34], %add3A_33 {strides = array<i32>} : memref<1000x128xf32, #tpu.memory_space<vmem>>, vector<1000x128xf32>,
    return
  }
  func.func @transform_0(%arg0: i32) -> (i32, i32) {
    %c0_i32 = arith.constant 0 : i32
    %c0_i32_0 = arith.constant 0 : i32
    return %arg0, %c0_i32 : i32, i32
  }
  func.func @transform_1(%arg0: i32) -> (i32, i32) {
    %c0_i32 = arith.constant 0 : i32
    %c0_i32_0 = arith.constant 0 : i32
    return %arg0, %c0_i32 : i32, i32
  }
  func.func @transform_2(%arg0: i32) -> (i32, i32) {
    %c0_i32 = arith.constant 0 : i32
    %c0_i32_0 = arith.constant 0 : i32
    %c0_i32_1 = arith.constant 0 : i32
    return %c0_i32, %c0_i32_0 : i32, i32
  }
  func.func @transform_3(%arg0: i32) -> (i32, i32) {
    %c0_i32 = arith.constant 0 : i32
    %c0_i32_0 = arith.constant 0 : i32
    %c0_i32_1 = arith.constant 0 : i32
    return %c0_i32, %c0_i32_0 : i32, i32
  }
  func.func @transform_4(%arg0: i32) -> (i32, i32) {
    %c0_i32 = arith.constant 0 : i32
    %c0_i32_0 = arith.constant 0 : i32
    %c0_i32_1 = arith.constant 0 : i32
    return %c0_i32, %c0_i32_0 : i32, i32
  }
  func.func @transform_5(%arg0: i32) -> (i32, i32) {
    %c0_i32 = arith.constant 0 : i32
    %c0_i32_0 = arith.constant 0 : i32
    %c0_i32_1 = arith.constant 0 : i32
    return %c0_i32, %c0_i32_0 : i32, i32
  }
  func.func @transform_6(%arg0: i32) -> (i32, i32) {
    %c0_i32 = arith.constant 0 : i32
    %c0_i32_0 = arith.constant 0 : i32
    %c0_i32_1 = arith.constant 0 : i32
    return %c0_i32, %c0_i32_0 : i32, i32
  }
  func.func @transform_7(%arg0: i32) -> (i32, i32) {
    %c0_i32 = arith.constant 0 : i32
    %c0_i32_0 = arith.constant 0 : i32
    return %arg0, %c0_i32 : i32, i32
  }
}

module attributes {stable_mosaic.version = 14 : i64} {
  func.func @body(%arg0: i32, %arg1: memref<512x128xf32, #tpu.memory_space<vmem>>, %arg2: memref<512x128xf32, #tpu.memory_space<vmem>>, %arg3: memref<512x128xf32, #tpu.memory_space<vmem>>, %arg4: memref<128x128xf32, #tpu.memory_space<vmem>>, %arg5: memref<1x128xf32, #tpu.memory_space<vmem>>, %arg6: memref<128x128xf32, #tpu.memory_space<vmem>>, %arg7: memref<1x128xf32, #tpu.memory_space<vmem>>, %arg8: memref<128x128xf32, #tpu.memory_space<vmem>>, %arg9: memref<128x128xf32, #tpu.memory_space<vmem>>, %arg10: memref<1x128xf32, #tpu.memory_space<vmem>>, %arg11: memref<128x128xf32, #tpu.memory_space<vmem>>, %arg12: memref<1x128xf32, #tpu.memory_space<vmem>>, %arg13: memref<1x128xf32, #tpu.memory_space<vmem>>, %arg14: memref<512x128xf32, #tpu.memory_space<vmem>>) attributes {dimension_semantics = [#tpu.dimension_semantics<arbitrary>], iteration_bounds = array<i64: 625>, scalar_prefetch = 0 : i64, scratch_operands = 0 : i64, tpu.core_type = #tpu.core_type<tc>, window_params = [{transform_indices = @transform_0, window_bounds = array<i64: 512, 128>}, {transform_indices = @transform_1, window_bounds = array<i64: 512, 128>}, {transform_indices = @transform_2, window_bounds = array<i64: 512, 128>}, {pipeline_mode = #tpu.pipeline_mode<synchronous>, transform_indices = @transform_3, window_bounds = array<i64: 128, 128>}, {pipeline_mode = #tpu.pipeline_mode<synchronous>, transform_indices = @transform_4, window_bounds = array<i64: 1, 128>}, {pipeline_mode = #tpu.pipeline_mode<synchronous>, transform_indices = @transform_5, window_bounds = array<i64: 128, 128>}, {pipeline_mode = #tpu.pipeline_mode<synchronous>, transform_indices = @transform_6, window_bounds = array<i64: 1, 128>}, {pipeline_mode = #tpu.pipeline_mode<synchronous>, transform_indices = @transform_7, window_bounds = array<i64: 128, 128>}, {pipeline_mode = #tpu.pipeline_mode<synchronous>, transform_indices = @transform_8, window_bounds = array<i64: 128, 128>}, {pipeline_mode = #tpu.pipeline_mode<synchronous>, transform_indices = @transform_9, window_bounds = array<i64: 1, 128>}, {pipeline_mode = #tpu.pipeline_mode<synchronous>, transform_indices = @transform_10, window_bounds = array<i64: 128, 128>}, {pipeline_mode = #tpu.pipeline_mode<synchronous>, transform_indices = @transform_11, window_bounds = array<i64: 1, 128>}, {pipeline_mode = #tpu.pipeline_mode<synchronous>, transform_indices = @transform_12, window_bounds = array<i64: 1, 128>}, {transform_indices = @transform_13, window_bounds = array<i64: 512, 128>}]} {
    %get3A = arith.constant 0 : index
    %get3A_0 = arith.constant 0 : index
    %get3A_1 = vector.load %arg2[%get3A, %get3A_0] : memref<512x128xf32, #tpu.memory_space<vmem>>, vector<512x128xf32>
    %get3A_2 = arith.constant 0 : index
    %get3A_3 = arith.constant 0 : index
    %get3A_4 = vector.load %arg1[%get3A_2, %get3A_3] : memref<512x128xf32, #tpu.memory_space<vmem>>, vector<512x128xf32>
    %max3A = arith.constant 0.000000e+00 : f32
    %max3A_5 = vector.broadcast %max3A : f32 to vector<512x128xf32>
    %max3A_6 = arith.maximumf %get3A_4, %max3A_5 : vector<512x128xf32>
    %get3A_7 = arith.constant 0 : index
    %get3A_8 = arith.constant 0 : index
    %get3A_9 = vector.load %arg13[%get3A_7, %get3A_8] : memref<1x128xf32, #tpu.memory_space<vmem>>, vector<1x128xf32>
    %mul3A = vector.broadcast %get3A_9 : vector<1x128xf32> to vector<512x128xf32>
    %mul3A_10 = arith.mulf %get3A_1, %mul3A : vector<512x128xf32>
    %get3A_11 = arith.constant 0 : index
    %get3A_12 = arith.constant 0 : index
    %get3A_13 = vector.load %arg3[%get3A_11, %get3A_12] : memref<512x128xf32, #tpu.memory_space<vmem>>, vector<512x128xf32>
    %add3A = arith.addf %mul3A_10, %get3A_13 : vector<512x128xf32>
    %get3A_14 = arith.constant 0 : index
    %get3A_15 = arith.constant 0 : index
    %get3A_16 = vector.load %arg4[%get3A_14, %get3A_15] : memref<128x128xf32, #tpu.memory_space<vmem>>, vector<128x128xf32>
    %dot_general3A = arith.constant dense<0.000000e+00> : vector<512x128xf32>
    %dot_general3A_17 = tpu.matmul %add3A, %get3A_16, %dot_general3A {dimension_numbers = #tpu.dot_dimension_numbers<[1], [0], [0], [1], [0, 0, 1, 1], [], []>, transpose_lhs_hint = false} : vector<512x128xf32>, vector<128x128xf32>, vector<512x128xf32> -> vector<512x128xf32>
    %get3A_18 = arith.constant 0 : index
    %get3A_19 = arith.constant 0 : index
    %get3A_20 = vector.load %arg5[%get3A_18, %get3A_19] : memref<1x128xf32, #tpu.memory_space<vmem>>, vector<1x128xf32>
    %add3A_21 = vector.broadcast %get3A_20 : vector<1x128xf32> to vector<512x128xf32>
    %add3A_22 = arith.addf %dot_general3A_17, %add3A_21 : vector<512x128xf32>
    %max3A_23 = arith.constant 0.000000e+00 : f32
    %max3A_24 = vector.broadcast %max3A_23 : f32 to vector<512x128xf32>
    %max3A_25 = arith.maximumf %add3A_22, %max3A_24 : vector<512x128xf32>
    %get3A_26 = arith.constant 0 : index
    %get3A_27 = arith.constant 0 : index
    %get3A_28 = vector.load %arg6[%get3A_26, %get3A_27] : memref<128x128xf32, #tpu.memory_space<vmem>>, vector<128x128xf32>
    %dot_general3A_29 = arith.constant dense<0.000000e+00> : vector<512x128xf32>
    %dot_general3A_30 = tpu.matmul %max3A_25, %get3A_28, %dot_general3A_29 {dimension_numbers = #tpu.dot_dimension_numbers<[1], [0], [0], [1], [0, 0, 1, 1], [], []>, transpose_lhs_hint = false} : vector<512x128xf32>, vector<128x128xf32>, vector<512x128xf32> -> vector<512x128xf32>
    %get3A_31 = arith.constant 0 : index
    %get3A_32 = arith.constant 0 : index
    %get3A_33 = vector.load %arg7[%get3A_31, %get3A_32] : memref<1x128xf32, #tpu.memory_space<vmem>>, vector<1x128xf32>
    %add3A_34 = vector.broadcast %get3A_33 : vector<1x128xf32> to vector<512x128xf32>
    %add3A_35 = arith.addf %dot_general3A_30, %add3A_34 : vector<512x128xf32>
    %max3A_36 = arith.constant 0.000000e+00 : f32
    %max3A_37 = vector.broadcast %max3A_36 : f32 to vector<512x128xf32>
    %max3A_38 = arith.maximumf %add3A_35, %max3A_37 : vector<512x128xf32>
    %get3A_39 = arith.constant 0 : index
    %get3A_40 = arith.constant 0 : index
    %get3A_41 = vector.load %arg8[%get3A_39, %get3A_40] : memref<128x128xf32, #tpu.memory_space<vmem>>, vector<128x128xf32>
    %dot_general3A_42 = arith.constant dense<0.000000e+00> : vector<512x128xf32>
    %dot_general3A_43 = tpu.matmul %max3A_6, %get3A_41, %dot_general3A_42 {dimension_numbers = #tpu.dot_dimension_numbers<[1], [0], [0], [1], [0, 0, 1, 1], [], []>, transpose_lhs_hint = false} : vector<512x128xf32>, vector<128x128xf32>, vector<512x128xf32> -> vector<512x128xf32>
    %get3A_44 = arith.constant 0 : index
    %get3A_45 = arith.constant 0 : index
    %get3A_46 = vector.load %arg9[%get3A_44, %get3A_45] : memref<128x128xf32, #tpu.memory_space<vmem>>, vector<128x128xf32>
    %dot_general3A_47 = arith.constant dense<0.000000e+00> : vector<512x128xf32>
    %dot_general3A_48 = tpu.matmul %max3A_38, %get3A_46, %dot_general3A_47 {dimension_numbers = #tpu.dot_dimension_numbers<[1], [0], [0], [1], [0, 0, 1, 1], [], []>, transpose_lhs_hint = false} : vector<512x128xf32>, vector<128x128xf32>, vector<512x128xf32> -> vector<512x128xf32>
    %add3A_49 = arith.addf %dot_general3A_43, %dot_general3A_48 : vector<512x128xf32>
    %get3A_50 = arith.constant 0 : index
    %get3A_51 = arith.constant 0 : index
    %get3A_52 = vector.load %arg10[%get3A_50, %get3A_51] : memref<1x128xf32, #tpu.memory_space<vmem>>, vector<1x128xf32>
    %add3A_53 = vector.broadcast %get3A_52 : vector<1x128xf32> to vector<512x128xf32>
    %add3A_54 = arith.addf %add3A_49, %add3A_53 : vector<512x128xf32>
    %max3A_55 = arith.constant 0.000000e+00 : f32
    %max3A_56 = vector.broadcast %max3A_55 : f32 to vector<512x128xf32>
    %max3A_57 = arith.maximumf %add3A_54, %max3A_56 : vector<512x128xf32>
    %get3A_58 = arith.constant 0 : index
    %get3A_59 = arith.constant 0 : index
    %get3A_60 = vector.load %arg11[%get3A_58, %get3A_59] : memref<128x128xf32, #tpu.memory_space<vmem>>, vector<128x128xf32>
    %dot_general3A_61 = arith.constant dense<0.000000e+00> : vector<512x128xf32>
    %dot_general3A_62 = tpu.matmul %max3A_57, %get3A_60, %dot_general3A_61 {dimension_numbers = #tpu.dot_dimension_numbers<[1], [0], [0], [1], [0, 0, 1, 1], [], []>, transpose_lhs_hint = false} : vector<512x128xf32>, vector<128x128xf32>, vector<512x128xf32> -> vector<512x128xf32>
    %add3A_63 = arith.addf %get3A_1, %dot_general3A_62 : vector<512x128xf32>
    %get3A_64 = arith.constant 0 : index
    %get3A_65 = arith.constant 0 : index
    %get3A_66 = vector.load %arg12[%get3A_64, %get3A_65] : memref<1x128xf32, #tpu.memory_space<vmem>>, vector<1x128xf32>
    %add3A_67 = vector.broadcast %get3A_66 : vector<1x128xf32> to vector<512x128xf32>
    %add3A_68 = arith.addf %add3A_63, %add3A_67 : vector<512x128xf32>
    %swap3A = arith.constant 0 : index
    %swap3A_69 = arith.constant 0 : index
    %swap3A_70 = vector.load %arg14[%swap3A, %swap3A_69] : memref<512x128xf32, #tpu.memory_space<vmem>>, vector<512x128xf32>
    tpu.vector_store %arg14[%swap3A, %swap3A_69], %add3A_68 {strides = array<i32>} : memref<512x128xf32, #tpu.memory_space<vmem>>, vector<512x128xf32>,
    return
  }
  func.func @transform_0(%arg0: i32) -> (i32, i32) {
    %c0_i32 = arith.constant 0 : i32
    %c0_i32_0 = arith.constant 0 : i32
    return %arg0, %c0_i32 : i32, i32
  }
  func.func @transform_1(%arg0: i32) -> (i32, i32) {
    %c0_i32 = arith.constant 0 : i32
    %c0_i32_0 = arith.constant 0 : i32
    return %arg0, %c0_i32 : i32, i32
  }
  func.func @transform_2(%arg0: i32) -> (i32, i32) {
    %c0_i32 = arith.constant 0 : i32
    %c0_i32_0 = arith.constant 0 : i32
    return %arg0, %c0_i32 : i32, i32
  }
  func.func @transform_3(%arg0: i32) -> (i32, i32) {
    %c0_i32 = arith.constant 0 : i32
    %c0_i32_0 = arith.constant 0 : i32
    %c0_i32_1 = arith.constant 0 : i32
    return %c0_i32, %c0_i32_0 : i32, i32
  }
  func.func @transform_4(%arg0: i32) -> (i32, i32) {
    %c0_i32 = arith.constant 0 : i32
    %c0_i32_0 = arith.constant 0 : i32
    %c0_i32_1 = arith.constant 0 : i32
    return %c0_i32, %c0_i32_0 : i32, i32
  }
  func.func @transform_5(%arg0: i32) -> (i32, i32) {
    %c0_i32 = arith.constant 0 : i32
    %c0_i32_0 = arith.constant 0 : i32
    %c0_i32_1 = arith.constant 0 : i32
    return %c0_i32, %c0_i32_0 : i32, i32
  }
  func.func @transform_6(%arg0: i32) -> (i32, i32) {
    %c0_i32 = arith.constant 0 : i32
    %c0_i32_0 = arith.constant 0 : i32
    %c0_i32_1 = arith.constant 0 : i32
    return %c0_i32, %c0_i32_0 : i32, i32
  }
  func.func @transform_7(%arg0: i32) -> (i32, i32) {
    %c0_i32 = arith.constant 0 : i32
    %c0_i32_0 = arith.constant 0 : i32
    %c0_i32_1 = arith.constant 0 : i32
    return %c0_i32, %c0_i32_0 : i32, i32
  }
  func.func @transform_8(%arg0: i32) -> (i32, i32) {
    %c0_i32 = arith.constant 0 : i32
    %c0_i32_0 = arith.constant 0 : i32
    %c0_i32_1 = arith.constant 0 : i32
    return %c0_i32, %c0_i32_0 : i32, i32
  }
  func.func @transform_9(%arg0: i32) -> (i32, i32) {
    %c0_i32 = arith.constant 0 : i32
    %c0_i32_0 = arith.constant 0 : i32
    %c0_i32_1 = arith.constant 0 : i32
    return %c0_i32, %c0_i32_0 : i32, i32
  }
  func.func @transform_10(%arg0: i32) -> (i32, i32) {
    %c0_i32 = arith.constant 0 : i32
    %c0_i32_0 = arith.constant 0 : i32
    %c0_i32_1 = arith.constant 0 : i32
    return %c0_i32, %c0_i32_0 : i32, i32
  }
  func.func @transform_11(%arg0: i32) -> (i32, i32) {
    %c0_i32 = arith.constant 0 : i32
    %c0_i32_0 = arith.constant 0 : i32
    %c0_i32_1 = arith.constant 0 : i32
    return %c0_i32, %c0_i32_0 : i32, i32
  }
  func.func @transform_12(%arg0: i32) -> (i32, i32) {
    %c0_i32 = arith.constant 0 : i32
    %c0_i32_0 = arith.constant 0 : i32
    %c0_i32_1 = arith.constant 0 : i32
    return %c0_i32, %c0_i32_0 : i32, i32
  }
  func.func @transform_13(%arg0: i32) -> (i32, i32) {
    %c0_i32 = arith.constant 0 : i32
    %c0_i32_0 = arith.constant 0 : i32
    return %arg0, %c0_i32 : i32, i32
  }
}

</mosaic_0001>

<sc_bundles>
// kernel: kernel.10.cloned.1.call-start
scs
__scs_entry_jumppad:
0x0: {  	(pc) =	sbr.rel $0x88, $3  }
0x1: {  	(tag) =	ssettag $0x0;
	lr =	simm.s32 $0x1  }
0x2: {  	[smem:$0x3F89] =	sst lr;
	_ =	strace $0xD0000000  }
0x3: {  	_ = 	snop  }
0x4: {  	_ = 	snop  }
0x5: {  	_ = 	snop  }
0x6: {  	_ = 	snop  }
0x7: {  	_ = 	snop  }
__scs_overlays_trampoline_lowered:
0x8: {  	[smem:$0x3F98] =	sst s0  }
0x9: {  	[smem:$0x3F99] =	sst s1  }
0xa: {  	[smem:$0x3F9A] =	sst s2  }
0xb: {  	[smem:$0x3F9B] =	sst s3  }
0xc: {  	[smem:$0x3F9C] =	sst s4  }
0xd: {  	[smem:$0x3F9D] =	sst s5  }
0xe: {  	[smem:$0x3F9E] =	sst s6  }
0xf: {  	[smem:$0x3F9F] =	sst s7  }
0x10: {  	[smem:$0x3FA0] =	sst s8  }
0x11: {  	[smem:$0x3FA1] =	sst s9;
	s0 =	simm.s32 @!p0 $0x0  }
0x12: {  	s1 =	sld [smem:$0x3F87];
	s0 =	simm.s32 @p0 $0x1  }
0x13: {  	[smem:$0x3FA2] =	sst s0;
	s0 =	simm.s32 @!p1 $0x0  }
0x14: {  	s2 =	sld [smem:$0x3F86];
	s0 =	simm.s32 @p1 $0x1  }
0x15: {  	[smem:$0x3FA3] =	sst s0;
	s0 =	simm.s32 @!p2 $0x0  }
0x16: {  	s3 =	sld [smem:$0x3FDB];
	s0 =	simm.s32 @p2 $0x1  }
0x17: {  	s4 =	simm.s32 $0x1BF5;
	[smem:$0x3FA5] =	sst s0  }
0x18: {  	s0 =	sld [smem:$0x3F88];
	_ =	swait.ge [sflag:s4], $0x0  }
0x19: {  	s7 =	sld [smem:$0x3F89]  }
0x1a: {  	s8 =	sadd.s32 $0xFFFFE003, lr  }
0x1b: {  	s9 =	sadd.s32 $0xFFFFFEF7, lr;
	s5 =	simm.s32 $0xFFFFFFFF;
	p2 =	slt.u32 s8, $0xFFFFF086  }
0x1c: {  	p1 =	slt.u32 s9, $0xF7A;
	s5 =	simm.s32 @!p2 $0x0  }
0x1d: {  	s5 =	simm.s32 @p1 $0x1;
	p0 =	seq.s32 s7, s2  }
0x1e: {  	s7 =	smul.u32 @!p0 $0xF7A, s2;
	p2 =	seq.s32 @!p0 s5, $0x0  }
0x1f: {  	s9 =	smul.u32 $0xF7A, s1;
	s8 =	simm.s32 @!p0 $0x1BF5;
	p2 =	por !p2, p0  }
0x20: {  	[sflag:s8] =	ssyncset.s32 @!p0 $0xFFFFF086;
	s6 =	sadd.s32 @!p0 s3, s7;
	s7 =	simm.s32 @!p0 $0x108  }
0x21: {  	s3 =	sadd.s32 s3, s9;
	s6 =	sadd.s32 @!p0 $0x88, s6;
	s7 =	simm.s32 @p2 $0x1082  }
0x22: {  	[simem:s7], [sflag:s8] =	dma.local @!p0 [hbm:s6], $0xF7A  }
0x23: {  	s9 =	sor.u32 $0xD0000000, s2;
	s6 =	simm.s32 $0x108;
	_ =	swait.ge @!p0 [sflag:s8], $0x0  }
0x24: {  	s3 =	sadd.s32 $0x88, s3;
	s6 =	simm.s32 @!p1 $0x1082;
	[sflag:s4] =	ssyncset.s32 $0xFFFFF086  }
0x25: {  	[simem:s6], [sflag:s4] =	dma.local [hbm:s3], $0xF7A  }
0x26: {  	[smem:$0x3F89] =	sst s1;
	(tag) =	ssettag s2;
	_ =	strace s9  }
0x27: {  	s1 =	sld [smem:$0x3F99]  }
0x28: {  	s2 =	sld [smem:$0x3F9A]  }
0x29: {  	s4 =	sld [smem:$0x3F9C]  }
0x2a: {  	p0 =	seq.s32 s5, $0x0;
	s5 =	sld [smem:$0x3F9D]  }
0x2b: {  	s6 =	sld [smem:$0x3F9E]  }
0x2c: {  	s7 =	sld [smem:$0x3F9F]  }
0x2d: {  	s3 =	simm.s32 $0x108;
	s8 =	sld [smem:$0x3FA0]  }
0x2e: {  	s3 =	simm.s32 @!p0 $0x1082;
	s9 =	sld [smem:$0x3FA1]  }
0x2f: {  	lr =	sadd.s32 s0, s3;
	s0 =	sld [smem:$0x3F98]  }
0x30: {  	s3 =	sld [smem:$0x3F9B]  }
0x31: {  	[smem:$0x3FA4] =	sst s10  }
0x32: {  	s10 =	sld [smem:$0x3FA2];
	_ =	sdelay $0x3  }
0x33: {  	p0 =	seq.s32 s10, $0x1;
	s10 =	sld [smem:$0x3FA4];
	_ =	sdelay $0x3  }
0x34: {  	[smem:$0x3FA4] =	sst s10  }
0x35: {  	s10 =	sld [smem:$0x3FA3];
	_ =	sdelay $0x3  }
0x36: {  	p1 =	seq.s32 s10, $0x1;
	s10 =	sld [smem:$0x3FA4];
	_ =	sdelay $0x3  }
0x37: {  	[smem:$0x3FA4] =	sst s10  }
0x38: {  	s10 =	sld [smem:$0x3FA5]  }
0x39: {  	_ = 	snop;
	(pc) =	sbr.ind lr, $3  }
0x3a: {  	_ = 	snop  }
0x3b: {  	_ = 	snop  }
0x3c: {  	p2 =	seq.s32 s10, $0x1;
	s10 =	sld [smem:$0x3FA4]  }
0x3d: {  	_ =	shalt  }
0x3e: {  	_ =	shalt  }
0x3f: {  	_ =	shalt  }
0x40: {  	_ =	shalt  }
0x41: {  	_ =	shalt  }
0x42: {  	_ =	shalt  }
0x43: {  	_ =	shalt  }
0x44: {  	_ =	shalt  }
0x45: {  	_ =	shalt  }
0x46: {  	_ =	shalt  }
0x47: {  	_ =	shalt  }
0x48: {  	_ =	shalt  }
0x49: {  	_ =	shalt  }
0x4a: {  	_ =	shalt  }
0x4b: {  	_ =	shalt  }
0x4c: {  	_ =	shalt  }
0x4d: {  	_ =	shalt  }
0x4e: {  	_ =	shalt  }
0x4f: {  	_ =	shalt  }
0x50: {  	_ =	shalt  }
0x51: {  	_ =	shalt  }
0x52: {  	_ =	shalt  }
0x53: {  	_ =	shalt  }
0x54: {  	_ =	shalt  }
0x55: {  	_ =	shalt  }
0x56: {  	_ =	shalt  }
0x57: {  	_ =	shalt  }
0x58: {  	_ =	shalt  }
0x59: {  	_ =	shalt  }
0x5a: {  	_ =	shalt  }
0x5b: {  	_ =	shalt  }
0x5c: {  	_ =	shalt  }
0x5d: {  	_ =	shalt  }
0x5e: {  	_ =	shalt  }
0x5f: {  	_ =	shalt  }
0x60: {  	_ =	shalt  }
0x61: {  	_ =	shalt  }
0x62: {  	_ =	shalt  }
0x63: {  	_ =	shalt  }
0x64: {  	_ =	shalt  }
0x65: {  	_ =	shalt  }
0x66: {  	_ =	shalt  }
0x67: {  	_ =	shalt  }
0x68: {  	_ =	shalt  }
0x69: {  	_ =	shalt  }
0x6a: {  	_ =	shalt  }
0x6b: {  	_ =	shalt  }
0x6c: {  	_ =	shalt  }
0x6d: {  	_ =	shalt  }
0x6e: {  	_ =	shalt  }
0x6f: {  	_ =	shalt  }
0x70: {  	_ =	shalt  }
0x71: {  	_ =	shalt  }
0x72: {  	_ =	shalt  }
0x73: {  	_ =	shalt  }
0x74: {  	_ =	shalt  }
0x75: {  	_ =	shalt  }
0x76: {  	_ =	shalt  }
0x77: {  	_ =	shalt  }
0x78: {  	_ =	shalt  }
0x79: {  	_ =	shalt  }
0x7a: {  	_ =	shalt  }
0x7b: {  	_ =	shalt  }
0x7c: {  	_ =	shalt  }
0x7d: {  	_ =	shalt  }
0x7e: {  	_ =	shalt  }
0x7f: {  	_ =	shalt  }
0x80: {  	_ =	shalt  }
0x81: {  	_ =	shalt  }
0x82: {  	_ =	shalt  }
0x83: {  	_ =	shalt  }
0x84: {  	_ =	shalt  }
0x85: {  	_ =	shalt  }
0x86: {  	_ =	shalt  }
0x87: {  	_ =	shalt  }
.Lfunc_end0:
.L_simem_size_0:
called_computation_lowered:
.L_overlay_start_0:
0x88: {  	s2 =	sld [smem:$0x3FD9]  }
0x89: {  	s3 =	sld [smem:$0x3FFE];
	_ =	sdelay $0x1  }
0x8a: {  	s1 =	srdreg.scid  }
0x8b: {  	s0 =	sand.u32 $0x1, s1  }
0x8c: {  	s17 =	sshll.u32 s0, $0xA;
	s2 =	sadd.s32 s3, s2  }
0x8d: {  	s2 =	sadd.s32 s2, s17  }
0x8e: {  	[smem:$0x3FB0] =	sst s2  }
0x8f: {  	_ = 	snop  }
0x90: {  	(tm) =	ssettm $0x1  }
0x91: {  	s18 =	sld [smem:$0x3FFB];
	_ =	sdelay $0x3  }
0x92: {  	_ =	strace s18  }
0x93: {  	s2 =	sld [smem:$0x3FFC];
	_ =	sdelay $0x3  }
0x94: {  	_ =	strace s2  }
0x95: {  	s2 =	sld [smem:$0x3FFD];
	_ =	sdelay $0x3  }
0x96: {  	_ =	strace s2  }
0x97: {  	_ =	strace $0x8FFFFFFF  }
0x98: {  	s19 =	sld [smem:$0x3FDB];
	_ =	sdelay $0x1  }
0x99: {  	s20 =	simm.s32 $_scs_section_size  }
0x9a: {  	s4 =	simm.s32 $_size__tile_overlayer_lowered;
	s5 =	simm.s32 $_tile_overlayer_lowered  }
0x9b: {  	s6 =	simm.s32 $0x1BFF;
	s21 =	sshll.u32 s5, $0x1;
	s3 =	sadd.s32 s20, s19  }
0x9c: {  	s22 =	simm.s32 $0x0;
	s4 =	sshll.u32 s4, $0x1;
	s5 =	sadd.s32 s21, s3  }
0x9d: {  	[timem:s22], [sflag:s6] =	dma.local [hbm:s5], s4  }
0x9e: {  	_ =	swait.ge [sflag:s6], s4  }
0x9f: {  	s4 =	ssub.s32 $0x0, s4;
	[sflag:s6] =	ssyncset.done $0x0  }
0xa0: {  	[sflag:s6] =	ssyncadd.s32 s4;
	_ =	sdelay $0x1  }
0xa1: {  	s23 =	simm.s32 $0x1B8B  }
0xa2: {  	_ =	swait.ge [sflag:s23], $0x1  }
0xa3: {  	[sflag:s23] =	ssyncset.done $0x0  }
0xa4: {  	[sflag:s23] =	ssyncadd.s32 $0xFFFFFFFF  }
0xa5: {  	s4 =	sld [smem:$0x0]  }
0xa6: {  	s5 =	sand.u32 $0xFFFFFFFE, s1  }
0xa7: {  	p0 =	sne.s32 s1, s5  }
0xa8: {  	s5 =	sshll.u32 @p0 s5, $0xE  }
0xa9: {  	s5 =	sadd.s32 @p0 $0x11B8D, s5;
	s6 =	sshll.u32 @p0 s4, $0x11  }
0xaa: {  	s5 =	sor.u32 @p0 s6, s5  }
0xab: {  	[sflag:s5] =	ssyncadd.remote.s32 @p0 $0x1;
	_ =	sdelay $0x1  }
0xac: {  	s5 =	simm.s32 @p0 $0x1B8D  }
0xad: {  	_ =	swait.eq @p0 [sflag:s5], $0x1  }
0xae: {  	[sflag:s5] =	ssyncadd.s32 @p0 $0xFFFFFFFF  }
0xaf: {  	s6 =	sshll.u32 @!p0 s1, $0xE  }
0xb0: {  	s6 =	sor.u32 @!p0 $0x4000, s6;
	s5 =	simm.s32 @!p0 $0x1B8D  }
0xb1: {  	s4 =	sshll.u32 @!p0 s4, $0x11;
	s6 =	sadd.s32 @!p0 $0x11B8D, s6;
	_ =	swait.eq @!p0 [sflag:s5], $0x1  }
0xb2: {  	s4 =	sor.u32 @!p0 s4, s6;
	[sflag:s5] =	ssyncadd.s32 @!p0 $0xFFFFFFFF  }
0xb3: {  	s25 =	simm.s32 $0x1B8E;
	s24 =	sld [smem:$0x3FFE];
	[sflag:s4] =	ssyncadd.remote.s32 @!p0 $0x1  }
0xb4: {  	s26 =	simm.s32 $execute0_lowered;
	[smem:$0x3FD2] =	sst s25  }
0xb5: {  	s5 =	sshll.u32 s26, $0x1;
	_ =	strace $0x8000004C;
	[dreg:$0x1] =	wrdreg $0xFFFFFFFF  }
0xb6: {  	s28 =	simm.s32 $_size_execute0_lowered;
	s3 =	sadd.s32 s3, s5;
	[dreg:$0x0] =	wrdreg $0x0  }
0xb7: {  	s5 =	sshll.u32 s28, $0x1;
	[dreg:$0x2] =	wrdreg s3  }
0xb8: {  	[dreg:$0x3] =	wrdreg s5  }
0xb9: {  	[dreg:$0x4] =	wrdreg $0xC0  }
0xba: {  	_ =	task [dreg:s22], $0x5FFFF  }
0xbb: {  	[dreg:$0x1] =	wrdreg $0xFFFFFFFF  }
0xbc: {  	[dreg:$0x0] =	wrdreg $0x60  }
0xbd: {  	[dreg:$0x2] =	wrdreg s24  }
0xbe: {  	[dreg:$0x3] =	wrdreg $0x9  }
0xbf: {  	_ =	task.clear_ibuf [dreg:s22], $0x4FFFF;
	_ =	strace $0x9000004C  }
0xc0: {  	s29 =	simm.s32 $0x9;
	_ =	strace $0x8000004E  }
0xc1: {  	_ =	swait.ge [sflag:s29], $0x1  }
0xc2: {  	[sflag:s29] =	ssyncadd.s32 $0xFFFFFFFF  }
0xc3: {  	_ =	strace $0x9000004E  }
0xc4: {  	_ =	sfence  }
0xc5: {  	s30 =	sld [smem:$0x0];
	_ =	sdelay $0x2  }
0xc6: {  	s31 =	sshll.u32 s1, $0xD;
	s1 =	sshrl.u32 s1, $0x2  }
0xc7: {  	s4 =	sand.u32 $0x4000, s31;
	s1 =	sadd.s32 s1, s30  }
0xc8: {  	s0 =	sor.u32 s4, s0;
	s1 =	sshll.u32 s1, $0x11  }
0xc9: {  	s0 =	sor.u32 s1, s0  }
0xca: {  	s0 =	sadd.s32 $0x8F2B, s0  }
0xcb: {  	[sflag:s0] =	ssyncadd.remote.s32 $0x1  }
0xcc: {  	_ =	sfence.sel $0xFFFF  }
0xcd: {  	[dreg:$0x0] =	wrdreg $0xFFFFFFFF;
	(pc) =	sbr.abs _section_cstart, $3  }
0xce: {  	[dreg:$0x1] =	wrdreg $0xFFFFFFFF  }
0xcf: {  	_ =	task.clear_ibuf [dreg:s22], $0x2FFFF;
	_ =	strace $0x9FFFFFFF  }
0xd0: {  	(tm) =	ssettm $0x7FFFFFFF  }
0xd1: {  	_ =	shalt  }
tec
execute0_lowered:
.L_overlay_start_1:
0x0: {  	(tag) =	ssettag $0x1  }
0x1: {  	s1 =	srdreg.scid  }
0x2: {  	s0 =	stileid.u32;
	s6 =	rddreg [dreg:$0x0]  }
0x3: {  	s2 =	simm.s32 $0x0;
	s10 =	simm.s32 $0x3;
	s11 =	simm.s32 $0x2780  }
0x4: {  	s12 =	simm.s32 $0x50;
	s13 =	simm.s32 $0x4F00;
	s14 =	simm.s32 $0x7700  }
0x5: {  	s15 =	simm.s32 $0x1;
	s7 =	sand.u32 $0x1, s1;
	s3 =	sshll.u32 s0, $0x1  }
0x6: {  	s16 =	simm.s32 $0x2;
	s17 =	simm.s32 $0x0;
	s3 =	sor.u32 s7, s3  }
0x7: {  	s1 =	rddreg [dreg:$0x1];
	s7 =	ssub.s32 $0x2, s7;
	s3 =	smul.u32 $0x2710, s3  }
0x8: {  	[smem:$0x7FF] =	sst s2;
	s4 =	sadd.s32 $0x2B200, s6;
	s9 =	sshrl.u32 s7, $0x1  }
0x9: {  	s5 =	sadd.s32 $0x52400, s6;
	s9 =	ssub.s32 s7, s9;
	s8 =	sshrl.u32 s3, $0x3  }
0xa: {  	_ =	strace $0x8000004D;
	s9 =	smax.u32 s9, $0x1;
	s8 =	sadd.s32 s8, s6  }
0xb: {  	s6 =	sadd.s32 $0x79600, s6;
	s7 =	sadd.s32 $0x5000, s8;
	s8 =	sadd.s32 $0xEE00, s8  }
.LBB2_1:
0xc: {  	[tilespmem:s2], [sflag:$0x3] =	stream.linear.gather [hbm4b:s7+s2], $0x2710, $0x38;
	[tilespmem:$0x9F00] =	vst v63  }
0xd: {  	_ =	swait.ge [sflag:s10], $0x2710  }
0xe: {  	[sflag:s10] =	ssyncset.done $0x0  }
0xf: {  	[sflag:s10] =	ssyncadd.s32 $0xFFFFD8F0  }
0x10: {  	[tilespmem:s11], [sflag:$0x3] =	stream.linear.gather [hbm4b:s8+s2], $0x2710, $0x38;
	[tilespmem:$0x9F00] =	vst v63  }
0x11: {  	_ =	swait.ge [sflag:s10], $0x2710  }
0x12: {  	[sflag:s10] =	ssyncset.done $0x0  }
0x13: {  	s18 =	simm.s32 $0x0;
	[sflag:s10] =	ssyncadd.s32 $0xFFFFD8F0  }
.LBB2_2:
0x14: {  	s19 =	smul.u32 $0x50, s18;
	_ =	sdelay $0x1  }
0x15: {  	[tilespmem:s13], [sflag:$0x1] =	stream.indirect.gather [hbm4b:s4+s12], $0x80, s19, s12, $0xb8;
	[tilespmem:$0x9F00] =	vst v63  }
0x16: {  	s20 =	sadd.s32 $0x2780, s19  }
0x17: {  	[tilespmem:s14], [sflag:$0x2] =	stream.indirect.gather [hbm4b:s5+s12], $0x80, s20, s12, $0xb8;
	[tilespmem:$0x9F00] =	vst v63  }
0x18: {  	_ =	swait.ge [sflag:s15], $0x2800  }
0x19: {  	[sflag:s15] =	ssyncset.done $0x0  }
0x1a: {  	[sflag:s15] =	ssyncadd.s32 $0xFFFFD800  }
0x1b: {  	_ =	swait.ge [sflag:s16], $0x2800  }
0x1c: {  	[sflag:s16] =	ssyncset.done $0x0  }
0x1d: {  	s20 =	simm.s32 $0x4F80;
	[sflag:s16] =	ssyncadd.s32 $0xFFFFD800  }
0x1e: {  	s25 =	simm.s32 $0x7780;
	v0 =	vld [tilespmem:s20+$0x0]  }
0x1f: {  	v1 =	vld [tilespmem:s25+$0x0];
	_ =	sdelay $0x3  }
0x20: {  	v2 =	vld [tilespmem:s20+$0xFFFFFF80]  }
0x21: {  	v0 =	vadd.f32 v1, v0;
	v1 =	vld [tilespmem:s25+$0xFFFFFF80];
	_ =	sdelay $0x1  }
0x22: {  	[tilespmem:s20+$0x0] =	vst v0;
	v0 =	vld [tilespmem:s20+$0x10]  }
0x23: {  	v3 =	vld [tilespmem:s25+$0x10];
	_ =	sdelay $0x1  }
0x24: {  	v1 =	vadd.f32 v1, v2;
	_ =	sdelay $0x1  }
0x25: {  	v4 =	vld [tilespmem:s20+$0xFFFFFF90];
	[tilespmem:s20+$0xFFFFFF80] =	vst v1  }
0x26: {  	v0 =	vadd.f32 v3, v0;
	v1 =	vld [tilespmem:s25+$0xFFFFFF90];
	_ =	sdelay $0x1  }
0x27: {  	[tilespmem:s20+$0x10] =	vst v0;
	v0 =	vld [tilespmem:s20+$0x20]  }
0x28: {  	v3 =	vld [tilespmem:s25+$0x20]  }
0x29: {  	v5 =	vld [tilespmem:s20+$0xFFFFFFB0]  }
0x2a: {  	s21 =	simm.s32 $0x5080;
	v6 =	vld [tilespmem:s20+$0xFFFFFFD0];
	v1 =	vadd.f32 v1, v4  }
0x2b: {  	v7 =	vld [tilespmem:s21+$0x0]  }
0x2c: {  	v2 =	vld [tilespmem:s20+$0xFFFFFFA0];
	[tilespmem:s20+$0xFFFFFF90] =	vst v1  }
0x2d: {  	v0 =	vadd.f32 v3, v0;
	v1 =	vld [tilespmem:s25+$0xFFFFFFA0]  }
0x2e: {  	v8 =	vld [tilespmem:s20+$0xFFFFFFE0]  }
0x2f: {  	[tilespmem:s20+$0x20] =	vst v0;
	v0 =	vld [tilespmem:s20+$0x30]  }
0x30: {  	s22 =	simm.s32 $0x7880;
	v3 =	vld [tilespmem:s25+$0x30]  }
0x31: {  	v10 =	vld [tilespmem:s22+$0xFFFFFF80]  }
0x32: {  	v1 =	vadd.f32 v1, v2;
	v2 =	vld [tilespmem:s22+$0x0]  }
0x33: {  	v12 =	vld [tilespmem:s21+$0xFFFFFF90]  }
0x34: {  	s24 =	simm.s32 $0x7980;
	v13 =	vld [tilespmem:s21+$0xFFFFFFD0]  }
0x35: {  	v15 =	vld [tilespmem:s24+$0xFFFFFF80];
	v0 =	vadd.f32 v3, v0  }
0x36: {  	[tilespmem:s20+$0xFFFFFFA0] =	vst v1;
	v1 =	vld [tilespmem:s20+$0x40]  }
0x37: {  	[tilespmem:s20+$0x30] =	vst v0;
	v2 =	vadd.f32 v2, v7;
	v7 =	vld [tilespmem:s21+$0xFFFFFF80]  }
0x38: {  	s23 =	simm.s32 $0x5180;
	v9 =	vld [tilespmem:s25+$0x40]  }
0x39: {  	v16 =	vld [tilespmem:s23+$0xFFFFFF80]  }
0x3a: {  	v3 =	vld [tilespmem:s25+$0xFFFFFFB0]  }
0x3b: {  	v17 =	vld [tilespmem:s21+$0x50]  }
0x3c: {  	[tilespmem:s21+$0x0] =	vst v2;
	v2 =	vld [tilespmem:s21+$0x10];
	v7 =	vadd.f32 v10, v7  }
0x3d: {  	v11 =	vld [tilespmem:s22+$0x10];
	v1 =	vadd.f32 v9, v1  }
0x3e: {  	v9 =	vld [tilespmem:s20+$0x50];
	[tilespmem:s21+$0xFFFFFF80] =	vst v7  }
0x3f: {  	[tilespmem:s20+$0x40] =	vst v1;
	v1 =	vadd.f32 v3, v5;
	v5 =	vld [tilespmem:s22+$0xFFFFFF90]  }
0x40: {  	v3 =	vld [tilespmem:s25+$0x50]  }
0x41: {  	v60 =	vld [tilespmem:s23+$0xFFFFFFA0]  }
0x42: {  	v4 =	vld [tilespmem:s20+$0xFFFFFFC0];
	v2 =	vadd.f32 v11, v2;
	[tilespmem:s20+$0xFFFFFFB0] =	vst v1  }
0x43: {  	v1 =	vld [tilespmem:s25+$0xFFFFFFC0]  }
0x44: {  	[tilespmem:s21+$0x10] =	vst v2;
	v2 =	vld [tilespmem:s21+$0x20]  }
0x45: {  	v5 =	vadd.f32 v5, v12;
	v3 =	vadd.f32 v3, v9;
	v9 =	vld [tilespmem:s22+$0x20]  }
0x46: {  	v18 =	vld [tilespmem:s21+$0x60];
	v15 =	vadd.f32 v15, v16  }
0x47: {  	v10 =	vld [tilespmem:s21+$0xFFFFFFA0];
	[tilespmem:s21+$0xFFFFFF90] =	vst v5  }
0x48: {  	[tilespmem:s23+$0xFFFFFF80] =	vst v15;
	v1 =	vadd.f32 v1, v4;
	v4 =	vld [tilespmem:s22+$0xFFFFFFA0]  }
0x49: {  	v15 =	vld [tilespmem:s24+$0xFFFFFF90]  }
0x4a: {  	v0 =	vld [tilespmem:s20+$0xFFFFFFF0];
	[tilespmem:s20+$0xFFFFFFC0] =	vst v1;
	v1 =	vadd.f32 v9, v2  }
0x4b: {  	v7 =	vld [tilespmem:s21+$0xFFFFFFB0]  }
0x4c: {  	v5 =	vld [tilespmem:s21+$0x30];
	[tilespmem:s21+$0x20] =	vst v1  }
0x4d: {  	v4 =	vadd.f32 v4, v10;
	v10 =	vld [tilespmem:s22+$0x30]  }
0x4e: {  	v2 =	vld [tilespmem:s25+$0xFFFFFFD0]  }
0x4f: {  	v11 =	vld [tilespmem:s20+$0x60]  }
0x50: {  	v12 =	vld [tilespmem:s21+$0xFFFFFFC0];
	[tilespmem:s20+$0x50] =	vst v3  }
0x51: {  	v3 =	vld [tilespmem:s25+$0x60]  }
0x52: {  	[tilespmem:s21+$0xFFFFFFA0] =	vst v4;
	v4 =	vld [tilespmem:s23+$0x0];
	v5 =	vadd.f32 v10, v5  }
0x53: {  	v2 =	vadd.f32 v2, v6;
	v6 =	vld [tilespmem:s24+$0x0]  }
0x54: {  	v10 =	vld [tilespmem:s21+$0x40];
	[tilespmem:s21+$0x30] =	vst v5  }
0x55: {  	v5 =	vld [tilespmem:s22+$0x40]  }
0x56: {  	v9 =	vld [tilespmem:s20+$0x70];
	v3 =	vadd.f32 v3, v11  }
0x57: {  	v1 =	vld [tilespmem:s21+$0xFFFFFFE0]  }
0x58: {  	[tilespmem:s20+$0x60] =	vst v3;
	v3 =	vld [tilespmem:s22+$0xFFFFFFB0];
	v4 =	vadd.f32 v6, v4  }
0x59: {  	v6 =	vld [tilespmem:s23+$0xFFFFFF90]  }
0x5a: {  	[tilespmem:s23+$0x0] =	vst v4;
	v4 =	vld [tilespmem:s23+$0x10];
	v5 =	vadd.f32 v5, v10  }
0x5b: {  	v10 =	vld [tilespmem:s24+$0x10]  }
0x5c: {  	v11 =	vld [tilespmem:s25+$0x70];
	[tilespmem:s21+$0x40] =	vst v5  }
0x5d: {  	v3 =	vadd.f32 v3, v7;
	v7 =	vld [tilespmem:s22+$0x50]  }
0x5e: {  	[tilespmem:s20+$0xFFFFFFD0] =	vst v2;
	v2 =	vld [tilespmem:s21+$0xFFFFFFF0]  }
0x5f: {  	v14 =	vld [tilespmem:s25+$0xFFFFFFE0];
	[tilespmem:s21+$0xFFFFFFB0] =	vst v3;
	v6 =	vadd.f32 v15, v6  }
0x60: {  	v3 =	vadd.f32 v10, v4;
	v10 =	vld [tilespmem:s22+$0xFFFFFFC0]  }
0x61: {  	[tilespmem:s23+$0xFFFFFF90] =	vst v6;
	v6 =	vld [tilespmem:s23+$0xFFFFFFE0]  }
0x62: {  	v5 =	vld [tilespmem:s23+$0xFFFFFFB0];
	[tilespmem:s23+$0x10] =	vst v3;
	v3 =	vadd.f32 v7, v17  }
0x63: {  	v7 =	vld [tilespmem:s23+$0x20]  }
0x64: {  	v15 =	vld [tilespmem:s24+$0x20];
	[tilespmem:s21+$0x50] =	vst v3  }
0x65: {  	v10 =	vadd.f32 v10, v12;
	v12 =	vld [tilespmem:s22+$0x60]  }
0x66: {  	v61 =	vld [tilespmem:s24+$0xFFFFFFA0]  }
0x67: {  	v4 =	vld [tilespmem:s23+$0xFFFFFFC0];
	[tilespmem:s21+$0xFFFFFFC0] =	vst v10  }
0x68: {  	v10 =	vld [tilespmem:s22+$0xFFFFFFD0]  }
0x69: {  	v3 =	vld [tilespmem:s23+$0xFFFFFFD0];
	v7 =	vadd.f32 v15, v7  }
0x6a: {  	v15 =	vld [tilespmem:s21+$0x70];
	v12 =	vadd.f32 v12, v18  }
0x6b: {  	[tilespmem:s23+$0x20] =	vst v7;
	v7 =	vadd.f32 v14, v8;
	v14 =	vld [tilespmem:s23+$0x30]  }
0x6c: {  	v8 =	vadd.f32 v61, v60;
	v62 =	vld [tilespmem:s24+$0x30];
	[tilespmem:s21+$0x60] =	vst v12  }
0x6d: {  	[tilespmem:s20+$0xFFFFFFE0] =	vst v7;
	v7 =	vadd.f32 v10, v13;
	v63 =	vld [tilespmem:s22+$0x70]  }
0x6e: {  	[tilespmem:s23+$0xFFFFFFA0] =	vst v8;
	v8 =	vld [tilespmem:s25+$0xFFFFFFF0]  }
0x6f: {  	v12 =	vld [tilespmem:s24+$0xFFFFFFB0];
	[tilespmem:s21+$0xFFFFFFD0] =	vst v7  }
0x70: {  	v10 =	vadd.f32 v11, v9;
	v9 =	vld [tilespmem:s22+$0xFFFFFFE0]  }
0x71: {  	v7 =	vld [tilespmem:s23+$0xFFFFFFF0];
	v13 =	vadd.f32 v62, v14  }
0x72: {  	s26 =	simm.s32 $0x4;
	s28 =	simm.s32 $0x5280;
	s25 =	simm.s32 $0x7980;
	[tilespmem:s20+$0x70] =	vst v10;
	v10 =	vld [tilespmem:s23+$0x40];
	v11 =	vadd.f32 v63, v15  }
.LBB2_3:
0x73: {  	v14 =	vld [tilespmem:s28+$0x0];
	[tilespmem:s23+$0x30] =	vst v13;
	s24 =	sadd.s32 $0x100, s24;
	v8 =	vadd.f32 v8, v0;
	v0 =	vmov v2  }
0x74: {  	v13 =	vld [tilespmem:s24+$0x0];
	v12 =	vadd.f32 v12, v5;
	[tilespmem:s21+$0x70] =	vst v11  }
0x75: {  	s26 =	sadd.s32 $0x2, s26;
	v5 =	vld [tilespmem:s25+$0x40];
	v9 =	vadd.f32 v9, v1;
	[tilespmem:s20+$0xFFFFFFF0] =	vst v8;
	v1 =	vmov v6;
	s20 =	smov.u32 s21;
	s21 =	smov.u32 s23  }
0x76: {  	p0 =	slt.u32 s26, $0x4E;
	s23 =	smov.u32 s28;
	v6 =	vld [tilespmem:s24+$0xFFFFFF80];
	[tilespmem:s21+$0xFFFFFFB0] =	vst v12;
	v2 =	vmov v7  }
0x77: {  	v7 =	vld [tilespmem:s28+$0xFFFFFF80];
	[tilespmem:s20+$0xFFFFFFE0] =	vst v9  }
0x78: {  	v8 =	vld [tilespmem:s28+$0xFFFFFF90]  }
0x79: {  	v9 =	vld [tilespmem:s28+$0xFFFFFFA0];
	v11 =	vadd.f32 v13, v14  }
0x7a: {  	v5 =	vadd.f32 v5, v10;
	v10 =	vld [tilespmem:s21+$0x50]  }
0x7b: {  	[tilespmem:s28+$0x0] =	vst v11;
	v11 =	vld [tilespmem:s28+$0x10]  }
0x7c: {  	v6 =	vadd.f32 v6, v7;
	v7 =	vld [tilespmem:s24+$0x10];
	[tilespmem:s21+$0x40] =	vst v5  }
0x7d: {  	v12 =	vld [tilespmem:s25+$0x50]  }
0x7e: {  	[tilespmem:s28+$0xFFFFFF80] =	vst v6;
	v5 =	vld [tilespmem:s28+$0xFFFFFFB0]  }
0x7f: {  	v6 =	vld [tilespmem:s24+$0xFFFFFF90]  }
0x80: {  	v13 =	vld [tilespmem:s25+$0xFFFFFFC0]  }
0x81: {  	v14 =	vld [tilespmem:s28+$0xFFFFFFC0];
	v7 =	vadd.f32 v7, v11  }
0x82: {  	v10 =	vadd.f32 v12, v10;
	v11 =	vld [tilespmem:s21+$0x60]  }
0x83: {  	[tilespmem:s28+$0x10] =	vst v7;
	v7 =	vld [tilespmem:s28+$0x20]  }
0x84: {  	v6 =	vadd.f32 v6, v8;
	v8 =	vld [tilespmem:s24+$0x20];
	[tilespmem:s21+$0x50] =	vst v10  }
0x85: {  	v10 =	vadd.f32 v13, v4;
	v12 =	vld [tilespmem:s25+$0x60]  }
0x86: {  	[tilespmem:s28+$0xFFFFFF90] =	vst v6;
	v13 =	vld [tilespmem:s28+$0xFFFFFFD0];
	v4 =	vmov v14  }
0x87: {  	v14 =	vld [tilespmem:s24+$0xFFFFFFA0];
	[tilespmem:s21+$0xFFFFFFC0] =	vst v10  }
0x88: {  	v10 =	vld [tilespmem:s25+$0xFFFFFFD0]  }
0x89: {  	v6 =	vld [tilespmem:s28+$0xFFFFFFE0];
	v7 =	vadd.f32 v8, v7  }
0x8a: {  	v8 =	vadd.f32 v12, v11;
	v11 =	vld [tilespmem:s21+$0x70]  }
0x8b: {  	[tilespmem:s28+$0x20] =	vst v7;
	v15 =	vld [tilespmem:s28+$0x30]  }
0x8c: {  	v7 =	vadd.f32 v14, v9;
	v14 =	vld [tilespmem:s24+$0x30];
	[tilespmem:s21+$0x60] =	vst v8  }
0x8d: {  	v9 =	vadd.f32 v10, v3;
	v16 =	vld [tilespmem:s25+$0x70];
	v3 =	vmov v13  }
.Ltmp0:
0x8e: {  	[tilespmem:s28+$0xFFFFFFA0] =	vst v7;
	v8 =	vld [tilespmem:s22+$0xFFFFFFF0];
	s22 =	smov.u32 s25;
	s25 =	smov.u32 s24;
	(pc) =	sbr.rel @p0 .LBB2_3-.Ltmp0, $4  }
0x8f: {  	v12 =	vld [tilespmem:s24+$0xFFFFFFB0];
	[tilespmem:s21+$0xFFFFFFD0] =	vst v9  }
0x90: {  	v9 =	vld [tilespmem:s22+$0xFFFFFFE0]  }
0x91: {  	v7 =	vld [tilespmem:s28+$0xFFFFFFF0];
	v13 =	vadd.f32 v14, v15  }
0x92: {  	s28 =	sadd.s32 $0x100, s28;
	v10 =	vld [tilespmem:s23+$0x40];
	v11 =	vadd.f32 v16, v11  }
0x93: {  	_ = 	snop  }
0x94: {  	v5 =	vadd.f32 v12, v5  }
0x95: {  	[tilespmem:s23+$0x30] =	vst v13  }
0x96: {  	v54 =	vld [tilespmem:s25+$0x40];
	[tilespmem:s23+$0xFFFFFFB0] =	vst v5  }
0x97: {  	v5 =	vld [tilespmem:s25+$0xFFFFFFC0];
	_ =	sdelay $0x3  }
0x98: {  	v10 =	vadd.f32 v54, v10  }
0x99: {  	v4 =	vadd.f32 v5, v4  }
0x9a: {  	v55 =	vld [tilespmem:s23+$0x50];
	[tilespmem:s23+$0x40] =	vst v10  }
0x9b: {  	v56 =	vld [tilespmem:s25+$0x50];
	[tilespmem:s23+$0xFFFFFFC0] =	vst v4  }
0x9c: {  	v4 =	vld [tilespmem:s25+$0xFFFFFFD0];
	_ =	sdelay $0x3  }
0x9d: {  	v5 =	vadd.f32 v56, v55  }
0x9e: {  	v3 =	vadd.f32 v4, v3  }
0x9f: {  	v57 =	vld [tilespmem:s23+$0x60];
	[tilespmem:s23+$0x50] =	vst v5  }
0xa0: {  	v58 =	vld [tilespmem:s25+$0x60];
	[tilespmem:s23+$0xFFFFFFD0] =	vst v3  }
0xa1: {  	v3 =	vld [tilespmem:s25+$0xFFFFFFE0];
	_ =	sdelay $0x2  }
0xa2: {  	v1 =	vadd.f32 v9, v1  }
0xa3: {  	v4 =	vadd.f32 v58, v57  }
0xa4: {  	v59 =	vld [tilespmem:s23+$0x70];
	[tilespmem:s21+$0xFFFFFFE0] =	vst v1;
	v3 =	vadd.f32 v3, v6  }
0xa5: {  	v61 =	vld [tilespmem:s22+$0xFFFFFFF0];
	[tilespmem:s23+$0x60] =	vst v4  }
0xa6: {  	v60 =	vld [tilespmem:s25+$0x70];
	[tilespmem:s23+$0xFFFFFFE0] =	vst v3  }
0xa7: {  	v3 =	vld [tilespmem:s25+$0xFFFFFFF0];
	_ =	sdelay $0x1  }
0xa8: {  	v0 =	vadd.f32 v8, v0  }
0xa9: {  	[tilespmem:s21+$0x70] =	vst v11;
	v62 =	vadd.f32 v61, v2  }
0xaa: {  	[tilespmem:s20+$0xFFFFFFF0] =	vst v0;
	v1 =	vadd.f32 v60, v59  }
0xab: {  	s19 =	sadd.s32 s3, s19;
	s18 =	sadd.s32 $0x1, s18;
	[tilespmem:s21+$0xFFFFFFF0] =	vst v62;
	v63 =	vadd.f32 v3, v7  }
0xac: {  	s19 =	sshll.u32 s19, $0x4;
	p0 =	sne.s32 s18, $0x7D;
	[tilespmem:s23+$0x70] =	vst v1  }
.Ltmp1:
0xad: {  	s19 =	sadd.s32 s6, s19;
	[tilespmem:s23+$0xFFFFFFF0] =	vst v63;
	(pc) =	sbr.rel @p0 .LBB2_2-.Ltmp1, $4  }
0xae: {  	[hbm4b:s19+s2] =	stream.linear.scatter [tilespmem:s13], [sflag:$0x3], $0x2800, $0x38;
	[tilespmem:$0x9F00] =	vst v63  }
0xaf: {  	_ =	swait.ge [sflag:s10], $0x2800  }
0xb0: {  	[sflag:s10] =	ssyncset.done $0x0  }
0xb1: {  	[sflag:s10] =	ssyncadd.s32 $0xFFFFD800  }
0xb2: {  	s17 =	sadd.s32 $0x1, s17  }
0xb3: {  	p0 =	sne.s32 s17, s9  }
.Ltmp2:
0xb4: {  	_ = 	snop;
	(pc) =	sbr.rel @p0 .LBB2_1-.Ltmp2, $1  }
0xb5: {  	_ =	sdelay $0x3  }
0xb6: {  	_ =	sfence.sel $0x180000  }
0xb7: {  	[bflag:$0x0] =	sbarrier.arrive $0xFFFF  }
0xb8: {  	p0 =	sne.s32 s0, $0x0;
	_ =	strace $0x9000004D  }
0xb9: {  	s0 =	sadd.s32 @!p0 $0x100000, s1;
	[bflag:$0x2] =	sbarrier.arrive $0xFFFF  }
0xba: {  	[sflag:s0] =	ssyncadd.tile.s32 @!p0 $0x1;
	_ =	shalt  }
.Lfunc_end2:
_tile_overlayer_lowered:
.L_overlay_start_2:
0xbb: {  	(tag) =	ssettag $0x2  }
0xbc: {  	s0 =	rddreg [dreg:$0x0];
	s2 =	stileid.u32  }
0xbd: {  	s1 =	rddreg [dreg:$0x1];
	p0 =	sne.s32 s2, $0x0  }
0xbe: {  	s3 =	rddreg [dreg:$0x2];
	[bflag:$0x3] =	sbarrier.arrive $0xFFFF;
	s2 =	simm.s32 @!p0 $0x1C03  }
0xbf: {  	[timem:s3], [sflag:s2] =	dma.local @!p0 [hbm:s0], s1  }
0xc0: {  	s0 =	simm.s32 @!p0 $0x3  }
0xc1: {  	_ =	swait.ge @!p0 [sflag:s0], s1  }
0xc2: {  	s1 =	ssub.s32 @!p0 $0x0, s1;
	[sflag:s0] =	ssyncset.done @!p0 $0x0  }
0xc3: {  	[sflag:s0] =	ssyncadd.s32 @!p0 s1  }
0xc4: {  	[bflag:$0x3] =	sbarrier.arrive $0xFFFF  }
0xc5: {  	_ =	shalt  }

// kernel: kernel.13.cloned.1.call-start
scs
__scs_entry_jumppad:
0x0: {  	(pc) =	sbr.rel $0x88, $3  }
0x1: {  	(tag) =	ssettag $0x0;
	lr =	simm.s32 $0x1  }
0x2: {  	[smem:$0x3F89] =	sst lr;
	_ =	strace $0xD0000000  }
0x3: {  	_ = 	snop  }
0x4: {  	_ = 	snop  }
0x5: {  	_ = 	snop  }
0x6: {  	_ = 	snop  }
0x7: {  	_ = 	snop  }
__scs_overlays_trampoline_lowered:
0x8: {  	[smem:$0x3F98] =	sst s0  }
0x9: {  	[smem:$0x3F99] =	sst s1  }
0xa: {  	[smem:$0x3F9A] =	sst s2  }
0xb: {  	[smem:$0x3F9B] =	sst s3  }
0xc: {  	[smem:$0x3F9C] =	sst s4  }
0xd: {  	[smem:$0x3F9D] =	sst s5  }
0xe: {  	[smem:$0x3F9E] =	sst s6  }
0xf: {  	[smem:$0x3F9F] =	sst s7  }
0x10: {  	[smem:$0x3FA0] =	sst s8  }
0x11: {  	[smem:$0x3FA1] =	sst s9;
	s0 =	simm.s32 @!p0 $0x0  }
0x12: {  	s1 =	sld [smem:$0x3F87];
	s0 =	simm.s32 @p0 $0x1  }
0x13: {  	[smem:$0x3FA2] =	sst s0;
	s0 =	simm.s32 @!p1 $0x0  }
0x14: {  	s2 =	sld [smem:$0x3F86];
	s0 =	simm.s32 @p1 $0x1  }
0x15: {  	[smem:$0x3FA3] =	sst s0;
	s0 =	simm.s32 @!p2 $0x0  }
0x16: {  	s3 =	sld [smem:$0x3FDB];
	s0 =	simm.s32 @p2 $0x1  }
0x17: {  	s4 =	simm.s32 $0x1BF5;
	[smem:$0x3FA5] =	sst s0  }
0x18: {  	s0 =	sld [smem:$0x3F88];
	_ =	swait.ge [sflag:s4], $0x0  }
0x19: {  	s7 =	sld [smem:$0x3F89]  }
0x1a: {  	s8 =	sadd.s32 $0xFFFFE003, lr  }
0x1b: {  	s9 =	sadd.s32 $0xFFFFFEF7, lr;
	s5 =	simm.s32 $0xFFFFFFFF;
	p2 =	slt.u32 s8, $0xFFFFF086  }
0x1c: {  	p1 =	slt.u32 s9, $0xF7A;
	s5 =	simm.s32 @!p2 $0x0  }
0x1d: {  	s5 =	simm.s32 @p1 $0x1;
	p0 =	seq.s32 s7, s2  }
0x1e: {  	s7 =	smul.u32 @!p0 $0xF7A, s2;
	p2 =	seq.s32 @!p0 s5, $0x0  }
0x1f: {  	s9 =	smul.u32 $0xF7A, s1;
	s8 =	simm.s32 @!p0 $0x1BF5;
	p2 =	por !p2, p0  }
0x20: {  	[sflag:s8] =	ssyncset.s32 @!p0 $0xFFFFF086;
	s6 =	sadd.s32 @!p0 s3, s7;
	s7 =	simm.s32 @!p0 $0x108  }
0x21: {  	s3 =	sadd.s32 s3, s9;
	s6 =	sadd.s32 @!p0 $0x88, s6;
	s7 =	simm.s32 @p2 $0x1082  }
0x22: {  	[simem:s7], [sflag:s8] =	dma.local @!p0 [hbm:s6], $0xF7A  }
0x23: {  	s9 =	sor.u32 $0xD0000000, s2;
	s6 =	simm.s32 $0x108;
	_ =	swait.ge @!p0 [sflag:s8], $0x0  }
0x24: {  	s3 =	sadd.s32 $0x88, s3;
	s6 =	simm.s32 @!p1 $0x1082;
	[sflag:s4] =	ssyncset.s32 $0xFFFFF086  }
0x25: {  	[simem:s6], [sflag:s4] =	dma.local [hbm:s3], $0xF7A  }
0x26: {  	[smem:$0x3F89] =	sst s1;
	(tag) =	ssettag s2;
	_ =	strace s9  }
0x27: {  	s1 =	sld [smem:$0x3F99]  }
0x28: {  	s2 =	sld [smem:$0x3F9A]  }
0x29: {  	s4 =	sld [smem:$0x3F9C]  }
0x2a: {  	p0 =	seq.s32 s5, $0x0;
	s5 =	sld [smem:$0x3F9D]  }
0x2b: {  	s6 =	sld [smem:$0x3F9E]  }
0x2c: {  	s7 =	sld [smem:$0x3F9F]  }
0x2d: {  	s3 =	simm.s32 $0x108;
	s8 =	sld [smem:$0x3FA0]  }
0x2e: {  	s3 =	simm.s32 @!p0 $0x1082;
	s9 =	sld [smem:$0x3FA1]  }
0x2f: {  	lr =	sadd.s32 s0, s3;
	s0 =	sld [smem:$0x3F98]  }
0x30: {  	s3 =	sld [smem:$0x3F9B]  }
0x31: {  	[smem:$0x3FA4] =	sst s10  }
0x32: {  	s10 =	sld [smem:$0x3FA2];
	_ =	sdelay $0x3  }
0x33: {  	p0 =	seq.s32 s10, $0x1;
	s10 =	sld [smem:$0x3FA4];
	_ =	sdelay $0x3  }
0x34: {  	[smem:$0x3FA4] =	sst s10  }
0x35: {  	s10 =	sld [smem:$0x3FA3];
	_ =	sdelay $0x3  }
0x36: {  	p1 =	seq.s32 s10, $0x1;
	s10 =	sld [smem:$0x3FA4];
	_ =	sdelay $0x3  }
0x37: {  	[smem:$0x3FA4] =	sst s10  }
0x38: {  	s10 =	sld [smem:$0x3FA5]  }
0x39: {  	_ = 	snop;
	(pc) =	sbr.ind lr, $3  }
0x3a: {  	_ = 	snop  }
0x3b: {  	_ = 	snop  }
0x3c: {  	p2 =	seq.s32 s10, $0x1;
	s10 =	sld [smem:$0x3FA4]  }
0x3d: {  	_ =	shalt  }
0x3e: {  	_ =	shalt  }
0x3f: {  	_ =	shalt  }
0x40: {  	_ =	shalt  }
0x41: {  	_ =	shalt  }
0x42: {  	_ =	shalt  }
0x43: {  	_ =	shalt  }
0x44: {  	_ =	shalt  }
0x45: {  	_ =	shalt  }
0x46: {  	_ =	shalt  }
0x47: {  	_ =	shalt  }
0x48: {  	_ =	shalt  }
0x49: {  	_ =	shalt  }
0x4a: {  	_ =	shalt  }
0x4b: {  	_ =	shalt  }
0x4c: {  	_ =	shalt  }
0x4d: {  	_ =	shalt  }
0x4e: {  	_ =	shalt  }
0x4f: {  	_ =	shalt  }
0x50: {  	_ =	shalt  }
0x51: {  	_ =	shalt  }
0x52: {  	_ =	shalt  }
0x53: {  	_ =	shalt  }
0x54: {  	_ =	shalt  }
0x55: {  	_ =	shalt  }
0x56: {  	_ =	shalt  }
0x57: {  	_ =	shalt  }
0x58: {  	_ =	shalt  }
0x59: {  	_ =	shalt  }
0x5a: {  	_ =	shalt  }
0x5b: {  	_ =	shalt  }
0x5c: {  	_ =	shalt  }
0x5d: {  	_ =	shalt  }
0x5e: {  	_ =	shalt  }
0x5f: {  	_ =	shalt  }
0x60: {  	_ =	shalt  }
0x61: {  	_ =	shalt  }
0x62: {  	_ =	shalt  }
0x63: {  	_ =	shalt  }
0x64: {  	_ =	shalt  }
0x65: {  	_ =	shalt  }
0x66: {  	_ =	shalt  }
0x67: {  	_ =	shalt  }
0x68: {  	_ =	shalt  }
0x69: {  	_ =	shalt  }
0x6a: {  	_ =	shalt  }
0x6b: {  	_ =	shalt  }
0x6c: {  	_ =	shalt  }
0x6d: {  	_ =	shalt  }
0x6e: {  	_ =	shalt  }
0x6f: {  	_ =	shalt  }
0x70: {  	_ =	shalt  }
0x71: {  	_ =	shalt  }
0x72: {  	_ =	shalt  }
0x73: {  	_ =	shalt  }
0x74: {  	_ =	shalt  }
0x75: {  	_ =	shalt  }
0x76: {  	_ =	shalt  }
0x77: {  	_ =	shalt  }
0x78: {  	_ =	shalt  }
0x79: {  	_ =	shalt  }
0x7a: {  	_ =	shalt  }
0x7b: {  	_ =	shalt  }
0x7c: {  	_ =	shalt  }
0x7d: {  	_ =	shalt  }
0x7e: {  	_ =	shalt  }
0x7f: {  	_ =	shalt  }
0x80: {  	_ =	shalt  }
0x81: {  	_ =	shalt  }
0x82: {  	_ =	shalt  }
0x83: {  	_ =	shalt  }
0x84: {  	_ =	shalt  }
0x85: {  	_ =	shalt  }
0x86: {  	_ =	shalt  }
0x87: {  	_ =	shalt  }
.Lfunc_end0:
.L_simem_size_0:
called_computation.1_lowered:
.L_overlay_start_0:
0x88: {  	s2 =	sld [smem:$0x3FD9]  }
0x89: {  	s3 =	sld [smem:$0x3FFE];
	_ =	sdelay $0x1  }
0x8a: {  	s1 =	srdreg.scid  }
0x8b: {  	s0 =	sand.u32 $0x1, s1  }
0x8c: {  	s14 =	sshll.u32 s0, $0xA;
	s2 =	sadd.s32 s3, s2  }
0x8d: {  	s2 =	sadd.s32 s2, s14  }
0x8e: {  	[smem:$0x3FB0] =	sst s2  }
0x8f: {  	_ = 	snop  }
0x90: {  	s2 =	sld [smem:$0x3FD0];
	_ =	sdelay $0x2  }
0x91: {  	s4 =	simm.s32 $0xD;
	s5 =	simm.s32 $0x10;
	s15 =	sld [smem:$0x3FC8]  }
0x92: {  	[smem:s5], [sflag:s4] =	dma.local [hbm:s2], $0x1  }
0x93: {  	_ =	swait.eq [sflag:s4], $0x1  }
0x94: {  	[sflag:s4] =	ssyncset.done $0x0  }
0x95: {  	s16 =	sld [smem:$0x10];
	[sflag:s4] =	ssyncadd.s32 $0xFFFFFFFF  }
0x96: {  	s17 =	sld [smem:$0x11];
	(tm) =	ssettm $0x1  }
0x97: {  	s18 =	sld [smem:$0x3FFB];
	_ =	sdelay $0x3  }
0x98: {  	_ =	strace s18  }
0x99: {  	s5 =	sld [smem:$0x3FFC];
	_ =	sdelay $0x3  }
0x9a: {  	_ =	strace s5  }
0x9b: {  	s5 =	sld [smem:$0x3FFD];
	_ =	sdelay $0x3  }
0x9c: {  	_ =	strace s5  }
0x9d: {  	_ =	strace $0x8FFFFFFF  }
0x9e: {  	s19 =	sld [smem:$0x3FDB];
	_ =	sdelay $0x1  }
0x9f: {  	s6 =	simm.s32 $_scs_section_size  }
0xa0: {  	s7 =	simm.s32 $_size__tile_overlayer_lowered;
	s8 =	simm.s32 $_tile_overlayer_lowered  }
0xa1: {  	s22 =	simm.s32 $0x1BFF;
	s21 =	sshll.u32 s8, $0x1;
	s5 =	sadd.s32 s6, s19  }
0xa2: {  	s9 =	simm.s32 $0x0;
	s20 =	sshll.u32 s7, $0x1;
	s7 =	sadd.s32 s21, s5  }
0xa3: {  	[timem:s9], [sflag:s22] =	dma.local [hbm:s7], s20  }
0xa4: {  	_ =	swait.ge [sflag:s22], s20  }
0xa5: {  	s6 =	ssub.s32 $0x0, s20;
	[sflag:s22] =	ssyncset.done $0x0  }
0xa6: {  	[sflag:s22] =	ssyncadd.s32 s6;
	_ =	sdelay $0x1  }
0xa7: {  	s23 =	simm.s32 $0x1B8B  }
0xa8: {  	_ =	swait.ge [sflag:s23], $0x1  }
0xa9: {  	[sflag:s23] =	ssyncset.done $0x0  }
0xaa: {  	s25 =	simm.s32 $0x1B8E;
	s24 =	sld [smem:$0x3FFE];
	[sflag:s23] =	ssyncadd.s32 $0xFFFFFFFF  }
0xab: {  	s26 =	simm.s32 $execute0_lowered;
	[smem:$0x3FD2] =	sst s25  }
0xac: {  	s7 =	sshll.u32 s26, $0x1;
	_ =	strace $0x80000046;
	[dreg:$0x1] =	wrdreg $0xFFFFFFFF  }
0xad: {  	s28 =	simm.s32 $_size_execute0_lowered;
	s5 =	sadd.s32 s5, s7;
	[dreg:$0x0] =	wrdreg $0x0  }
0xae: {  	s7 =	sshll.u32 s28, $0x1;
	[dreg:$0x2] =	wrdreg s5  }
0xaf: {  	[dreg:$0x3] =	wrdreg s7  }
0xb0: {  	[dreg:$0x4] =	wrdreg $0xC0  }
0xb1: {  	_ =	task [dreg:s9], $0x5FFFF  }
0xb2: {  	[dreg:$0x1] =	wrdreg $0xFFFFFFFF  }
0xb3: {  	[dreg:$0x0] =	wrdreg $0x60  }
0xb4: {  	[dreg:$0x2] =	wrdreg s16  }
0xb5: {  	[dreg:$0x3] =	wrdreg s15  }
0xb6: {  	[dreg:$0x4] =	wrdreg s24  }
0xb7: {  	[dreg:$0x5] =	wrdreg s17  }
0xb8: {  	[dreg:$0x6] =	wrdreg $0xA8000  }
0xb9: {  	[dreg:$0x7] =	wrdreg $0xA  }
0xba: {  	_ =	task.clear_ibuf [dreg:s9], $0x8FFFF;
	_ =	strace $0x90000046  }
0xbb: {  	s29 =	simm.s32 $0xA;
	_ =	strace $0x80000048  }
0xbc: {  	_ =	swait.ge [sflag:s29], $0x1  }
0xbd: {  	[sflag:s29] =	ssyncadd.s32 $0xFFFFFFFF  }
0xbe: {  	_ =	strace $0x90000048  }
0xbf: {  	_ =	sfence  }
0xc0: {  	s30 =	sld [smem:$0x0];
	_ =	sdelay $0x2  }
0xc1: {  	s31 =	sshll.u32 s1, $0xD;
	s1 =	sshrl.u32 s1, $0x2  }
0xc2: {  	s3 =	sand.u32 $0x4000, s31;
	s1 =	sadd.s32 s1, s30  }
0xc3: {  	s0 =	sor.u32 s3, s0;
	s1 =	sshll.u32 s1, $0x11  }
0xc4: {  	s0 =	sor.u32 s1, s0  }
0xc5: {  	s0 =	sadd.s32 $0x8F2B, s0  }
0xc6: {  	[sflag:s0] =	ssyncadd.remote.s32 $0x1  }
0xc7: {  	_ =	sfence.sel $0xFFFF  }
0xc8: {  	[dreg:$0x0] =	wrdreg $0xFFFFFFFF;
	(pc) =	sbr.abs _section_cstart, $3  }
0xc9: {  	[dreg:$0x1] =	wrdreg $0xFFFFFFFF  }
0xca: {  	_ =	task.clear_ibuf [dreg:s9], $0x2FFFF;
	_ =	strace $0x9FFFFFFF  }
0xcb: {  	(tm) =	ssettm $0x7FFFFFFF  }
tec
execute0_lowered:
.L_overlay_start_1:
0x0: {  	(tag) =	ssettag $0x1  }
0x1: {  	s6 =	rddreg [dreg:$0x0]  }
0x2: {  	s0 =	rddreg [dreg:$0x1]  }
0x3: {  	s5 =	rddreg [dreg:$0x2]  }
0x4: {  	s1 =	srdreg.scid;
	s7 =	rddreg [dreg:$0x3]  }
0x5: {  	s3 =	rddreg [dreg:$0x4];
	s2 =	stileid.u32;
	s4 =	simm.s32 $0x0  }
0x6: {  	s15 =	simm.s32 $0x1;
	s16 =	simm.s32 $0x80;
	s17 =	simm.s32 $0x2  }
0x7: {  	s18 =	simm.s32 $0x3;
	s19 =	simm.s32 $0x4;
	s20 =	simm.s32 $0x0  }
0x8: {  	s8 =	sand.u32 $0x1, s1;
	s1 =	rddreg [dreg:$0x5];
	s11 =	smul.u32 $0x7D000, s2  }
0x9: {  	[smem:$0x7FF] =	sst s4;
	s5 =	sadd.s32 $0x18C00, s5;
	s28 =	smul.u32 $0x3E80, s2  }
0xa: {  	s31 =	smul.u32 $0x2800, s2;
	p0 =	sgt.u32 s2, $0x9;
	s9 =	sshll.u32 s8, $0x4  }
0xb: {  	_ =	strace $0x80000047;
	s10 =	ssub.s32 $0x2, s8;
	s13 =	smul.u32 $0x27100, s8  }
0xc: {  	s29 =	smul.u32 $0x28000, s8;
	s9 =	sor.u32 s2, s9;
	s12 =	sshrl.u32 s10, $0x1  }
0xd: {  	s11 =	sshrl.u32 s11, $0x2;
	s9 =	smul.u32 $0x500, s9;
	s10 =	ssub.s32 s10, s12  }
0xe: {  	s14 =	sadd.s32 s11, s3;
	s30 =	sadd.s32 s28, s13;
	s12 =	sshll.u32 @!p0 s2, $0x6  }
0xf: {  	s13 =	simm.s32 $0x2800;
	s7 =	sadd.s32 s7, s30;
	s8 =	smax.u32 s10, $0x1  }
0x10: {  	s10 =	simm.s32 $0x5;
	s11 =	sor.u32 @!p0 $0x1C05, s12;
	s12 =	sshrl.u32 @!p0 s14, $0x3  }
0x11: {  	s14 =	simm.s32 $0x6800;
	s6 =	sadd.s32 s6, s9;
	s9 =	sadd.s32 s31, s29  }
.LBB2_1:
0x12: {  	[tilespmem:s4], [sflag:$0x5] =	stream.linear.gather [hbm4b:s6+s4], $0x2800, $0x38;
	[tilespmem:$0x1E0C0] =	vst v63  }
0x13: {  	_ =	swait.ge [sflag:s10], $0x2800  }
0x14: {  	[sflag:s10] =	ssyncset.done $0x0  }
0x15: {  	s21 =	simm.s32 @!p0 $0x5;
	s22 =	sadd.s32 $0x0, s9;
	[sflag:s10] =	ssyncadd.s32 $0xFFFFD800  }
0x16: {  	[spmem:s12], [sflag:s11] =	dma.local @!p0 [hbm:s5], $0x3E80  }
0x17: {  	s23 =	sadd.s32 $0x80, s22;
	p1 =	slt.s32 s22, $0x4E180;
	_ =	swait.ge @!p0 [sflag:s21], $0x3E80  }
0x18: {  	p2 =	slt.s32 s23, $0x4E180;
	s22 =	simm.s32 @!p1 $0x4E180;
	[sflag:s21] =	ssyncset.done @!p0 $0x0  }
0x19: {  	s23 =	simm.s32 @!p2 $0x4E180;
	s28 =	sshll.u32 s22, $0x4;
	[sflag:s21] =	ssyncadd.s32 @!p0 $0xFFFFC180  }
0x1a: {  	s29 =	sshll.u32 s23, $0x4;
	s21 =	sadd.s32 s0, s28;
	[bflag:$0x0] =	sbarrier.arrive $0xFFFF  }
0x1b: {  	[tilespmem:s13], [sflag:$0x1] =	stream.linear.gather [hbm4b:s21+s4], $0x4000, $0x38;
	[tilespmem:$0x1E0C0] =	vst v63  }
0x1c: {  	s30 =	sadd.s32 s0, s29  }
0x1d: {  	[tilespmem:s14], [sflag:$0x2] =	stream.linear.gather [hbm4b:s30+s4], $0x4000, $0x38;
	[tilespmem:$0x1E0C0] =	vst v63  }
0x1e: {  	_ =	swait.ge [sflag:s15], $0x4000  }
0x1f: {  	[sflag:s15] =	ssyncset.done $0x0  }
0x20: {  	s31 =	simm.s32 $0x0;
	[sflag:s15] =	ssyncadd.s32 $0xFFFFC000  }
0x21: {  	[spmem:s3] =	stream.indirect.scatter.add.f32 [tilespmem:s13], [sflag:$0x3], $0x80, s31, s16, $0xb8;
	[tilespmem:$0x1E0C0] =	vst v63  }
0x22: {  	_ =	swait.ge [sflag:s17], $0x4000  }
0x23: {  	[sflag:s17] =	ssyncset.done $0x0  }
0x24: {  	[sflag:s17] =	ssyncadd.s32 $0xFFFFC000  }
0x25: {  	[spmem:s3] =	stream.indirect.scatter.add.f32 [tilespmem:s14], [sflag:$0x4], $0x80, s16, s16, $0xb8;
	[tilespmem:$0x1E0C0] =	vst v63  }
0x26: {  	s24 =	sadd.s32 $0x100, s9;
	_ =	swait.ge [sflag:s18], $0x4000  }
0x27: {  	p1 =	slt.s32 s24, $0x4E180;
	s22 =	simm.s32 $0x200;
	[sflag:s18] =	ssyncset.done $0x0  }
0x28: {  	s23 =	sadd.s32 $0x80, s24;
	s24 =	simm.s32 @!p1 $0x4E180;
	[sflag:s18] =	ssyncadd.s32 $0xFFFFC000  }
0x29: {  	p2 =	slt.s32 s23, $0x4E180;
	s24 =	sshll.u32 s24, $0x4;
	_ =	swait.ge [sflag:s19], $0x4000  }
0x2a: {  	s23 =	simm.s32 @!p2 $0x4E180;
	s21 =	simm.s32 $0x180;
	[sflag:s19] =	ssyncset.done $0x0  }
.LBB2_2:
0x2b: {  	s24 =	sadd.s32 s0, s24  }
0x2c: {  	s23 =	sshll.u32 s23, $0x4;
	[sflag:s19] =	ssyncadd.s32 $0xFFFFC000;
	s25 =	smov.u32 s22  }
0x2d: {  	[tilespmem:s13], [sflag:$0x1] =	stream.linear.gather [hbm4b:s24+s4], $0x4000, $0x38;
	[tilespmem:$0x1E0C0] =	vst v63  }
0x2e: {  	p1 =	sne.s32 s22, $0x2700;
	s22 =	sadd.s32 $0x100, s22;
	s23 =	sadd.s32 s0, s23  }
0x2f: {  	[tilespmem:s14], [sflag:$0x2] =	stream.linear.gather [hbm4b:s23+s4], $0x4000, $0x38;
	[tilespmem:$0x1E0C0] =	vst v63  }
0x30: {  	_ =	swait.ge [sflag:s15], $0x4000  }
0x31: {  	[sflag:s15] =	ssyncset.done $0x0  }
0x32: {  	s23 =	sadd.s32 $0xFFFFFF80, s21;
	[sflag:s15] =	ssyncadd.s32 $0xFFFFC000  }
0x33: {  	[spmem:s3] =	stream.indirect.scatter.add.f32 [tilespmem:s13], [sflag:$0x3], $0x80, s23, s16, $0xb8;
	[tilespmem:$0x1E0C0] =	vst v63  }
0x34: {  	_ =	swait.ge [sflag:s17], $0x4000  }
0x35: {  	[sflag:s17] =	ssyncset.done $0x0  }
0x36: {  	[sflag:s17] =	ssyncadd.s32 $0xFFFFC000  }
0x37: {  	[spmem:s3] =	stream.indirect.scatter.add.f32 [tilespmem:s14], [sflag:$0x4], $0x80, s21, s16, $0xb8;
	[tilespmem:$0x1E0C0] =	vst v63  }
.Ltmp0:
0x38: {  	_ =	swait.ge [sflag:s18], $0x4000;
	(pc) =	sbr.rel @p1 .LBB2_2-.Ltmp0, $4  }
0x39: {  	s24 =	sadd.s32 s25, s9;
	s21 =	sadd.s32 $0x100, s21;
	[sflag:s18] =	ssyncset.done $0x0  }
0x3a: {  	p2 =	slt.s32 s24, $0x4E180;
	s23 =	sadd.s32 $0x80, s24;
	[sflag:s18] =	ssyncadd.s32 $0xFFFFC000  }
0x3b: {  	s24 =	simm.s32 @!p2 $0x4E180;
	p3 =	slt.s32 s23, $0x4E180;
	_ =	swait.ge [sflag:s19], $0x4000  }
0x3c: {  	s24 =	sshll.u32 s24, $0x4;
	s23 =	simm.s32 @!p3 $0x4E180;
	[sflag:s19] =	ssyncset.done $0x0  }
0x3d: {  	s22 =	sadd.s32 s0, s24;
	s23 =	sshll.u32 s23, $0x4;
	[sflag:s19] =	ssyncadd.s32 $0xFFFFC000  }
0x3e: {  	[tilespmem:s13], [sflag:$0x1] =	stream.linear.gather [hbm4b:s22+s4], $0x4000, $0x38;
	[tilespmem:$0x1E0C0] =	vst v63  }
0x3f: {  	s30 =	sadd.s32 s0, s23  }
0x40: {  	[tilespmem:s14], [sflag:$0x2] =	stream.linear.gather [hbm4b:s30+s4], $0x4000, $0x38;
	[tilespmem:$0x1E0C0] =	vst v63  }
0x41: {  	_ =	swait.ge [sflag:s15], $0x4000  }
0x42: {  	[sflag:s15] =	ssyncset.done $0x0  }
0x43: {  	s31 =	sadd.s32 $0xFFFFFF80, s21;
	[sflag:s15] =	ssyncadd.s32 $0xFFFFC000  }
0x44: {  	[spmem:s3] =	stream.indirect.scatter.add.f32 [tilespmem:s13], [sflag:$0x3], $0x80, s31, s16, $0xb8;
	[tilespmem:$0x1E0C0] =	vst v63  }
0x45: {  	_ =	swait.ge [sflag:s17], $0x4000  }
0x46: {  	[sflag:s17] =	ssyncset.done $0x0  }
0x47: {  	[sflag:s17] =	ssyncadd.s32 $0xFFFFC000  }
0x48: {  	[spmem:s3] =	stream.indirect.scatter.add.f32 [tilespmem:s14], [sflag:$0x4], $0x80, s21, s16, $0xb8;
	[tilespmem:$0x1E0C0] =	vst v63  }
0x49: {  	_ =	swait.ge [sflag:s18], $0x4000  }
0x4a: {  	[sflag:s18] =	ssyncset.done $0x0  }
0x4b: {  	[sflag:s18] =	ssyncadd.s32 $0xFFFFC000  }
0x4c: {  	_ =	swait.ge [sflag:s19], $0x4000  }
0x4d: {  	s20 =	sadd.s32 $0x1, s20;
	[sflag:s19] =	ssyncset.done $0x0  }
0x4e: {  	p1 =	sne.s32 s20, s8;
	[sflag:s19] =	ssyncadd.s32 $0xFFFFC000  }
.Ltmp1:
0x4f: {  	s21 =	simm.s32 @!p0 $0x5;
	[bflag:$0x0] =	sbarrier.arrive $0xFFFF;
	(pc) =	sbr.rel @p1 .LBB2_1-.Ltmp1, $4  }
0x50: {  	[hbm:s7], [sflag:s11] =	dma.local @!p0 [spmem:s12], $0x3E80  }
0x51: {  	_ =	swait.ge @!p0 [sflag:s21], $0x3E80  }
0x52: {  	[sflag:s21] =	ssyncset.done @!p0 $0x0  }
0x53: {  	[sflag:s21] =	ssyncadd.s32 @!p0 $0xFFFFC180  }
0x54: {  	_ =	sfence.sel $0x180000  }
0x55: {  	[bflag:$0x0] =	sbarrier.arrive $0xFFFF  }
0x56: {  	p0 =	sne.s32 s2, $0x0;
	_ =	strace $0x90000047  }
0x57: {  	s0 =	sadd.s32 @!p0 $0x100000, s1;
	[bflag:$0x2] =	sbarrier.arrive $0xFFFF  }
0x58: {  	[sflag:s0] =	ssyncadd.tile.s32 @!p0 $0x1;
	_ =	shalt  }
.Lfunc_end2:
_tile_overlayer_lowered:
.L_overlay_start_2:
0x59: {  	(tag) =	ssettag $0x2  }
0x5a: {  	s0 =	rddreg [dreg:$0x0];
	s2 =	stileid.u32  }
0x5b: {  	s1 =	rddreg [dreg:$0x1];
	p0 =	sne.s32 s2, $0x0  }
0x5c: {  	s3 =	rddreg [dreg:$0x2];
	[bflag:$0x3] =	sbarrier.arrive $0xFFFF;
	s2 =	simm.s32 @!p0 $0x1C05  }
0x5d: {  	[timem:s3], [sflag:s2] =	dma.local @!p0 [hbm:s0], s1  }
0x5e: {  	s0 =	simm.s32 @!p0 $0x5  }
0x5f: {  	_ =	swait.ge @!p0 [sflag:s0], s1  }
0x60: {  	s1 =	ssub.s32 @!p0 $0x0, s1;
	[sflag:s0] =	ssyncset.done @!p0 $0x0  }
0x61: {  	[sflag:s0] =	ssyncadd.s32 @!p0 s1  }
0x62: {  	[bflag:$0x3] =	sbarrier.arrive $0xFFFF  }
0x63: {  	_ =	shalt  }

// kernel: kernel.16.cloned.1.call-start
scs
__scs_entry_jumppad:
0x0: {  	(pc) =	sbr.rel $0x88, $3  }
0x1: {  	(tag) =	ssettag $0x0;
	lr =	simm.s32 $0x1  }
0x2: {  	[smem:$0x3F89] =	sst lr;
	_ =	strace $0xD0000000  }
0x3: {  	_ = 	snop  }
0x4: {  	_ = 	snop  }
0x5: {  	_ = 	snop  }
0x6: {  	_ = 	snop  }
0x7: {  	_ = 	snop  }
__scs_overlays_trampoline_lowered:
0x8: {  	[smem:$0x3F98] =	sst s0  }
0x9: {  	[smem:$0x3F99] =	sst s1  }
0xa: {  	[smem:$0x3F9A] =	sst s2  }
0xb: {  	[smem:$0x3F9B] =	sst s3  }
0xc: {  	[smem:$0x3F9C] =	sst s4  }
0xd: {  	[smem:$0x3F9D] =	sst s5  }
0xe: {  	[smem:$0x3F9E] =	sst s6  }
0xf: {  	[smem:$0x3F9F] =	sst s7  }
0x10: {  	[smem:$0x3FA0] =	sst s8  }
0x11: {  	[smem:$0x3FA1] =	sst s9;
	s0 =	simm.s32 @!p0 $0x0  }
0x12: {  	s1 =	sld [smem:$0x3F87];
	s0 =	simm.s32 @p0 $0x1  }
0x13: {  	[smem:$0x3FA2] =	sst s0;
	s0 =	simm.s32 @!p1 $0x0  }
0x14: {  	s2 =	sld [smem:$0x3F86];
	s0 =	simm.s32 @p1 $0x1  }
0x15: {  	[smem:$0x3FA3] =	sst s0;
	s0 =	simm.s32 @!p2 $0x0  }
0x16: {  	s3 =	sld [smem:$0x3FDB];
	s0 =	simm.s32 @p2 $0x1  }
0x17: {  	s4 =	simm.s32 $0x1BF5;
	[smem:$0x3FA5] =	sst s0  }
0x18: {  	s0 =	sld [smem:$0x3F88];
	_ =	swait.ge [sflag:s4], $0x0  }
0x19: {  	s7 =	sld [smem:$0x3F89]  }
0x1a: {  	s8 =	sadd.s32 $0xFFFFE003, lr  }
0x1b: {  	s9 =	sadd.s32 $0xFFFFFEF7, lr;
	s5 =	simm.s32 $0xFFFFFFFF;
	p2 =	slt.u32 s8, $0xFFFFF086  }
0x1c: {  	p1 =	slt.u32 s9, $0xF7A;
	s5 =	simm.s32 @!p2 $0x0  }
0x1d: {  	s5 =	simm.s32 @p1 $0x1;
	p0 =	seq.s32 s7, s2  }
0x1e: {  	s7 =	smul.u32 @!p0 $0xF7A, s2;
	p2 =	seq.s32 @!p0 s5, $0x0  }
0x1f: {  	s9 =	smul.u32 $0xF7A, s1;
	s8 =	simm.s32 @!p0 $0x1BF5;
	p2 =	por !p2, p0  }
0x20: {  	[sflag:s8] =	ssyncset.s32 @!p0 $0xFFFFF086;
	s6 =	sadd.s32 @!p0 s3, s7;
	s7 =	simm.s32 @!p0 $0x108  }
0x21: {  	s3 =	sadd.s32 s3, s9;
	s6 =	sadd.s32 @!p0 $0x88, s6;
	s7 =	simm.s32 @p2 $0x1082  }
0x22: {  	[simem:s7], [sflag:s8] =	dma.local @!p0 [hbm:s6], $0xF7A  }
0x23: {  	s9 =	sor.u32 $0xD0000000, s2;
	s6 =	simm.s32 $0x108;
	_ =	swait.ge @!p0 [sflag:s8], $0x0  }
0x24: {  	s3 =	sadd.s32 $0x88, s3;
	s6 =	simm.s32 @!p1 $0x1082;
	[sflag:s4] =	ssyncset.s32 $0xFFFFF086  }
0x25: {  	[simem:s6], [sflag:s4] =	dma.local [hbm:s3], $0xF7A  }
0x26: {  	[smem:$0x3F89] =	sst s1;
	(tag) =	ssettag s2;
	_ =	strace s9  }
0x27: {  	s1 =	sld [smem:$0x3F99]  }
0x28: {  	s2 =	sld [smem:$0x3F9A]  }
0x29: {  	s4 =	sld [smem:$0x3F9C]  }
0x2a: {  	p0 =	seq.s32 s5, $0x0;
	s5 =	sld [smem:$0x3F9D]  }
0x2b: {  	s6 =	sld [smem:$0x3F9E]  }
0x2c: {  	s7 =	sld [smem:$0x3F9F]  }
0x2d: {  	s3 =	simm.s32 $0x108;
	s8 =	sld [smem:$0x3FA0]  }
0x2e: {  	s3 =	simm.s32 @!p0 $0x1082;
	s9 =	sld [smem:$0x3FA1]  }
0x2f: {  	lr =	sadd.s32 s0, s3;
	s0 =	sld [smem:$0x3F98]  }
0x30: {  	s3 =	sld [smem:$0x3F9B]  }
0x31: {  	[smem:$0x3FA4] =	sst s10  }
0x32: {  	s10 =	sld [smem:$0x3FA2];
	_ =	sdelay $0x3  }
0x33: {  	p0 =	seq.s32 s10, $0x1;
	s10 =	sld [smem:$0x3FA4];
	_ =	sdelay $0x3  }
0x34: {  	[smem:$0x3FA4] =	sst s10  }
0x35: {  	s10 =	sld [smem:$0x3FA3];
	_ =	sdelay $0x3  }
0x36: {  	p1 =	seq.s32 s10, $0x1;
	s10 =	sld [smem:$0x3FA4];
	_ =	sdelay $0x3  }
0x37: {  	[smem:$0x3FA4] =	sst s10  }
0x38: {  	s10 =	sld [smem:$0x3FA5]  }
0x39: {  	_ = 	snop;
	(pc) =	sbr.ind lr, $3  }
0x3a: {  	_ = 	snop  }
0x3b: {  	_ = 	snop  }
0x3c: {  	p2 =	seq.s32 s10, $0x1;
	s10 =	sld [smem:$0x3FA4]  }
0x3d: {  	_ =	shalt  }
0x3e: {  	_ =	shalt  }
0x3f: {  	_ =	shalt  }
0x40: {  	_ =	shalt  }
0x41: {  	_ =	shalt  }
0x42: {  	_ =	shalt  }
0x43: {  	_ =	shalt  }
0x44: {  	_ =	shalt  }
0x45: {  	_ =	shalt  }
0x46: {  	_ =	shalt  }
0x47: {  	_ =	shalt  }
0x48: {  	_ =	shalt  }
0x49: {  	_ =	shalt  }
0x4a: {  	_ =	shalt  }
0x4b: {  	_ =	shalt  }
0x4c: {  	_ =	shalt  }
0x4d: {  	_ =	shalt  }
0x4e: {  	_ =	shalt  }
0x4f: {  	_ =	shalt  }
0x50: {  	_ =	shalt  }
0x51: {  	_ =	shalt  }
0x52: {  	_ =	shalt  }
0x53: {  	_ =	shalt  }
0x54: {  	_ =	shalt  }
0x55: {  	_ =	shalt  }
0x56: {  	_ =	shalt  }
0x57: {  	_ =	shalt  }
0x58: {  	_ =	shalt  }
0x59: {  	_ =	shalt  }
0x5a: {  	_ =	shalt  }
0x5b: {  	_ =	shalt  }
0x5c: {  	_ =	shalt  }
0x5d: {  	_ =	shalt  }
0x5e: {  	_ =	shalt  }
0x5f: {  	_ =	shalt  }
0x60: {  	_ =	shalt  }
0x61: {  	_ =	shalt  }
0x62: {  	_ =	shalt  }
0x63: {  	_ =	shalt  }
0x64: {  	_ =	shalt  }
0x65: {  	_ =	shalt  }
0x66: {  	_ =	shalt  }
0x67: {  	_ =	shalt  }
0x68: {  	_ =	shalt  }
0x69: {  	_ =	shalt  }
0x6a: {  	_ =	shalt  }
0x6b: {  	_ =	shalt  }
0x6c: {  	_ =	shalt  }
0x6d: {  	_ =	shalt  }
0x6e: {  	_ =	shalt  }
0x6f: {  	_ =	shalt  }
0x70: {  	_ =	shalt  }
0x71: {  	_ =	shalt  }
0x72: {  	_ =	shalt  }
0x73: {  	_ =	shalt  }
0x74: {  	_ =	shalt  }
0x75: {  	_ =	shalt  }
0x76: {  	_ =	shalt  }
0x77: {  	_ =	shalt  }
0x78: {  	_ =	shalt  }
0x79: {  	_ =	shalt  }
0x7a: {  	_ =	shalt  }
0x7b: {  	_ =	shalt  }
0x7c: {  	_ =	shalt  }
0x7d: {  	_ =	shalt  }
0x7e: {  	_ =	shalt  }
0x7f: {  	_ =	shalt  }
0x80: {  	_ =	shalt  }
0x81: {  	_ =	shalt  }
0x82: {  	_ =	shalt  }
0x83: {  	_ =	shalt  }
0x84: {  	_ =	shalt  }
0x85: {  	_ =	shalt  }
0x86: {  	_ =	shalt  }
0x87: {  	_ =	shalt  }
.Lfunc_end0:
.L_simem_size_0:
called_computation.2_lowered:
.L_overlay_start_0:
0x88: {  	s2 =	sld [smem:$0x3FD9]  }
0x89: {  	s3 =	sld [smem:$0x3FFE];
	_ =	sdelay $0x1  }
0x8a: {  	s1 =	srdreg.scid  }
0x8b: {  	s0 =	sand.u32 $0x1, s1  }
0x8c: {  	s17 =	sshll.u32 s0, $0xA;
	s2 =	sadd.s32 s3, s2  }
0x8d: {  	s2 =	sadd.s32 s2, s17  }
0x8e: {  	[smem:$0x3FB0] =	sst s2  }
0x8f: {  	_ = 	snop  }
0x90: {  	s18 =	sld [smem:$0x3FC7];
	(tm) =	ssettm $0x1  }
0x91: {  	s19 =	sld [smem:$0x3FFB];
	_ =	sdelay $0x3  }
0x92: {  	_ =	strace s19  }
0x93: {  	s2 =	sld [smem:$0x3FFC];
	_ =	sdelay $0x3  }
0x94: {  	_ =	strace s2  }
0x95: {  	s2 =	sld [smem:$0x3FFD];
	_ =	sdelay $0x3  }
0x96: {  	_ =	strace s2  }
0x97: {  	_ =	strace $0x8FFFFFFF  }
0x98: {  	s20 =	sld [smem:$0x3FDB];
	_ =	sdelay $0x1  }
0x99: {  	s4 =	simm.s32 $_scs_section_size  }
0x9a: {  	s5 =	simm.s32 $_size__tile_overlayer_lowered;
	s6 =	simm.s32 $_tile_overlayer_lowered  }
0x9b: {  	s7 =	simm.s32 $0x1BFF;
	s21 =	sshll.u32 s6, $0x1;
	s4 =	sadd.s32 s4, s20  }
0x9c: {  	s22 =	simm.s32 $0x0;
	s5 =	sshll.u32 s5, $0x1;
	s6 =	sadd.s32 s21, s4  }
0x9d: {  	[timem:s22], [sflag:s7] =	dma.local [hbm:s6], s5  }
0x9e: {  	_ =	swait.ge [sflag:s7], s5  }
0x9f: {  	s5 =	ssub.s32 $0x0, s5;
	[sflag:s7] =	ssyncset.done $0x0  }
0xa0: {  	[sflag:s7] =	ssyncadd.s32 s5;
	_ =	sdelay $0x1  }
0xa1: {  	s23 =	simm.s32 $0x1B8B  }
0xa2: {  	_ =	swait.ge [sflag:s23], $0x1  }
0xa3: {  	[sflag:s23] =	ssyncset.done $0x0  }
0xa4: {  	[sflag:s23] =	ssyncadd.s32 $0xFFFFFFFF  }
0xa5: {  	s5 =	sld [smem:$0x0]  }
0xa6: {  	s6 =	sand.u32 $0xFFFFFFFE, s1  }
0xa7: {  	p0 =	sne.s32 s1, s6  }
0xa8: {  	s6 =	sshll.u32 @p0 s6, $0xE  }
0xa9: {  	s6 =	sadd.s32 @p0 $0x11B8D, s6;
	s7 =	sshll.u32 @p0 s5, $0x11  }
0xaa: {  	s6 =	sor.u32 @p0 s7, s6  }
0xab: {  	[sflag:s6] =	ssyncadd.remote.s32 @p0 $0x1;
	_ =	sdelay $0x1  }
0xac: {  	s6 =	simm.s32 @p0 $0x1B8D  }
0xad: {  	_ =	swait.eq @p0 [sflag:s6], $0x1  }
0xae: {  	[sflag:s6] =	ssyncadd.s32 @p0 $0xFFFFFFFF  }
0xaf: {  	s7 =	sshll.u32 @!p0 s1, $0xE  }
0xb0: {  	s7 =	sor.u32 @!p0 $0x4000, s7;
	s6 =	simm.s32 @!p0 $0x1B8D  }
0xb1: {  	s5 =	sshll.u32 @!p0 s5, $0x11;
	s7 =	sadd.s32 @!p0 $0x11B8D, s7;
	_ =	swait.eq @!p0 [sflag:s6], $0x1  }
0xb2: {  	s5 =	sor.u32 @!p0 s5, s7;
	[sflag:s6] =	ssyncadd.s32 @!p0 $0xFFFFFFFF  }
0xb3: {  	s25 =	simm.s32 $0x1B8E;
	s24 =	sld [smem:$0x3FFE];
	[sflag:s5] =	ssyncadd.remote.s32 @!p0 $0x1  }
0xb4: {  	s26 =	simm.s32 $execute0_lowered;
	[smem:$0x3FD2] =	sst s25  }
0xb5: {  	s6 =	sshll.u32 s26, $0x1;
	_ =	strace $0x8000004F;
	[dreg:$0x1] =	wrdreg $0xFFFFFFFF  }
0xb6: {  	s28 =	simm.s32 $_size_execute0_lowered;
	s4 =	sadd.s32 s4, s6;
	[dreg:$0x0] =	wrdreg $0x0  }
0xb7: {  	s6 =	sshll.u32 s28, $0x1;
	[dreg:$0x2] =	wrdreg s4  }
0xb8: {  	[dreg:$0x3] =	wrdreg s6  }
0xb9: {  	[dreg:$0x4] =	wrdreg $0xC0  }
0xba: {  	_ =	task [dreg:s22], $0x5FFFF  }
0xbb: {  	[dreg:$0x1] =	wrdreg $0xFFFFFFFF  }
0xbc: {  	[dreg:$0x0] =	wrdreg $0x60  }
0xbd: {  	[dreg:$0x2] =	wrdreg s24  }
0xbe: {  	[dreg:$0x3] =	wrdreg s18  }
0xbf: {  	[dreg:$0x4] =	wrdreg $0xAD800  }
0xc0: {  	[dreg:$0x5] =	wrdreg $0xB  }
0xc1: {  	_ =	task.clear_ibuf [dreg:s22], $0x6FFFF;
	_ =	strace $0x9000004F  }
0xc2: {  	s29 =	simm.s32 $0xB;
	_ =	strace $0x80000051  }
0xc3: {  	_ =	swait.ge [sflag:s29], $0x1  }
0xc4: {  	[sflag:s29] =	ssyncadd.s32 $0xFFFFFFFF  }
0xc5: {  	_ =	strace $0x90000051  }
0xc6: {  	_ =	sfence  }
0xc7: {  	s30 =	sld [smem:$0x0];
	_ =	sdelay $0x2  }
0xc8: {  	s31 =	sshll.u32 s1, $0xD;
	s1 =	sshrl.u32 s1, $0x2  }
0xc9: {  	s4 =	sand.u32 $0x4000, s31;
	s1 =	sadd.s32 s1, s30  }
0xca: {  	s0 =	sor.u32 s4, s0;
	s1 =	sshll.u32 s1, $0x11  }
0xcb: {  	s0 =	sor.u32 s1, s0  }
0xcc: {  	s0 =	sadd.s32 $0x8F2B, s0  }
0xcd: {  	[sflag:s0] =	ssyncadd.remote.s32 $0x1  }
0xce: {  	_ =	sfence.sel $0xFFFF  }
0xcf: {  	[dreg:$0x0] =	wrdreg $0xFFFFFFFF;
	(pc) =	sbr.abs _section_cstart, $3  }
0xd0: {  	[dreg:$0x1] =	wrdreg $0xFFFFFFFF  }
0xd1: {  	_ =	task.clear_ibuf [dreg:s22], $0x2FFFF;
	_ =	strace $0x9FFFFFFF  }
0xd2: {  	(tm) =	ssettm $0x7FFFFFFF  }
0xd3: {  	_ =	shalt  }
tec
execute0_lowered:
.L_overlay_start_1:
0x0: {  	(tag) =	ssettag $0x1  }
0x1: {  	s0 =	rddreg [dreg:$0x0]  }
0x2: {  	s2 =	rddreg [dreg:$0x1]  }
0x3: {  	s3 =	rddreg [dreg:$0x2];
	s4 =	simm.s32 $0x0  }
0x4: {  	s12 =	stileid.u32;
	s1 =	srdreg.scid;
	s13 =	simm.s32 $0x5  }
0x5: {  	s17 =	simm.s32 $0x3600;
	s18 =	simm.s32 $0x5180;
	s19 =	simm.s32 $0x1  }
0x6: {  	s20 =	simm.s32 $0x40;
	s21 =	simm.s32 $0x6D80;
	s22 =	simm.s32 $0x8D80  }
0x7: {  	s23 =	simm.s32 $0x6D00;
	s24 =	simm.s32 $0x3;
	s25 =	simm.s32 $0x2  }
0x8: {  	s28 =	simm.s32 $0x0;
	[smem:$0x7FF] =	sst s4;
	s26 =	smul.u32 $0x360, s12  }
0x9: {  	s1 =	sand.u32 $0x1, s1;
	s9 =	smul.u32 $0x7D000, s12;
	s5 =	sadd.s32 $0x18C00, s0  }
0xa: {  	s6 =	sadd.s32 $0x55B600, s0;
	p0 =	sgt.u32 s12, $0x7;
	s10 =	smul.u32 $0x3E8, s12  }
0xb: {  	_ =	strace $0x80000050;
	s7 =	ssub.s32 $0x2, s1;
	s12 =	sshll.u32 @!p0 s12, $0x6  }
.Ltmp0:
0xc: {  	s4 =	sadd.s32 s26, s0;
	s8 =	sshrl.u32 s7, $0x1;
	(pc) =	sbr.rel .LBB2_1-.Ltmp0, $4  }
0xd: {  	s31 =	sshrl.u32 s9, $0x2;
	s9 =	smul.u32 $0x14, s1;
	s15 =	sor.u32 @!p0 $0x1C06, s12  }
0xe: {  	s26 =	simm.s32 $0x4;
	s29 =	ssub.s32 s7, s8;
	s30 =	sadd.s32 $0x23800, s4  }
0xf: {  	s4 =	sadd.s32 $0x26E00, s4;
	s1 =	sadd.s32 s31, s3;
	[dreg:$0x4] =	wrdreg s30  }
0x10: {  	v0 =	vlaneseq.u32;
	v1 =	vimm.s32 $0x0;
	v2 =	vimm.s32 $0x1F40;
	[dreg:$0x5] =	wrdreg s4;
	s11 =	smax.u32 s29, $0x1;
	s16 =	sshrl.u32 @!p0 s1, $0x3  }
.LBB2_12:
0x11: {  	s28 =	sadd.s32 $0x1, s28  }
0x12: {  	p1 =	sne.s32 s28, s11  }
.Ltmp1:
0x13: {  	_ = 	snop;
	(pc) =	sbr.rel @!p1 .LBB2_13-.Ltmp1, $1  }
0x14: {  	_ =	sdelay $0x3  }
.LBB2_1:
0x15: {  	s0 =	simm.s32 $0x0;
	s1 =	rddreg [dreg:$0x4]  }
0x16: {  	[tilespmem:s0], [sflag:$0x5] =	stream.linear.gather [hbm4b:s1+s0], $0x1B00, $0x38;
	[tilespmem:$0x1A7C0] =	vst v63  }
0x17: {  	_ =	swait.ge [sflag:s13], $0x1B00  }
0x18: {  	s4 =	simm.s32 $0x1B00;
	[sflag:s13] =	ssyncset.done $0x0  }
.Ltmp2:
0x19: {  	s31 =	rddreg [dreg:$0x5];
	[sflag:s13] =	ssyncadd.s32 $0xFFFFE500;
	(pc) =	sbr.rel .LBB2_2-.Ltmp2, $4  }
0x1a: {  	[tilespmem:s4], [sflag:$0x5] =	stream.linear.gather [hbm4b:s31+s0], $0x1B00, $0x38;
	[tilespmem:$0x1A7C0] =	vst v63  }
0x1b: {  	_ =	swait.ge [sflag:s13], $0x1B00  }
0x1c: {  	[sflag:s13] =	ssyncset.done $0x0  }
0x1d: {  	s29 =	simm.s32 $0x0;
	[sflag:s13] =	ssyncadd.s32 $0xFFFFE500  }
.LBB2_6:
0x1e: {  	s1 =	simm.s32 $0x51C0  }
.LBB2_10:
0x1f: {  	s4 =	sadd.s32 $0xFFFFFFC0, s0;
	[sflag:s26] =	ssyncadd.s32 @p1 $0xFFFFE000;
	s1 =	sadd.s32 @p1 $0x80, s1  }
0x20: {  	[tilespmem:s21], [sflag:$0x1] =	stream.indirect.gather [hbm4b:s2+s20], $0x80, s4, s20, $0xb8;
	[tilespmem:$0x1A7C0] =	vst v63  }
0x21: {  	s31 =	smov.u32 @p1 s1  }
0x22: {  	[tilespmem:s22], [sflag:$0x2] =	stream.indirect.gather [hbm4b:s2+s20], $0x80, s0, s20, $0xb8;
	[tilespmem:$0x1A7C0] =	vst v63  }
0x23: {  	v3 =	vld [tilespmem:s31+$0xFFFFFFC0];
	_ =	sdelay $0x4  }
0x24: {  	[tilespmem:$0x6D00] =	vst v3  }
0x25: {  	v3 =	vld [tilespmem:s31+$0xFFFFFFD0];
	_ =	sdelay $0x4  }
0x26: {  	[tilespmem:$0x6D10] =	vst v3  }
0x27: {  	v3 =	vld [tilespmem:s31+$0xFFFFFFE0];
	_ =	sdelay $0x4  }
0x28: {  	[tilespmem:$0x6D20] =	vst v3  }
0x29: {  	v3 =	vld [tilespmem:s31+$0xFFFFFFF0];
	_ =	sdelay $0x4  }
0x2a: {  	[tilespmem:$0x6D30] =	vst v3  }
0x2b: {  	_ =	swait.ge [sflag:s19], $0x2000  }
0x2c: {  	[sflag:s19] =	ssyncset.done $0x0  }
0x2d: {  	[sflag:s19] =	ssyncadd.s32 $0xFFFFE000  }
0x2e: {  	[spmem:s3] =	stream.indirect.scatter.add.f32 [tilespmem:s21], [sflag:$0x3], $0x80, s23, s20, $0xb8;
	[tilespmem:$0x1A7C0] =	vst v63  }
0x2f: {  	_ =	swait.ge [sflag:s24], $0x2000  }
0x30: {  	[sflag:s24] =	ssyncset.done $0x0  }
0x31: {  	[sflag:s24] =	ssyncadd.s32 $0xFFFFE000  }
0x32: {  	v3 =	vld [tilespmem:s31+$0x0];
	_ =	sdelay $0x4  }
0x33: {  	[tilespmem:$0x6D00] =	vst v3  }
0x34: {  	v3 =	vld [tilespmem:s31+$0x10];
	_ =	sdelay $0x4  }
0x35: {  	[tilespmem:$0x6D10] =	vst v3  }
0x36: {  	v3 =	vld [tilespmem:s31+$0x20];
	_ =	sdelay $0x4  }
0x37: {  	[tilespmem:$0x6D20] =	vst v3  }
0x38: {  	v3 =	vld [tilespmem:s31+$0x30];
	_ =	sdelay $0x4  }
0x39: {  	[tilespmem:$0x6D30] =	vst v3  }
0x3a: {  	_ =	swait.ge [sflag:s25], $0x2000  }
0x3b: {  	[sflag:s25] =	ssyncset.done $0x0  }
0x3c: {  	[sflag:s25] =	ssyncadd.s32 $0xFFFFE000  }
0x3d: {  	[spmem:s3] =	stream.indirect.scatter.add.f32 [tilespmem:s22], [sflag:$0x4], $0x80, s23, s20, $0xb8;
	[tilespmem:$0x1A7C0] =	vst v63  }
0x3e: {  	_ =	swait.ge [sflag:s26], $0x2000  }
0x3f: {  	[sflag:s26] =	ssyncset.done $0x0  }
0x40: {  	[sflag:s26] =	ssyncadd.s32 $0xFFFFE000  }
.LBB2_11:
0x41: {  	s0 =	sadd.s32 @!p0 s10, s30  }
0x42: {  	[bflag:$0x0] =	sbarrier.arrive $0xFFFF;
	s29 =	sadd.s32 $0x1, s29;
	s0 =	sshll.u32 @!p0 s0, $0x4  }
0x43: {  	s1 =	sor.u32 @!p0 $0x1C05, s12;
	p1 =	sne.s32 s29, $0x14;
	s0 =	sadd.s32 @!p0 s6, s0  }
0x44: {  	[hbm:s0], [sflag:s1] =	dma.local @!p0 [spmem:s16], $0x3E80  }
.Ltmp3:
0x45: {  	_ = 	snop;
	(pc) =	sbr.rel @!p1 .LBB2_12-.Ltmp3, $4  }
0x46: {  	s0 =	simm.s32 @!p0 $0x5  }
0x47: {  	_ =	swait.ge @!p0 [sflag:s0], $0x3E80  }
0x48: {  	[sflag:s0] =	ssyncset.done @!p0 $0x0  }
0x49: {  	[sflag:s0] =	ssyncadd.s32 @!p0 $0xFFFFC180  }
.LBB2_2:
0x4a: {  	[spmem:s16], [sflag:s15] =	dma.local @!p0 [hbm:s5], $0x3E80  }
0x4b: {  	s0 =	simm.s32 @!p0 $0x6  }
0x4c: {  	_ =	swait.ge @!p0 [sflag:s0], $0x3E80  }
0x4d: {  	[sflag:s0] =	ssyncset.done @!p0 $0x0  }
0x4e: {  	[sflag:s0] =	ssyncadd.s32 @!p0 $0xFFFFC180  }
0x4f: {  	s4 =	simm.s32 $0x1B20;
	[bflag:$0x0] =	sbarrier.arrive $0xFFFF  }
0x50: {  	v6 =	vld [tilespmem:s4+$0x10]  }
0x51: {  	s1 =	sadd.s32 s9, s29;
	v7 =	vld [tilespmem:s4+$0x0]  }
0x52: {  	s30 =	smul.u32 $0x1F40, s1;
	v8 =	vld [tilespmem:s4+$0xFFFFFFE0]  }
0x53: {  	v10 =	vld [tilespmem:s4+$0xFFFFFFF0]  }
0x54: {  	s7 =	sadd.s32 $0x1F40, s30  }
0x55: {  	v3 =	vmov s30;
	v9 =	vmov s7  }
0x56: {  	s8 =	simm.s32 $0x1B60;
	v4 =	vsub.s32 v6, v3;
	v5 =	vsub.s32 v7, v3;
	vm0 =	vge.s32 v6, v3  }
0x57: {  	v13 =	vld [tilespmem:s8+$0x0];
	vm1 =	vge.s32 v8, v3;
	vm2 =	vlt.s32 v8, v9;
	vm3 =	vge.s32 v7, v3  }
0x58: {  	v14 =	vld [tilespmem:s8+$0xFFFFFFE0];
	vm4 =	vmand vm1, vm2;
	vm1 =	vge.s32 v10, v3;
	vm2 =	vlt.s32 v10, v9  }
0x59: {  	v11 =	vmpcnt.ones.xlane vm4;
	vm1 =	vmand vm1, vm2;
	vm2 =	vlt.s32 v7, v9  }
0x5a: {  	v12 =	vmpcnt.ones.xlane vm1;
	vm2 =	vmand vm3, vm2;
	vm3 =	vlt.s32 v6, v9  }
0x5b: {  	v6 =	vmpcnt.ones.xlane vm2;
	vm0 =	vmand vm0, vm3;
	(v2sf) =	vpush v11, $0x0  }
0x5c: {  	v17 =	vsub.s32 v8, v3;
	v7 =	vld [tilespmem:s8+$0x10];
	v11 =	vmpcnt.ones.xlane vm0;
	(v2sf) =	vpush v12, $0x0  }
0x5d: {  	v8 =	vsub.s32 v13, v3;
	vm6 =	vlt.s32 v14, v9;
	(v2sf) =	vpush v6, $0x0  }
0x5e: {  	vm7 =	vge.s32 v13, v3;
	v15 =	vsub.s32 v14, v3;
	v12 =	vld [tilespmem:s8+$0xFFFFFFF0];
	(v2sf) =	vpush v11, $0x0  }
0x5f: {  	v10 =	vsub.s32 v10, v3;
	vm4 =	vmmov vm4;
	vm3 =	vmmov vm1  }
0x60: {  	vm1 =	vmmov vm2;
	vm2 =	vmmov vm0;
	vm0 =	vge.s32 v14, v3  }
0x61: {  	s14 =	simm.s32 $0x20;
	vm10 =	vmand vm0, vm6;
	vm6 =	vlt.s32 v13, v9;
	v6 =	vsub.s32 v7, v3  }
0x62: {  	v18 =	vld [tilespmem:s14+$0xFFFFFFE0];
	s4 =	simm.s32 $0x1BA0;
	vm5 =	vge.s32 v7, v3;
	v11 =	vmpcnt.ones.xlane vm10;
	vm6 =	vmand vm7, vm6  }
0x63: {  	v16 =	vld [tilespmem:s4+$0x10];
	vm7 =	vlt.s32 v7, v9;
	vm8 =	vge.s32 v12, v3;
	vm9 =	vlt.s32 v12, v9  }
0x64: {  	v21 =	vld [tilespmem:s4+$0x0];
	v19 =	vmpcnt.ones.xlane vm6;
	(v2sf) =	vpush v11, $0x0;
	vm0 =	vmand vm8, vm9  }
0x65: {  	v7 =	vld [tilespmem:s4+$0xFFFFFFF0];
	v12 =	vsub.s32 v12, v3;
	vm9 =	vmmov vm3;
	v13 =	vmpcnt.ones.xlane vm0  }
0x66: {  	v11 =	vld [tilespmem:s4+$0xFFFFFFE0];
	vm3 =	vmand vm5, vm7;
	vm5 =	vmmov vm1;
	vm1 =	vmmov vm6  }
0x67: {  	v20 =	vld [tilespmem:s14+$0xFFFFFFF0];
	vm6 =	vmmov vm2;
	v14 =	vmpcnt.ones.xlane vm3;
	(v2sf) =	vpush v13, $0x0  }
0x68: {  	v22 =	vld [tilespmem:s14+$0x0];
	vm8 =	vge.s32 v16, v3;
	vm0 =	vmmov vm0;
	(v2sf) =	vpush v19, $0x0  }
0x69: {  	s7 =	simm.s32 $0x0;
	vm2 =	vmmov vm3;
	vm3 =	vmmov vm10;
	(v2sf) =	vpush v14, $0x0  }
0x6a: {  	[tilespmem:s7+$0x3600] =	vst.msk vm4, v18;
	vm7 =	vmmov vm9;
	vm10 =	vge.s32 v21, v3;
	vm11 =	vlt.s32 v7, v9;
	v19 =	vld [tilespmem:s14+$0x10];
	s4 =	spop (v2sf)  }
0x6b: {  	s0 =	simm.s32 $0x60;
	[tilespmem:s7+$0x5180] =	vst.msk vm4, v17;
	v13 =	vsub.s32 v21, v3;
	vm4 =	vge.s32 v11, v3;
	vm9 =	vlt.s32 v11, v9;
	s14 =	sadd.s32 $0x0, s4;
	s8 =	spop (v2sf)  }
0x6c: {  	s31 =	simm.s32 $0x1BE0;
	v18 =	vld [tilespmem:s0+$0xFFFFFFE0];
	vm4 =	vmand vm4, vm9;
	vm9 =	vge.s32 v7, v3;
	v14 =	vsub.s32 v16, v3;
	[tilespmem:s14+$0x3600] =	vst.msk vm7, v20;
	s4 =	sadd.s32 s14, s8;
	s7 =	spop (v2sf)  }
0x6d: {  	s1 =	simm.s32 $0x8;
	v17 =	vld [tilespmem:s0+$0xFFFFFFF0];
	vm9 =	vmand vm9, vm11;
	vm11 =	vlt.s32 v21, v9;
	v20 =	vmpcnt.ones.xlane vm4;
	[tilespmem:s4+$0x3600] =	vst.msk vm5, v22;
	s7 =	sadd.s32 s4, s7;
	s8 =	spop (v2sf)  }
.LBB2_3:
0x6e: {  	v21 =	vmpcnt.ones.xlane vm9;
	vm11 =	vmand vm10, vm11  }
0x6f: {  	vm12 =	vlt.s32 v16, v9;
	v16 =	vld [tilespmem:s31+$0x10];
	[tilespmem:s7+$0x3600] =	vst.msk vm6, v19;
	s8 =	sadd.s32 s7, s8;
	vm10 =	vmmov vm0;
	vm0 =	vmmov vm9  }
0x70: {  	v22 =	vld [tilespmem:s31+$0x0];
	v19 =	vmpcnt.ones.xlane vm11;
	vm8 =	vmand vm8, vm12;
	(v2sf) =	vpush v20, $0x0;
	[tilespmem:s7+$0x5180] =	vst.msk vm6, v4;
	v4 =	vmovc v6;
	v6 =	vmovc v14  }
0x71: {  	s1 =	sadd.s32 $0x4, s1;
	v20 =	vsub.s32 v11, v3;
	v11 =	vld [tilespmem:s31+$0xFFFFFFE0];
	v14 =	vmpcnt.ones.xlane vm8;
	(v2sf) =	vpush v21, $0x0;
	[tilespmem:s4+$0x5180] =	vst.msk vm5, v5;
	v5 =	vmovc v8;
	v8 =	vmovc v13  }
0x72: {  	p1 =	slt.u32 s1, $0x1AC;
	vm5 =	vmmov vm1;
	(v2sf) =	vpush v19, $0x0;
	[tilespmem:s14+$0x5180] =	vst.msk vm7, v10;
	v10 =	vmovc v12;
	v12 =	vsub.s32 v7, v3;
	v7 =	vld [tilespmem:s31+$0xFFFFFFF0]  }
0x73: {  	vm6 =	vmmov vm2;
	vm1 =	vmmov vm11;
	(v2sf) =	vpush v14, $0x0;
	[tilespmem:s8+$0x3600] =	vst.msk vm3, v18;
	v21 =	vld [tilespmem:s0+$0x0]  }
.Ltmp4:
0x74: {  	vm2 =	vmmov vm8;
	v14 =	vsub.s32 v16, v3;
	[tilespmem:s8+$0x5180] =	vst.msk vm3, v15;
	v19 =	vld [tilespmem:s0+$0x10];
	v15 =	vmovc v20;
	vm3 =	vmmov vm4;
	(pc) =	sbr.rel @p1 .LBB2_3-.Ltmp4, $4  }
0x75: {  	vm7 =	vmmov vm10;
	vm8 =	vge.s32 v16, v3;
	v13 =	vsub.s32 v22, v3;
	s4 =	spop (v2sf)  }
0x76: {  	s0 =	sadd.s32 $0x40, s0;
	vm10 =	vge.s32 v22, v3;
	vm4 =	vge.s32 v11, v3;
	vm9 =	vlt.s32 v11, v9;
	s14 =	sadd.s32 s8, s4;
	s4 =	spop (v2sf)  }
0x77: {  	vm4 =	vmand vm4, vm9;
	vm9 =	vge.s32 v7, v3;
	vm11 =	vlt.s32 v7, v9;
	v18 =	vld [tilespmem:s0+$0xFFFFFFE0];
	[tilespmem:s14+$0x3600] =	vst.msk vm7, v17;
	s4 =	sadd.s32 s14, s4;
	s7 =	spop (v2sf)  }
0x78: {  	s31 =	sadd.s32 $0x40, s31;
	v20 =	vmpcnt.ones.xlane vm4;
	vm9 =	vmand vm9, vm11;
	vm11 =	vlt.s32 v22, v9;
	v17 =	vld [tilespmem:s0+$0xFFFFFFF0];
	[tilespmem:s4+$0x3600] =	vst.msk vm5, v21;
	s7 =	sadd.s32 s4, s7;
	s8 =	spop (v2sf)  }
0x79: {  	v21 =	vmpcnt.ones.xlane vm9;
	vm10 =	vmand vm10, vm11;
	vm15 =	vlt.s32 v16, v9  }
0x7a: {  	v49 =	vmpcnt.ones.xlane vm10;
	vm8 =	vmand vm8, vm15;
	(v2sf) =	vpush v20, $0x0  }
0x7b: {  	v50 =	vmpcnt.ones.xlane vm8;
	(v2sf) =	vpush v21, $0x0  }
0x7c: {  	(v2sf) =	vpush v49, $0x0  }
0x7d: {  	(v2sf) =	vpush v50, $0x0;
	_ =	sdelay $0x1  }
0x7e: {  	[tilespmem:s7+$0x3600] =	vst.msk vm6, v19  }
0x7f: {  	[tilespmem:s4+$0x5180] =	vst.msk vm5, v5  }
0x80: {  	v51 =	vld [tilespmem:s0+$0x0];
	[tilespmem:s14+$0x5180] =	vst.msk vm7, v10  }
0x81: {  	s1 =	sadd.s32 s7, s8;
	[tilespmem:s7+$0x5180] =	vst.msk vm6, v4  }
0x82: {  	v52 =	vld [tilespmem:s0+$0x10];
	vm0 =	vmmov vm0;
	[tilespmem:s1+$0x3600] =	vst.msk vm3, v18;
	s31 =	spop (v2sf)  }
0x83: {  	vm0 =	vmmov vm0;
	[tilespmem:s1+$0x5180] =	vst.msk vm3, v15;
	s1 =	sadd.s32 s1, s31;
	s7 =	spop (v2sf)  }
0x84: {  	vm1 =	vmmov vm1;
	s0 =	sadd.s32 $0x40, s0;
	[tilespmem:s1+$0x3600] =	vst.msk vm0, v17;
	s4 =	sadd.s32 s1, s7  }
0x85: {  	v53 =	vld [tilespmem:s0+$0xFFFFFFE0];
	s8 =	spop (v2sf);
	[tilespmem:s4+$0x3600] =	vst.msk vm1, v51  }
0x86: {  	vm2 =	vmmov vm2;
	s7 =	sadd.s32 s4, s8;
	[tilespmem:s1+$0x5180] =	vst.msk vm0, v12  }
0x87: {  	v54 =	vld [tilespmem:s0+$0xFFFFFFF0];
	s14 =	spop (v2sf);
	[tilespmem:s7+$0x3600] =	vst.msk vm2, v52  }
0x88: {  	v55 =	vld [tilespmem:s0+$0x0];
	[tilespmem:s7+$0x5180] =	vst.msk vm2, v6;
	s7 =	sadd.s32 s7, s14;
	s31 =	spop (v2sf)  }
0x89: {  	vm11 =	vmmov vm9;
	vm12 =	vmmov vm4;
	v56 =	vld [tilespmem:s0+$0x10];
	[tilespmem:s4+$0x5180] =	vst.msk vm1, v8;
	s0 =	sadd.s32 s7, s31;
	s4 =	spop (v2sf)  }
0x8a: {  	v57 =	vsub.s32 v11, v3;
	vm13 =	vmmov vm11;
	[tilespmem:s7+$0x3600] =	vst.msk vm12, v53;
	s1 =	sadd.s32 s0, s4;
	s8 =	spop (v2sf)  }
0x8b: {  	vm14 =	vmmov vm10;
	vm0 =	vmmov vm13;
	[tilespmem:s7+$0x5180] =	vst.msk vm12, v57;
	s4 =	sadd.s32 s1, s8;
	s14 =	spop (v2sf)  }
0x8c: {  	vm1 =	vmmov vm14;
	[tilespmem:s0+$0x3600] =	vst.msk vm0, v54;
	s7 =	sadd.s32 s4, s14  }
0x8d: {  	v3 =	vsub.s32 v7, v3;
	vm15 =	vmmov vm8;
	[tilespmem:s1+$0x3600] =	vst.msk vm1, v55;
	v58 =	vadd.s32 s7, v0  }
0x8e: {  	vm2 =	vmmov vm15;
	[tilespmem:s0+$0x5180] =	vst.msk vm0, v3;
	s31 =	sadd.s32 $0x10, s7  }
0x8f: {  	[tilespmem:s4+$0x3600] =	vst.msk vm2, v56;
	v59 =	vadd.s32 s31, v0  }
0x90: {  	[tilespmem:s1+$0x5180] =	vst.msk vm1, v13;
	s8 =	sadd.s32 $0x20, s7  }
0x91: {  	[tilespmem:s4+$0x5180] =	vst.msk vm2, v14;
	v3 =	vadd.s32 s8, v0  }
0x92: {  	s14 =	sadd.s32 $0x30, s7;
	[tilespmem:v58+s17+$0x0] =	vst.idx.msk $0xffff, v1  }
0x93: {  	v60 =	vadd.s32 s14, v0;
	[tilespmem:v58+s18+$0x0] =	vst.idx.msk $0xffff, v2  }
0x94: {  	s31 =	sadd.s32 $0x40, s7;
	[tilespmem:v59+s17+$0x0] =	vst.idx.msk $0xffff, v1  }
0x95: {  	s0 =	sadd.s32 $0x7F, s7;
	v61 =	vadd.s32 s31, v0;
	[tilespmem:v59+s18+$0x0] =	vst.idx.msk $0xffff, v2  }
0x96: {  	s1 =	sadd.s32 $0x50, s7;
	s14 =	sand.u32 $0x7F, s0;
	[tilespmem:v3+s17+$0x0] =	vst.idx.msk $0xffff, v1  }
0x97: {  	p1 =	slt.s32 s0, $0x1;
	s31 =	sshra.s32 s0, $0x1F;
	p2 =	sne.s32 s14, $0x0;
	[tilespmem:v3+s18+$0x0] =	vst.idx.msk $0xffff, v2;
	v3 =	vadd.s32 s1, v0  }
0x98: {  	s4 =	sadd.s32 $0x60, s7;
	p1 =	por !p1, !p2;
	s1 =	sshrl.u32 s31, $0x19;
	[tilespmem:v60+s17+$0x0] =	vst.idx.msk $0xffff, v1  }
0x99: {  	v62 =	vadd.s32 s4, v0;
	p1 =	por !p1, !p1;
	s0 =	sadd.s32 s1, s0;
	s1 =	simm.s32 $0x1;
	[tilespmem:v60+s18+$0x0] =	vst.idx.msk $0xffff, v2  }
0x9a: {  	s8 =	sadd.s32 $0x70, s7;
	s0 =	sshra.s32 s0, $0x7;
	s1 =	simm.s32 @!p1 $0x0;
	[tilespmem:v61+s17+$0x0] =	vst.idx.msk $0xffff, v1  }
0x9b: {  	v63 =	vadd.s32 s8, v0;
	s1 =	ssub.s32 s0, s1;
	[tilespmem:v61+s18+$0x0] =	vst.idx.msk $0xffff, v2  }
0x9c: {  	p1 =	slt.s32 s1, $0x1;
	[tilespmem:v3+s17+$0x0] =	vst.idx.msk $0xffff, v1  }
.Ltmp5:
0x9d: {  	[tilespmem:v3+s18+$0x0] =	vst.idx.msk $0xffff, v2;
	(pc) =	sbr.rel @p1 .LBB2_11-.Ltmp5, $4  }
0x9e: {  	[tilespmem:v62+s17+$0x0] =	vst.idx.msk $0xffff, v1  }
0x9f: {  	[tilespmem:v62+s18+$0x0] =	vst.idx.msk $0xffff, v2  }
0xa0: {  	[tilespmem:v63+s17+$0x0] =	vst.idx.msk $0xffff, v1  }
0xa1: {  	[tilespmem:v63+s18+$0x0] =	vst.idx.msk $0xffff, v2  }
0xa2: {  	p2 =	sne.s32 s1, $0x1  }
.Ltmp6:
0xa3: {  	_ = 	snop;
	(pc) =	sbr.rel @!p2 .LBB2_6-.Ltmp6, $3  }
0xa4: {  	_ =	sdelay $0x1  }
0xa5: {  	s0 =	simm.s32 $0x3640  }
0xa6: {  	s31 =	simm.s32 $0x51C0;
	s1 =	sadd.s32 $0xFFFFFFFF, s1;
	p1 =	por $0x0, $0x0  }
0xa7: {  	s4 =	simm.s32 $0x3600  }
0xa8: {  	[tilespmem:s21], [sflag:$0x1] =	stream.indirect.gather [hbm4b:s2+s20], $0x80, s4, s20, $0xb8;
	[tilespmem:$0x1A7C0] =	vst v63  }
0xa9: {  	_ = 	snop  }
0xaa: {  	[tilespmem:s22], [sflag:$0x2] =	stream.indirect.gather [hbm4b:s2+s20], $0x80, s0, s20, $0xb8;
	[tilespmem:$0x1A7C0] =	vst v63  }
0xab: {  	v3 =	vld [tilespmem:s31+$0xFFFFFFC0];
	_ =	sdelay $0x4  }
0xac: {  	[tilespmem:$0x6D00] =	vst v3  }
0xad: {  	v3 =	vld [tilespmem:s31+$0xFFFFFFD0];
	_ =	sdelay $0x4  }
0xae: {  	[tilespmem:$0x6D10] =	vst v3  }
0xaf: {  	v3 =	vld [tilespmem:s31+$0xFFFFFFE0];
	_ =	sdelay $0x4  }
0xb0: {  	[tilespmem:$0x6D20] =	vst v3  }
0xb1: {  	v3 =	vld [tilespmem:s31+$0xFFFFFFF0];
	_ =	sdelay $0x4  }
0xb2: {  	[tilespmem:$0x6D30] =	vst v3  }
0xb3: {  	_ =	swait.ge [sflag:s19], $0x2000  }
0xb4: {  	[sflag:s19] =	ssyncset.done $0x0  }
0xb5: {  	[sflag:s19] =	ssyncadd.s32 $0xFFFFE000  }
0xb6: {  	[spmem:s3] =	stream.indirect.scatter.add.f32 [tilespmem:s21], [sflag:$0x3], $0x80, s23, s20, $0xb8;
	[tilespmem:$0x1A7C0] =	vst v63  }
0xb7: {  	_ =	swait.ge [sflag:s24], $0x2000  }
0xb8: {  	[sflag:s24] =	ssyncset.done $0x0  }
0xb9: {  	[sflag:s24] =	ssyncadd.s32 $0xFFFFE000  }
0xba: {  	v3 =	vld [tilespmem:s31+$0x0];
	_ =	sdelay $0x4  }
0xbb: {  	[tilespmem:$0x6D00] =	vst v3  }
0xbc: {  	v3 =	vld [tilespmem:s31+$0x10];
	_ =	sdelay $0x4  }
0xbd: {  	[tilespmem:$0x6D10] =	vst v3  }
0xbe: {  	v3 =	vld [tilespmem:s31+$0x20];
	_ =	sdelay $0x4  }
0xbf: {  	[tilespmem:$0x6D20] =	vst v3  }
0xc0: {  	v3 =	vld [tilespmem:s31+$0x30];
	_ =	sdelay $0x4  }
0xc1: {  	[tilespmem:$0x6D30] =	vst v3  }
0xc2: {  	p2 =	sne.s32 s1, $0x1;
	_ =	swait.ge [sflag:s25], $0x2000  }
.Ltmp7:
0xc3: {  	[sflag:s25] =	ssyncset.done $0x0;
	(pc) =	sbr.rel @!p2 .LBB2_8-.Ltmp7, $4  }
0xc4: {  	[sflag:s25] =	ssyncadd.s32 $0xFFFFE000  }
0xc5: {  	[spmem:s3] =	stream.indirect.scatter.add.f32 [tilespmem:s22], [sflag:$0x4], $0x80, s23, s20, $0xb8;
	[tilespmem:$0x1A7C0] =	vst v63  }
0xc6: {  	s14 =	sadd.s32 $0xFFFFFFFF, s1;
	p1 =	por $0x1, $0x1;
	_ =	swait.ge [sflag:s26], $0x2000  }
0xc7: {  	s1 =	simm.s32 $0x51C0;
	s0 =	simm.s32 $0x36C0;
	[sflag:s26] =	ssyncset.done $0x0  }
.LBB2_9:
0xc8: {  	s4 =	sadd.s32 $0xFFFFFFC0, s0;
	[sflag:s26] =	ssyncadd.s32 $0xFFFFE000;
	s1 =	sadd.s32 $0x80, s1  }
0xc9: {  	[tilespmem:s21], [sflag:$0x1] =	stream.indirect.gather [hbm4b:s2+s20], $0x80, s4, s20, $0xb8;
	[tilespmem:$0x1A7C0] =	vst v63  }
0xca: {  	p2 =	sne.s32 s14, $0x1;
	s14 =	sadd.s32 $0xFFFFFFFF, s14  }
0xcb: {  	[tilespmem:s22], [sflag:$0x2] =	stream.indirect.gather [hbm4b:s2+s20], $0x80, s0, s20, $0xb8;
	[tilespmem:$0x1A7C0] =	vst v63  }
0xcc: {  	v3 =	vld [tilespmem:s1+$0xFFFFFFC0];
	_ =	sdelay $0x4  }
0xcd: {  	[tilespmem:$0x6D00] =	vst v3  }
0xce: {  	v3 =	vld [tilespmem:s1+$0xFFFFFFD0];
	_ =	sdelay $0x4  }
0xcf: {  	[tilespmem:$0x6D10] =	vst v3  }
0xd0: {  	v3 =	vld [tilespmem:s1+$0xFFFFFFE0];
	_ =	sdelay $0x4  }
0xd1: {  	[tilespmem:$0x6D20] =	vst v3  }
0xd2: {  	v3 =	vld [tilespmem:s1+$0xFFFFFFF0];
	_ =	sdelay $0x4  }
0xd3: {  	[tilespmem:$0x6D30] =	vst v3  }
0xd4: {  	_ =	swait.ge [sflag:s19], $0x2000  }
0xd5: {  	[sflag:s19] =	ssyncset.done $0x0  }
0xd6: {  	[sflag:s19] =	ssyncadd.s32 $0xFFFFE000  }
0xd7: {  	[spmem:s3] =	stream.indirect.scatter.add.f32 [tilespmem:s21], [sflag:$0x3], $0x80, s23, s20, $0xb8;
	[tilespmem:$0x1A7C0] =	vst v63  }
0xd8: {  	_ =	swait.ge [sflag:s24], $0x2000  }
0xd9: {  	[sflag:s24] =	ssyncset.done $0x0  }
0xda: {  	[sflag:s24] =	ssyncadd.s32 $0xFFFFE000  }
0xdb: {  	v3 =	vld [tilespmem:s1+$0x0];
	_ =	sdelay $0x4  }
0xdc: {  	[tilespmem:$0x6D00] =	vst v3  }
0xdd: {  	v3 =	vld [tilespmem:s1+$0x10];
	_ =	sdelay $0x4  }
0xde: {  	[tilespmem:$0x6D10] =	vst v3  }
0xdf: {  	v3 =	vld [tilespmem:s1+$0x20];
	_ =	sdelay $0x4  }
0xe0: {  	[tilespmem:$0x6D20] =	vst v3  }
0xe1: {  	v3 =	vld [tilespmem:s1+$0x30];
	_ =	sdelay $0x4  }
0xe2: {  	[tilespmem:$0x6D30] =	vst v3  }
0xe3: {  	_ =	swait.ge [sflag:s25], $0x2000  }
.Ltmp8:
0xe4: {  	[sflag:s25] =	ssyncset.done $0x0;
	(pc) =	sbr.rel @p2 .LBB2_9-.Ltmp8, $4  }
0xe5: {  	[sflag:s25] =	ssyncadd.s32 $0xFFFFE000  }
0xe6: {  	[spmem:s3] =	stream.indirect.scatter.add.f32 [tilespmem:s22], [sflag:$0x4], $0x80, s23, s20, $0xb8;
	[tilespmem:$0x1A7C0] =	vst v63  }
0xe7: {  	_ =	swait.ge [sflag:s26], $0x2000  }
0xe8: {  	s0 =	sadd.s32 $0x80, s0;
	[sflag:s26] =	ssyncset.done $0x0  }
.Ltmp9:
0xe9: {  	_ = 	snop;
	(pc) =	sbr.rel .LBB2_10-.Ltmp9, $1  }
0xea: {  	_ =	sdelay $0x3  }
.LBB2_8:
.Ltmp10:
0xeb: {  	(pc) =	sbr.rel .LBB2_10-.Ltmp10, $2  }
0xec: {  	_ =	sdelay $0x2  }
0xed: {  	s1 =	simm.s32 $0x51C0  }
.LBB2_13:
0xee: {  	_ =	sfence.sel $0x180000  }
0xef: {  	[bflag:$0x0] =	sbarrier.arrive $0xFFFF  }
0xf0: {  	_ =	strace $0x90000050  }
0xf1: {  	s0 =	stileid.u32;
	[bflag:$0x2] =	sbarrier.arrive $0xFFFF  }
0xf2: {  	p0 =	sne.s32 s0, $0x0;
	s0 =	rddreg [dreg:$0x3]  }
0xf3: {  	s0 =	sadd.s32 @!p0 $0x100000, s0  }
0xf4: {  	[sflag:s0] =	ssyncadd.tile.s32 @!p0 $0x1;
	_ =	shalt  }
.Lfunc_end2:
_tile_overlayer_lowered:
.L_overlay_start_2:
0xf5: {  	(tag) =	ssettag $0x2  }
0xf6: {  	s0 =	rddreg [dreg:$0x0];
	s2 =	stileid.u32  }
0xf7: {  	s1 =	rddreg [dreg:$0x1];
	p0 =	sne.s32 s2, $0x0  }
0xf8: {  	s3 =	rddreg [dreg:$0x2];
	[bflag:$0x3] =	sbarrier.arrive $0xFFFF;
	s2 =	simm.s32 @!p0 $0x1C05  }
0xf9: {  	[timem:s3], [sflag:s2] =	dma.local @!p0 [hbm:s0], s1  }
0xfa: {  	s0 =	simm.s32 @!p0 $0x5  }
0xfb: {  	_ =	swait.ge @!p0 [sflag:s0], s1  }
0xfc: {  	s1 =	ssub.s32 @!p0 $0x0, s1;
	[sflag:s0] =	ssyncset.done @!p0 $0x0  }
0xfd: {  	[sflag:s0] =	ssyncadd.s32 @!p0 s1  }
0xfe: {  	[bflag:$0x3] =	sbarrier.arrive $0xFFFF  }
0xff: {  	_ =	shalt  }

// kernel: kernel.19.cloned.1.call-start
scs
__scs_entry_jumppad:
0x0: {  	(pc) =	sbr.rel $0x88, $3  }
0x1: {  	(tag) =	ssettag $0x0;
	lr =	simm.s32 $0x1  }
0x2: {  	[smem:$0x3F89] =	sst lr;
	_ =	strace $0xD0000000  }
0x3: {  	_ = 	snop  }
0x4: {  	_ = 	snop  }
0x5: {  	_ = 	snop  }
0x6: {  	_ = 	snop  }
0x7: {  	_ = 	snop  }
__scs_overlays_trampoline_lowered:
0x8: {  	[smem:$0x3F98] =	sst s0  }
0x9: {  	[smem:$0x3F99] =	sst s1  }
0xa: {  	[smem:$0x3F9A] =	sst s2  }
0xb: {  	[smem:$0x3F9B] =	sst s3  }
0xc: {  	[smem:$0x3F9C] =	sst s4  }
0xd: {  	[smem:$0x3F9D] =	sst s5  }
0xe: {  	[smem:$0x3F9E] =	sst s6  }
0xf: {  	[smem:$0x3F9F] =	sst s7  }
0x10: {  	[smem:$0x3FA0] =	sst s8  }
0x11: {  	[smem:$0x3FA1] =	sst s9;
	s0 =	simm.s32 @!p0 $0x0  }
0x12: {  	s1 =	sld [smem:$0x3F87];
	s0 =	simm.s32 @p0 $0x1  }
0x13: {  	[smem:$0x3FA2] =	sst s0;
	s0 =	simm.s32 @!p1 $0x0  }
0x14: {  	s2 =	sld [smem:$0x3F86];
	s0 =	simm.s32 @p1 $0x1  }
0x15: {  	[smem:$0x3FA3] =	sst s0;
	s0 =	simm.s32 @!p2 $0x0  }
0x16: {  	s3 =	sld [smem:$0x3FDB];
	s0 =	simm.s32 @p2 $0x1  }
0x17: {  	s4 =	simm.s32 $0x1BF5;
	[smem:$0x3FA5] =	sst s0  }
0x18: {  	s0 =	sld [smem:$0x3F88];
	_ =	swait.ge [sflag:s4], $0x0  }
0x19: {  	s7 =	sld [smem:$0x3F89]  }
0x1a: {  	s8 =	sadd.s32 $0xFFFFE003, lr  }
0x1b: {  	s9 =	sadd.s32 $0xFFFFFEF7, lr;
	s5 =	simm.s32 $0xFFFFFFFF;
	p2 =	slt.u32 s8, $0xFFFFF086  }
0x1c: {  	p1 =	slt.u32 s9, $0xF7A;
	s5 =	simm.s32 @!p2 $0x0  }
0x1d: {  	s5 =	simm.s32 @p1 $0x1;
	p0 =	seq.s32 s7, s2  }
0x1e: {  	s7 =	smul.u32 @!p0 $0xF7A, s2;
	p2 =	seq.s32 @!p0 s5, $0x0  }
0x1f: {  	s9 =	smul.u32 $0xF7A, s1;
	s8 =	simm.s32 @!p0 $0x1BF5;
	p2 =	por !p2, p0  }
0x20: {  	[sflag:s8] =	ssyncset.s32 @!p0 $0xFFFFF086;
	s6 =	sadd.s32 @!p0 s3, s7;
	s7 =	simm.s32 @!p0 $0x108  }
0x21: {  	s3 =	sadd.s32 s3, s9;
	s6 =	sadd.s32 @!p0 $0x88, s6;
	s7 =	simm.s32 @p2 $0x1082  }
0x22: {  	[simem:s7], [sflag:s8] =	dma.local @!p0 [hbm:s6], $0xF7A  }
0x23: {  	s9 =	sor.u32 $0xD0000000, s2;
	s6 =	simm.s32 $0x108;
	_ =	swait.ge @!p0 [sflag:s8], $0x0  }
0x24: {  	s3 =	sadd.s32 $0x88, s3;
	s6 =	simm.s32 @!p1 $0x1082;
	[sflag:s4] =	ssyncset.s32 $0xFFFFF086  }
0x25: {  	[simem:s6], [sflag:s4] =	dma.local [hbm:s3], $0xF7A  }
0x26: {  	[smem:$0x3F89] =	sst s1;
	(tag) =	ssettag s2;
	_ =	strace s9  }
0x27: {  	s1 =	sld [smem:$0x3F99]  }
0x28: {  	s2 =	sld [smem:$0x3F9A]  }
0x29: {  	s4 =	sld [smem:$0x3F9C]  }
0x2a: {  	p0 =	seq.s32 s5, $0x0;
	s5 =	sld [smem:$0x3F9D]  }
0x2b: {  	s6 =	sld [smem:$0x3F9E]  }
0x2c: {  	s7 =	sld [smem:$0x3F9F]  }
0x2d: {  	s3 =	simm.s32 $0x108;
	s8 =	sld [smem:$0x3FA0]  }
0x2e: {  	s3 =	simm.s32 @!p0 $0x1082;
	s9 =	sld [smem:$0x3FA1]  }
0x2f: {  	lr =	sadd.s32 s0, s3;
	s0 =	sld [smem:$0x3F98]  }
0x30: {  	s3 =	sld [smem:$0x3F9B]  }
0x31: {  	[smem:$0x3FA4] =	sst s10  }
0x32: {  	s10 =	sld [smem:$0x3FA2];
	_ =	sdelay $0x3  }
0x33: {  	p0 =	seq.s32 s10, $0x1;
	s10 =	sld [smem:$0x3FA4];
	_ =	sdelay $0x3  }
0x34: {  	[smem:$0x3FA4] =	sst s10  }
0x35: {  	s10 =	sld [smem:$0x3FA3];
	_ =	sdelay $0x3  }
0x36: {  	p1 =	seq.s32 s10, $0x1;
	s10 =	sld [smem:$0x3FA4];
	_ =	sdelay $0x3  }
0x37: {  	[smem:$0x3FA4] =	sst s10  }
0x38: {  	s10 =	sld [smem:$0x3FA5]  }
0x39: {  	_ = 	snop;
	(pc) =	sbr.ind lr, $3  }
0x3a: {  	_ = 	snop  }
0x3b: {  	_ = 	snop  }
0x3c: {  	p2 =	seq.s32 s10, $0x1;
	s10 =	sld [smem:$0x3FA4]  }
0x3d: {  	_ =	shalt  }
0x3e: {  	_ =	shalt  }
0x3f: {  	_ =	shalt  }
0x40: {  	_ =	shalt  }
0x41: {  	_ =	shalt  }
0x42: {  	_ =	shalt  }
0x43: {  	_ =	shalt  }
0x44: {  	_ =	shalt  }
0x45: {  	_ =	shalt  }
0x46: {  	_ =	shalt  }
0x47: {  	_ =	shalt  }
0x48: {  	_ =	shalt  }
0x49: {  	_ =	shalt  }
0x4a: {  	_ =	shalt  }
0x4b: {  	_ =	shalt  }
0x4c: {  	_ =	shalt  }
0x4d: {  	_ =	shalt  }
0x4e: {  	_ =	shalt  }
0x4f: {  	_ =	shalt  }
0x50: {  	_ =	shalt  }
0x51: {  	_ =	shalt  }
0x52: {  	_ =	shalt  }
0x53: {  	_ =	shalt  }
0x54: {  	_ =	shalt  }
0x55: {  	_ =	shalt  }
0x56: {  	_ =	shalt  }
0x57: {  	_ =	shalt  }
0x58: {  	_ =	shalt  }
0x59: {  	_ =	shalt  }
0x5a: {  	_ =	shalt  }
0x5b: {  	_ =	shalt  }
0x5c: {  	_ =	shalt  }
0x5d: {  	_ =	shalt  }
0x5e: {  	_ =	shalt  }
0x5f: {  	_ =	shalt  }
0x60: {  	_ =	shalt  }
0x61: {  	_ =	shalt  }
0x62: {  	_ =	shalt  }
0x63: {  	_ =	shalt  }
0x64: {  	_ =	shalt  }
0x65: {  	_ =	shalt  }
0x66: {  	_ =	shalt  }
0x67: {  	_ =	shalt  }
0x68: {  	_ =	shalt  }
0x69: {  	_ =	shalt  }
0x6a: {  	_ =	shalt  }
0x6b: {  	_ =	shalt  }
0x6c: {  	_ =	shalt  }
0x6d: {  	_ =	shalt  }
0x6e: {  	_ =	shalt  }
0x6f: {  	_ =	shalt  }
0x70: {  	_ =	shalt  }
0x71: {  	_ =	shalt  }
0x72: {  	_ =	shalt  }
0x73: {  	_ =	shalt  }
0x74: {  	_ =	shalt  }
0x75: {  	_ =	shalt  }
0x76: {  	_ =	shalt  }
0x77: {  	_ =	shalt  }
0x78: {  	_ =	shalt  }
0x79: {  	_ =	shalt  }
0x7a: {  	_ =	shalt  }
0x7b: {  	_ =	shalt  }
0x7c: {  	_ =	shalt  }
0x7d: {  	_ =	shalt  }
0x7e: {  	_ =	shalt  }
0x7f: {  	_ =	shalt  }
0x80: {  	_ =	shalt  }
0x81: {  	_ =	shalt  }
0x82: {  	_ =	shalt  }
0x83: {  	_ =	shalt  }
0x84: {  	_ =	shalt  }
0x85: {  	_ =	shalt  }
0x86: {  	_ =	shalt  }
0x87: {  	_ =	shalt  }
.Lfunc_end0:
.L_simem_size_0:
called_computation.3_lowered:
.L_overlay_start_0:
0x88: {  	s2 =	sld [smem:$0x3FD9]  }
0x89: {  	s3 =	sld [smem:$0x3FFE];
	_ =	sdelay $0x1  }
0x8a: {  	s1 =	srdreg.scid  }
0x8b: {  	s0 =	sand.u32 $0x1, s1  }
0x8c: {  	s15 =	sshll.u32 s0, $0xA;
	s2 =	sadd.s32 s3, s2  }
0x8d: {  	s2 =	sadd.s32 s2, s15  }
0x8e: {  	[smem:$0x3FB0] =	sst s2  }
0x8f: {  	_ = 	snop  }
0x90: {  	s16 =	sld [smem:$0x3FD0];
	_ =	sdelay $0x2  }
0x91: {  	s4 =	simm.s32 $0xD;
	s5 =	simm.s32 $0x10;
	s2 =	sld [smem:$0x3FC8]  }
0x92: {  	[smem:s5], [sflag:s4] =	dma.local [hbm:s16], $0x1  }
0x93: {  	_ =	swait.eq [sflag:s4], $0x1  }
0x94: {  	[sflag:s4] =	ssyncset.done $0x0  }
0x95: {  	[sflag:s4] =	ssyncadd.s32 $0xFFFFFFFF  }
0x96: {  	s17 =	sld [smem:$0x12];
	(tm) =	ssettm $0x1  }
0x97: {  	s18 =	sld [smem:$0x3FFB];
	_ =	sdelay $0x3  }
0x98: {  	_ =	strace s18  }
0x99: {  	s3 =	sld [smem:$0x3FFC];
	_ =	sdelay $0x3  }
0x9a: {  	_ =	strace s3  }
0x9b: {  	s3 =	sld [smem:$0x3FFD];
	_ =	sdelay $0x3  }
0x9c: {  	_ =	strace s3  }
0x9d: {  	_ =	strace $0x8FFFFFFF  }
0x9e: {  	s19 =	sld [smem:$0x3FDB];
	_ =	sdelay $0x1  }
0x9f: {  	s20 =	simm.s32 $_scs_section_size  }
0xa0: {  	s6 =	simm.s32 $_size__tile_overlayer_lowered;
	s7 =	simm.s32 $_tile_overlayer_lowered  }
0xa1: {  	s8 =	simm.s32 $0x1BFF;
	s21 =	sshll.u32 s7, $0x1;
	s5 =	sadd.s32 s20, s19  }
0xa2: {  	s22 =	simm.s32 $0x0;
	s6 =	sshll.u32 s6, $0x1;
	s7 =	sadd.s32 s21, s5  }
0xa3: {  	[timem:s22], [sflag:s8] =	dma.local [hbm:s7], s6  }
0xa4: {  	_ =	swait.ge [sflag:s8], s6  }
0xa5: {  	s6 =	ssub.s32 $0x0, s6;
	[sflag:s8] =	ssyncset.done $0x0  }
0xa6: {  	[sflag:s8] =	ssyncadd.s32 s6;
	_ =	sdelay $0x1  }
0xa7: {  	s23 =	simm.s32 $0x1B8B  }
0xa8: {  	_ =	swait.ge [sflag:s23], $0x1  }
0xa9: {  	[sflag:s23] =	ssyncset.done $0x0  }
0xaa: {  	[sflag:s23] =	ssyncadd.s32 $0xFFFFFFFF  }
0xab: {  	s6 =	sld [smem:$0x0]  }
0xac: {  	s7 =	sand.u32 $0xFFFFFFFE, s1  }
0xad: {  	p0 =	sne.s32 s1, s7  }
0xae: {  	s7 =	sshll.u32 @p0 s7, $0xE  }
0xaf: {  	s7 =	sadd.s32 @p0 $0x11B8D, s7;
	s8 =	sshll.u32 @p0 s6, $0x11  }
0xb0: {  	s7 =	sor.u32 @p0 s8, s7  }
0xb1: {  	[sflag:s7] =	ssyncadd.remote.s32 @p0 $0x1;
	_ =	sdelay $0x1  }
0xb2: {  	s7 =	simm.s32 @p0 $0x1B8D  }
0xb3: {  	_ =	swait.eq @p0 [sflag:s7], $0x1  }
0xb4: {  	[sflag:s7] =	ssyncadd.s32 @p0 $0xFFFFFFFF  }
0xb5: {  	s8 =	sshll.u32 @!p0 s1, $0xE  }
0xb6: {  	s8 =	sor.u32 @!p0 $0x4000, s8;
	s7 =	simm.s32 @!p0 $0x1B8D  }
0xb7: {  	s6 =	sshll.u32 @!p0 s6, $0x11;
	s8 =	sadd.s32 @!p0 $0x11B8D, s8;
	_ =	swait.eq @!p0 [sflag:s7], $0x1  }
0xb8: {  	s6 =	sor.u32 @!p0 s6, s8;
	[sflag:s7] =	ssyncadd.s32 @!p0 $0xFFFFFFFF  }
0xb9: {  	s25 =	simm.s32 $0x1B8E;
	s24 =	sld [smem:$0x3FFE];
	[sflag:s6] =	ssyncadd.remote.s32 @!p0 $0x1  }
0xba: {  	s26 =	simm.s32 $execute0_lowered;
	[smem:$0x3FD2] =	sst s25  }
0xbb: {  	s7 =	sshll.u32 s26, $0x1;
	_ =	strace $0x80000049;
	[dreg:$0x1] =	wrdreg $0xFFFFFFFF  }
0xbc: {  	s28 =	simm.s32 $_size_execute0_lowered;
	s5 =	sadd.s32 s5, s7;
	[dreg:$0x0] =	wrdreg $0x0  }
0xbd: {  	s7 =	sshll.u32 s28, $0x1;
	[dreg:$0x2] =	wrdreg s5  }
0xbe: {  	[dreg:$0x3] =	wrdreg s7  }
0xbf: {  	[dreg:$0x4] =	wrdreg $0xC0  }
0xc0: {  	_ =	task [dreg:s22], $0x5FFFF  }
0xc1: {  	[dreg:$0x1] =	wrdreg $0xFFFFFFFF  }
0xc2: {  	[dreg:$0x0] =	wrdreg $0x60  }
0xc3: {  	[dreg:$0x2] =	wrdreg s24  }
0xc4: {  	[dreg:$0x3] =	wrdreg s2  }
0xc5: {  	[dreg:$0x4] =	wrdreg s17  }
0xc6: {  	[dreg:$0x5] =	wrdreg $0xAD800  }
0xc7: {  	[dreg:$0x6] =	wrdreg $0xC  }
0xc8: {  	_ =	task.clear_ibuf [dreg:s22], $0x7FFFF;
	_ =	strace $0x90000049  }
0xc9: {  	s29 =	simm.s32 $0xC;
	_ =	strace $0x8000004B  }
0xca: {  	_ =	swait.ge [sflag:s29], $0x1  }
0xcb: {  	[sflag:s29] =	ssyncadd.s32 $0xFFFFFFFF  }
0xcc: {  	_ =	strace $0x9000004B  }
0xcd: {  	_ =	sfence  }
0xce: {  	s30 =	sld [smem:$0x0];
	_ =	sdelay $0x2  }
0xcf: {  	s31 =	sshll.u32 s1, $0xD;
	s1 =	sshrl.u32 s1, $0x2  }
0xd0: {  	s4 =	sand.u32 $0x4000, s31;
	s1 =	sadd.s32 s1, s30  }
0xd1: {  	s0 =	sor.u32 s4, s0;
	s1 =	sshll.u32 s1, $0x11  }
0xd2: {  	s0 =	sor.u32 s1, s0  }
0xd3: {  	s0 =	sadd.s32 $0x8F2B, s0  }
0xd4: {  	[sflag:s0] =	ssyncadd.remote.s32 $0x1  }
0xd5: {  	_ =	sfence.sel $0xFFFF  }
0xd6: {  	[dreg:$0x0] =	wrdreg $0xFFFFFFFF;
	(pc) =	sbr.abs _section_cstart, $3  }
0xd7: {  	[dreg:$0x1] =	wrdreg $0xFFFFFFFF  }
0xd8: {  	_ =	task.clear_ibuf [dreg:s22], $0x2FFFF;
	_ =	strace $0x9FFFFFFF  }
0xd9: {  	(tm) =	ssettm $0x7FFFFFFF  }
tec
execute0_lowered:
.L_overlay_start_1:
0x0: {  	(tag) =	ssettag $0x1  }
0x1: {  	s0 =	rddreg [dreg:$0x0]  }
0x2: {  	s1 =	rddreg [dreg:$0x1]  }
0x3: {  	s2 =	rddreg [dreg:$0x2]  }
0x4: {  	s4 =	rddreg [dreg:$0x3]  }
0x5: {  	s3 =	srdreg.scid;
	s5 =	simm.s32 $0x0;
	s12 =	stileid.u32  }
0x6: {  	s13 =	simm.s32 $0x5;
	s17 =	simm.s32 $0x3600;
	s18 =	simm.s32 $0x5180  }
0x7: {  	s19 =	simm.s32 $0x1;
	s20 =	simm.s32 $0x40;
	s21 =	simm.s32 $0x6D80  }
0x8: {  	s22 =	simm.s32 $0x8D80;
	s23 =	simm.s32 $0x6D00;
	s24 =	simm.s32 $0x3  }
0x9: {  	s25 =	simm.s32 $0x2;
	s28 =	simm.s32 $0x0;
	s26 =	smul.u32 $0x360, s12  }
0xa: {  	s3 =	sand.u32 $0x1, s3;
	[smem:$0x7FF] =	sst s5;
	s9 =	smul.u32 $0x19000, s12  }
0xb: {  	s6 =	sadd.s32 $0x2A400, s0;
	p0 =	sgt.u32 s12, $0x9;
	s10 =	smul.u32 $0xC8, s12  }
0xc: {  	s7 =	ssub.s32 $0x2, s3;
	_ =	strace $0x8000004A;
	s12 =	sshll.u32 @!p0 s12, $0x6  }
.Ltmp0:
0xd: {  	s8 =	sshrl.u32 s7, $0x1;
	s5 =	sadd.s32 s26, s0;
	(pc) =	sbr.rel .LBB2_1-.Ltmp0, $4  }
0xe: {  	s31 =	sshrl.u32 s9, $0x2;
	s9 =	smul.u32 $0x5, s3;
	s15 =	sor.u32 @!p0 $0x1C06, s12  }
0xf: {  	s26 =	simm.s32 $0x4;
	s29 =	ssub.s32 s7, s8;
	s30 =	sadd.s32 $0x20200, s5  }
0x10: {  	s5 =	sadd.s32 $0x1CC00, s5;
	s3 =	sadd.s32 s31, s4;
	[dreg:$0x5] =	wrdreg s30  }
0x11: {  	v0 =	vlaneseq.u32;
	v1 =	vimm.s32 $0x0;
	v2 =	vimm.s32 $0x7D0;
	[dreg:$0x6] =	wrdreg s5;
	s11 =	smax.u32 s29, $0x1;
	s16 =	sshrl.u32 @!p0 s3, $0x3  }
.LBB2_12:
0x12: {  	s28 =	sadd.s32 $0x1, s28  }
0x13: {  	p1 =	sne.s32 s28, s11  }
.Ltmp1:
0x14: {  	_ = 	snop;
	(pc) =	sbr.rel @!p1 .LBB2_13-.Ltmp1, $1  }
0x15: {  	_ =	sdelay $0x3  }
.LBB2_1:
0x16: {  	s0 =	simm.s32 $0x0;
	s3 =	rddreg [dreg:$0x5]  }
0x17: {  	[tilespmem:s0], [sflag:$0x5] =	stream.linear.gather [hbm4b:s3+s0], $0x1B00, $0x38;
	[tilespmem:$0xEC40] =	vst v63  }
0x18: {  	_ =	swait.ge [sflag:s13], $0x1B00  }
0x19: {  	s5 =	simm.s32 $0x1B00;
	[sflag:s13] =	ssyncset.done $0x0  }
.Ltmp2:
0x1a: {  	s31 =	rddreg [dreg:$0x6];
	[sflag:s13] =	ssyncadd.s32 $0xFFFFE500;
	(pc) =	sbr.rel .LBB2_2-.Ltmp2, $4  }
0x1b: {  	[tilespmem:s5], [sflag:$0x5] =	stream.linear.gather [hbm4b:s31+s0], $0x1B00, $0x38;
	[tilespmem:$0xEC40] =	vst v63  }
0x1c: {  	_ =	swait.ge [sflag:s13], $0x1B00  }
0x1d: {  	[sflag:s13] =	ssyncset.done $0x0  }
0x1e: {  	s29 =	simm.s32 $0x0;
	[sflag:s13] =	ssyncadd.s32 $0xFFFFE500  }
.LBB2_6:
0x1f: {  	s3 =	simm.s32 $0x51C0  }
.LBB2_10:
0x20: {  	s5 =	sadd.s32 $0xFFFFFFC0, s0;
	[sflag:s26] =	ssyncadd.s32 @p1 $0xFFFFE000;
	s3 =	sadd.s32 @p1 $0x80, s3  }
0x21: {  	[tilespmem:s21], [sflag:$0x1] =	stream.indirect.gather [hbm4b:s1+s20], $0x80, s5, s20, $0xb8;
	[tilespmem:$0xEC40] =	vst v63  }
0x22: {  	s31 =	smov.u32 @p1 s3  }
0x23: {  	[tilespmem:s22], [sflag:$0x2] =	stream.indirect.gather [hbm4b:s1+s20], $0x80, s0, s20, $0xb8;
	[tilespmem:$0xEC40] =	vst v63  }
0x24: {  	v3 =	vld [tilespmem:s31+$0xFFFFFFC0];
	_ =	sdelay $0x4  }
0x25: {  	[tilespmem:$0x6D00] =	vst v3  }
0x26: {  	v3 =	vld [tilespmem:s31+$0xFFFFFFD0];
	_ =	sdelay $0x4  }
0x27: {  	[tilespmem:$0x6D10] =	vst v3  }
0x28: {  	v3 =	vld [tilespmem:s31+$0xFFFFFFE0];
	_ =	sdelay $0x4  }
0x29: {  	[tilespmem:$0x6D20] =	vst v3  }
0x2a: {  	v3 =	vld [tilespmem:s31+$0xFFFFFFF0];
	_ =	sdelay $0x4  }
0x2b: {  	[tilespmem:$0x6D30] =	vst v3  }
0x2c: {  	_ =	swait.ge [sflag:s19], $0x2000  }
0x2d: {  	[sflag:s19] =	ssyncset.done $0x0  }
0x2e: {  	[sflag:s19] =	ssyncadd.s32 $0xFFFFE000  }
0x2f: {  	[spmem:s4] =	stream.indirect.scatter.add.f32 [tilespmem:s21], [sflag:$0x3], $0x80, s23, s20, $0xb8;
	[tilespmem:$0xEC40] =	vst v63  }
0x30: {  	_ =	swait.ge [sflag:s24], $0x2000  }
0x31: {  	[sflag:s24] =	ssyncset.done $0x0  }
0x32: {  	[sflag:s24] =	ssyncadd.s32 $0xFFFFE000  }
0x33: {  	v3 =	vld [tilespmem:s31+$0x0];
	_ =	sdelay $0x4  }
0x34: {  	[tilespmem:$0x6D00] =	vst v3  }
0x35: {  	v3 =	vld [tilespmem:s31+$0x10];
	_ =	sdelay $0x4  }
0x36: {  	[tilespmem:$0x6D10] =	vst v3  }
0x37: {  	v3 =	vld [tilespmem:s31+$0x20];
	_ =	sdelay $0x4  }
0x38: {  	[tilespmem:$0x6D20] =	vst v3  }
0x39: {  	v3 =	vld [tilespmem:s31+$0x30];
	_ =	sdelay $0x4  }
0x3a: {  	[tilespmem:$0x6D30] =	vst v3  }
0x3b: {  	_ =	swait.ge [sflag:s25], $0x2000  }
0x3c: {  	[sflag:s25] =	ssyncset.done $0x0  }
0x3d: {  	[sflag:s25] =	ssyncadd.s32 $0xFFFFE000  }
0x3e: {  	[spmem:s4] =	stream.indirect.scatter.add.f32 [tilespmem:s22], [sflag:$0x4], $0x80, s23, s20, $0xb8;
	[tilespmem:$0xEC40] =	vst v63  }
0x3f: {  	_ =	swait.ge [sflag:s26], $0x2000  }
0x40: {  	[sflag:s26] =	ssyncset.done $0x0  }
0x41: {  	[sflag:s26] =	ssyncadd.s32 $0xFFFFE000  }
.LBB2_11:
0x42: {  	s0 =	sadd.s32 @!p0 s10, s30  }
0x43: {  	[bflag:$0x0] =	sbarrier.arrive $0xFFFF;
	s29 =	sadd.s32 $0x1, s29;
	s0 =	sshll.u32 @!p0 s0, $0x4  }
0x44: {  	s3 =	sor.u32 @!p0 $0x1C05, s12;
	p1 =	sne.s32 s29, $0x5;
	s0 =	sadd.s32 @!p0 s2, s0  }
0x45: {  	[hbm:s0], [sflag:s3] =	dma.local @!p0 [spmem:s16], $0xC80  }
.Ltmp3:
0x46: {  	_ = 	snop;
	(pc) =	sbr.rel @!p1 .LBB2_12-.Ltmp3, $4  }
0x47: {  	s0 =	simm.s32 @!p0 $0x5  }
0x48: {  	_ =	swait.ge @!p0 [sflag:s0], $0xC80  }
0x49: {  	[sflag:s0] =	ssyncset.done @!p0 $0x0  }
0x4a: {  	[sflag:s0] =	ssyncadd.s32 @!p0 $0xFFFFF380  }
.LBB2_2:
0x4b: {  	[spmem:s16], [sflag:s15] =	dma.local @!p0 [hbm:s6], $0xC80  }
0x4c: {  	s0 =	simm.s32 @!p0 $0x6  }
0x4d: {  	_ =	swait.ge @!p0 [sflag:s0], $0xC80  }
0x4e: {  	[sflag:s0] =	ssyncset.done @!p0 $0x0  }
0x4f: {  	[sflag:s0] =	ssyncadd.s32 @!p0 $0xFFFFF380  }
0x50: {  	s5 =	simm.s32 $0x1B20;
	[bflag:$0x0] =	sbarrier.arrive $0xFFFF  }
0x51: {  	v6 =	vld [tilespmem:s5+$0x10]  }
0x52: {  	s3 =	sadd.s32 s9, s29;
	v7 =	vld [tilespmem:s5+$0x0]  }
0x53: {  	s30 =	smul.u32 $0x7D0, s3;
	v8 =	vld [tilespmem:s5+$0xFFFFFFE0]  }
0x54: {  	v10 =	vld [tilespmem:s5+$0xFFFFFFF0]  }
0x55: {  	s7 =	sadd.s32 $0x7D0, s30  }
0x56: {  	v3 =	vmov s30;
	v9 =	vmov s7  }
0x57: {  	s8 =	simm.s32 $0x1B60;
	v4 =	vsub.s32 v6, v3;
	v5 =	vsub.s32 v7, v3;
	vm0 =	vge.s32 v6, v3  }
0x58: {  	v13 =	vld [tilespmem:s8+$0x0];
	vm1 =	vge.s32 v8, v3;
	vm2 =	vlt.s32 v8, v9;
	vm3 =	vge.s32 v7, v3  }
0x59: {  	v14 =	vld [tilespmem:s8+$0xFFFFFFE0];
	vm4 =	vmand vm1, vm2;
	vm1 =	vge.s32 v10, v3;
	vm2 =	vlt.s32 v10, v9  }
0x5a: {  	v11 =	vmpcnt.ones.xlane vm4;
	vm1 =	vmand vm1, vm2;
	vm2 =	vlt.s32 v7, v9  }
0x5b: {  	v12 =	vmpcnt.ones.xlane vm1;
	vm2 =	vmand vm3, vm2;
	vm3 =	vlt.s32 v6, v9  }
0x5c: {  	v6 =	vmpcnt.ones.xlane vm2;
	vm0 =	vmand vm0, vm3;
	(v2sf) =	vpush v11, $0x0  }
0x5d: {  	v17 =	vsub.s32 v8, v3;
	v7 =	vld [tilespmem:s8+$0x10];
	v11 =	vmpcnt.ones.xlane vm0;
	(v2sf) =	vpush v12, $0x0  }
0x5e: {  	v8 =	vsub.s32 v13, v3;
	vm6 =	vlt.s32 v14, v9;
	(v2sf) =	vpush v6, $0x0  }
0x5f: {  	vm7 =	vge.s32 v13, v3;
	v15 =	vsub.s32 v14, v3;
	v12 =	vld [tilespmem:s8+$0xFFFFFFF0];
	(v2sf) =	vpush v11, $0x0  }
0x60: {  	v10 =	vsub.s32 v10, v3;
	vm4 =	vmmov vm4;
	vm3 =	vmmov vm1  }
0x61: {  	vm1 =	vmmov vm2;
	vm2 =	vmmov vm0;
	vm0 =	vge.s32 v14, v3  }
0x62: {  	s14 =	simm.s32 $0x20;
	vm10 =	vmand vm0, vm6;
	vm6 =	vlt.s32 v13, v9;
	v6 =	vsub.s32 v7, v3  }
0x63: {  	v18 =	vld [tilespmem:s14+$0xFFFFFFE0];
	s5 =	simm.s32 $0x1BA0;
	vm5 =	vge.s32 v7, v3;
	v11 =	vmpcnt.ones.xlane vm10;
	vm6 =	vmand vm7, vm6  }
0x64: {  	v16 =	vld [tilespmem:s5+$0x10];
	vm7 =	vlt.s32 v7, v9;
	vm8 =	vge.s32 v12, v3;
	vm9 =	vlt.s32 v12, v9  }
0x65: {  	v21 =	vld [tilespmem:s5+$0x0];
	v19 =	vmpcnt.ones.xlane vm6;
	(v2sf) =	vpush v11, $0x0;
	vm0 =	vmand vm8, vm9  }
0x66: {  	v7 =	vld [tilespmem:s5+$0xFFFFFFF0];
	v12 =	vsub.s32 v12, v3;
	vm9 =	vmmov vm3;
	v13 =	vmpcnt.ones.xlane vm0  }
0x67: {  	v11 =	vld [tilespmem:s5+$0xFFFFFFE0];
	vm3 =	vmand vm5, vm7;
	vm5 =	vmmov vm1;
	vm1 =	vmmov vm6  }
0x68: {  	v20 =	vld [tilespmem:s14+$0xFFFFFFF0];
	vm6 =	vmmov vm2;
	v14 =	vmpcnt.ones.xlane vm3;
	(v2sf) =	vpush v13, $0x0  }
0x69: {  	v22 =	vld [tilespmem:s14+$0x0];
	vm8 =	vge.s32 v16, v3;
	vm0 =	vmmov vm0;
	(v2sf) =	vpush v19, $0x0  }
0x6a: {  	s7 =	simm.s32 $0x0;
	vm2 =	vmmov vm3;
	vm3 =	vmmov vm10;
	(v2sf) =	vpush v14, $0x0  }
0x6b: {  	[tilespmem:s7+$0x3600] =	vst.msk vm4, v18;
	vm7 =	vmmov vm9;
	vm10 =	vge.s32 v21, v3;
	vm11 =	vlt.s32 v7, v9;
	v19 =	vld [tilespmem:s14+$0x10];
	s5 =	spop (v2sf)  }
0x6c: {  	s0 =	simm.s32 $0x60;
	[tilespmem:s7+$0x5180] =	vst.msk vm4, v17;
	v13 =	vsub.s32 v21, v3;
	vm4 =	vge.s32 v11, v3;
	vm9 =	vlt.s32 v11, v9;
	s14 =	sadd.s32 $0x0, s5;
	s8 =	spop (v2sf)  }
0x6d: {  	s31 =	simm.s32 $0x1BE0;
	v18 =	vld [tilespmem:s0+$0xFFFFFFE0];
	vm4 =	vmand vm4, vm9;
	vm9 =	vge.s32 v7, v3;
	v14 =	vsub.s32 v16, v3;
	[tilespmem:s14+$0x3600] =	vst.msk vm7, v20;
	s5 =	sadd.s32 s14, s8;
	s7 =	spop (v2sf)  }
0x6e: {  	s3 =	simm.s32 $0x8;
	v17 =	vld [tilespmem:s0+$0xFFFFFFF0];
	vm9 =	vmand vm9, vm11;
	vm11 =	vlt.s32 v21, v9;
	v20 =	vmpcnt.ones.xlane vm4;
	[tilespmem:s5+$0x3600] =	vst.msk vm5, v22;
	s7 =	sadd.s32 s5, s7;
	s8 =	spop (v2sf)  }
.LBB2_3:
0x6f: {  	v21 =	vmpcnt.ones.xlane vm9;
	vm11 =	vmand vm10, vm11  }
0x70: {  	vm12 =	vlt.s32 v16, v9;
	v16 =	vld [tilespmem:s31+$0x10];
	[tilespmem:s7+$0x3600] =	vst.msk vm6, v19;
	s8 =	sadd.s32 s7, s8;
	vm10 =	vmmov vm0;
	vm0 =	vmmov vm9  }
0x71: {  	v22 =	vld [tilespmem:s31+$0x0];
	v19 =	vmpcnt.ones.xlane vm11;
	vm8 =	vmand vm8, vm12;
	(v2sf) =	vpush v20, $0x0;
	[tilespmem:s7+$0x5180] =	vst.msk vm6, v4;
	v4 =	vmovc v6;
	v6 =	vmovc v14  }
0x72: {  	s3 =	sadd.s32 $0x4, s3;
	v20 =	vsub.s32 v11, v3;
	v11 =	vld [tilespmem:s31+$0xFFFFFFE0];
	v14 =	vmpcnt.ones.xlane vm8;
	(v2sf) =	vpush v21, $0x0;
	[tilespmem:s5+$0x5180] =	vst.msk vm5, v5;
	v5 =	vmovc v8;
	v8 =	vmovc v13  }
0x73: {  	p1 =	slt.u32 s3, $0x1AC;
	vm5 =	vmmov vm1;
	(v2sf) =	vpush v19, $0x0;
	[tilespmem:s14+$0x5180] =	vst.msk vm7, v10;
	v10 =	vmovc v12;
	v12 =	vsub.s32 v7, v3;
	v7 =	vld [tilespmem:s31+$0xFFFFFFF0]  }
0x74: {  	vm6 =	vmmov vm2;
	vm1 =	vmmov vm11;
	(v2sf) =	vpush v14, $0x0;
	[tilespmem:s8+$0x3600] =	vst.msk vm3, v18;
	v21 =	vld [tilespmem:s0+$0x0]  }
.Ltmp4:
0x75: {  	vm2 =	vmmov vm8;
	v14 =	vsub.s32 v16, v3;
	[tilespmem:s8+$0x5180] =	vst.msk vm3, v15;
	v19 =	vld [tilespmem:s0+$0x10];
	v15 =	vmovc v20;
	vm3 =	vmmov vm4;
	(pc) =	sbr.rel @p1 .LBB2_3-.Ltmp4, $4  }
0x76: {  	vm7 =	vmmov vm10;
	vm8 =	vge.s32 v16, v3;
	v13 =	vsub.s32 v22, v3;
	s5 =	spop (v2sf)  }
0x77: {  	s0 =	sadd.s32 $0x40, s0;
	vm10 =	vge.s32 v22, v3;
	vm4 =	vge.s32 v11, v3;
	vm9 =	vlt.s32 v11, v9;
	s14 =	sadd.s32 s8, s5;
	s5 =	spop (v2sf)  }
0x78: {  	vm4 =	vmand vm4, vm9;
	vm9 =	vge.s32 v7, v3;
	vm11 =	vlt.s32 v7, v9;
	v18 =	vld [tilespmem:s0+$0xFFFFFFE0];
	[tilespmem:s14+$0x3600] =	vst.msk vm7, v17;
	s5 =	sadd.s32 s14, s5;
	s7 =	spop (v2sf)  }
0x79: {  	s31 =	sadd.s32 $0x40, s31;
	v20 =	vmpcnt.ones.xlane vm4;
	vm9 =	vmand vm9, vm11;
	vm11 =	vlt.s32 v22, v9;
	v17 =	vld [tilespmem:s0+$0xFFFFFFF0];
	[tilespmem:s5+$0x3600] =	vst.msk vm5, v21;
	s7 =	sadd.s32 s5, s7;
	s8 =	spop (v2sf)  }
0x7a: {  	v21 =	vmpcnt.ones.xlane vm9;
	vm10 =	vmand vm10, vm11;
	vm15 =	vlt.s32 v16, v9  }
0x7b: {  	v49 =	vmpcnt.ones.xlane vm10;
	vm8 =	vmand vm8, vm15;
	(v2sf) =	vpush v20, $0x0  }
0x7c: {  	v50 =	vmpcnt.ones.xlane vm8;
	(v2sf) =	vpush v21, $0x0  }
0x7d: {  	(v2sf) =	vpush v49, $0x0  }
0x7e: {  	(v2sf) =	vpush v50, $0x0;
	_ =	sdelay $0x1  }
0x7f: {  	[tilespmem:s7+$0x3600] =	vst.msk vm6, v19  }
0x80: {  	[tilespmem:s5+$0x5180] =	vst.msk vm5, v5  }
0x81: {  	v51 =	vld [tilespmem:s0+$0x0];
	[tilespmem:s14+$0x5180] =	vst.msk vm7, v10  }
0x82: {  	s3 =	sadd.s32 s7, s8;
	[tilespmem:s7+$0x5180] =	vst.msk vm6, v4  }
0x83: {  	v52 =	vld [tilespmem:s0+$0x10];
	vm0 =	vmmov vm0;
	[tilespmem:s3+$0x3600] =	vst.msk vm3, v18;
	s31 =	spop (v2sf)  }
0x84: {  	vm0 =	vmmov vm0;
	[tilespmem:s3+$0x5180] =	vst.msk vm3, v15;
	s3 =	sadd.s32 s3, s31;
	s7 =	spop (v2sf)  }
0x85: {  	vm1 =	vmmov vm1;
	s0 =	sadd.s32 $0x40, s0;
	[tilespmem:s3+$0x3600] =	vst.msk vm0, v17;
	s5 =	sadd.s32 s3, s7  }
0x86: {  	v53 =	vld [tilespmem:s0+$0xFFFFFFE0];
	s8 =	spop (v2sf);
	[tilespmem:s5+$0x3600] =	vst.msk vm1, v51  }
0x87: {  	vm2 =	vmmov vm2;
	s7 =	sadd.s32 s5, s8;
	[tilespmem:s3+$0x5180] =	vst.msk vm0, v12  }
0x88: {  	v54 =	vld [tilespmem:s0+$0xFFFFFFF0];
	s14 =	spop (v2sf);
	[tilespmem:s7+$0x3600] =	vst.msk vm2, v52  }
0x89: {  	v55 =	vld [tilespmem:s0+$0x0];
	[tilespmem:s7+$0x5180] =	vst.msk vm2, v6;
	s7 =	sadd.s32 s7, s14;
	s31 =	spop (v2sf)  }
0x8a: {  	vm11 =	vmmov vm9;
	vm12 =	vmmov vm4;
	v56 =	vld [tilespmem:s0+$0x10];
	[tilespmem:s5+$0x5180] =	vst.msk vm1, v8;
	s0 =	sadd.s32 s7, s31;
	s5 =	spop (v2sf)  }
0x8b: {  	v57 =	vsub.s32 v11, v3;
	vm13 =	vmmov vm11;
	[tilespmem:s7+$0x3600] =	vst.msk vm12, v53;
	s3 =	sadd.s32 s0, s5;
	s8 =	spop (v2sf)  }
0x8c: {  	vm14 =	vmmov vm10;
	vm0 =	vmmov vm13;
	[tilespmem:s7+$0x5180] =	vst.msk vm12, v57;
	s5 =	sadd.s32 s3, s8;
	s14 =	spop (v2sf)  }
0x8d: {  	vm1 =	vmmov vm14;
	[tilespmem:s0+$0x3600] =	vst.msk vm0, v54;
	s7 =	sadd.s32 s5, s14  }
0x8e: {  	v3 =	vsub.s32 v7, v3;
	vm15 =	vmmov vm8;
	[tilespmem:s3+$0x3600] =	vst.msk vm1, v55;
	v58 =	vadd.s32 s7, v0  }
0x8f: {  	vm2 =	vmmov vm15;
	[tilespmem:s0+$0x5180] =	vst.msk vm0, v3;
	s31 =	sadd.s32 $0x10, s7  }
0x90: {  	[tilespmem:s5+$0x3600] =	vst.msk vm2, v56;
	v59 =	vadd.s32 s31, v0  }
0x91: {  	[tilespmem:s3+$0x5180] =	vst.msk vm1, v13;
	s8 =	sadd.s32 $0x20, s7  }
0x92: {  	[tilespmem:s5+$0x5180] =	vst.msk vm2, v14;
	v3 =	vadd.s32 s8, v0  }
0x93: {  	s14 =	sadd.s32 $0x30, s7;
	[tilespmem:v58+s17+$0x0] =	vst.idx.msk $0xffff, v1  }
0x94: {  	v60 =	vadd.s32 s14, v0;
	[tilespmem:v58+s18+$0x0] =	vst.idx.msk $0xffff, v2  }
0x95: {  	s31 =	sadd.s32 $0x40, s7;
	[tilespmem:v59+s17+$0x0] =	vst.idx.msk $0xffff, v1  }
0x96: {  	s0 =	sadd.s32 $0x7F, s7;
	v61 =	vadd.s32 s31, v0;
	[tilespmem:v59+s18+$0x0] =	vst.idx.msk $0xffff, v2  }
0x97: {  	s3 =	sadd.s32 $0x50, s7;
	s14 =	sand.u32 $0x7F, s0;
	[tilespmem:v3+s17+$0x0] =	vst.idx.msk $0xffff, v1  }
0x98: {  	p1 =	slt.s32 s0, $0x1;
	s31 =	sshra.s32 s0, $0x1F;
	p2 =	sne.s32 s14, $0x0;
	[tilespmem:v3+s18+$0x0] =	vst.idx.msk $0xffff, v2;
	v3 =	vadd.s32 s3, v0  }
0x99: {  	s5 =	sadd.s32 $0x60, s7;
	p1 =	por !p1, !p2;
	s3 =	sshrl.u32 s31, $0x19;
	[tilespmem:v60+s17+$0x0] =	vst.idx.msk $0xffff, v1  }
0x9a: {  	v62 =	vadd.s32 s5, v0;
	p1 =	por !p1, !p1;
	s0 =	sadd.s32 s3, s0;
	s3 =	simm.s32 $0x1;
	[tilespmem:v60+s18+$0x0] =	vst.idx.msk $0xffff, v2  }
0x9b: {  	s8 =	sadd.s32 $0x70, s7;
	s0 =	sshra.s32 s0, $0x7;
	s3 =	simm.s32 @!p1 $0x0;
	[tilespmem:v61+s17+$0x0] =	vst.idx.msk $0xffff, v1  }
0x9c: {  	v63 =	vadd.s32 s8, v0;
	s3 =	ssub.s32 s0, s3;
	[tilespmem:v61+s18+$0x0] =	vst.idx.msk $0xffff, v2  }
0x9d: {  	p1 =	slt.s32 s3, $0x1;
	[tilespmem:v3+s17+$0x0] =	vst.idx.msk $0xffff, v1  }
.Ltmp5:
0x9e: {  	[tilespmem:v3+s18+$0x0] =	vst.idx.msk $0xffff, v2;
	(pc) =	sbr.rel @p1 .LBB2_11-.Ltmp5, $4  }
0x9f: {  	[tilespmem:v62+s17+$0x0] =	vst.idx.msk $0xffff, v1  }
0xa0: {  	[tilespmem:v62+s18+$0x0] =	vst.idx.msk $0xffff, v2  }
0xa1: {  	[tilespmem:v63+s17+$0x0] =	vst.idx.msk $0xffff, v1  }
0xa2: {  	[tilespmem:v63+s18+$0x0] =	vst.idx.msk $0xffff, v2  }
0xa3: {  	p2 =	sne.s32 s3, $0x1  }
.Ltmp6:
0xa4: {  	_ = 	snop;
	(pc) =	sbr.rel @!p2 .LBB2_6-.Ltmp6, $3  }
0xa5: {  	_ =	sdelay $0x1  }
0xa6: {  	s0 =	simm.s32 $0x3640  }
0xa7: {  	s31 =	simm.s32 $0x51C0;
	s3 =	sadd.s32 $0xFFFFFFFF, s3;
	p1 =	por $0x0, $0x0  }
0xa8: {  	s5 =	simm.s32 $0x3600  }
0xa9: {  	[tilespmem:s21], [sflag:$0x1] =	stream.indirect.gather [hbm4b:s1+s20], $0x80, s5, s20, $0xb8;
	[tilespmem:$0xEC40] =	vst v63  }
0xaa: {  	_ = 	snop  }
0xab: {  	[tilespmem:s22], [sflag:$0x2] =	stream.indirect.gather [hbm4b:s1+s20], $0x80, s0, s20, $0xb8;
	[tilespmem:$0xEC40] =	vst v63  }
0xac: {  	v3 =	vld [tilespmem:s31+$0xFFFFFFC0];
	_ =	sdelay $0x4  }
0xad: {  	[tilespmem:$0x6D00] =	vst v3  }
0xae: {  	v3 =	vld [tilespmem:s31+$0xFFFFFFD0];
	_ =	sdelay $0x4  }
0xaf: {  	[tilespmem:$0x6D10] =	vst v3  }
0xb0: {  	v3 =	vld [tilespmem:s31+$0xFFFFFFE0];
	_ =	sdelay $0x4  }
0xb1: {  	[tilespmem:$0x6D20] =	vst v3  }
0xb2: {  	v3 =	vld [tilespmem:s31+$0xFFFFFFF0];
	_ =	sdelay $0x4  }
0xb3: {  	[tilespmem:$0x6D30] =	vst v3  }
0xb4: {  	_ =	swait.ge [sflag:s19], $0x2000  }
0xb5: {  	[sflag:s19] =	ssyncset.done $0x0  }
0xb6: {  	[sflag:s19] =	ssyncadd.s32 $0xFFFFE000  }
0xb7: {  	[spmem:s4] =	stream.indirect.scatter.add.f32 [tilespmem:s21], [sflag:$0x3], $0x80, s23, s20, $0xb8;
	[tilespmem:$0xEC40] =	vst v63  }
0xb8: {  	_ =	swait.ge [sflag:s24], $0x2000  }
0xb9: {  	[sflag:s24] =	ssyncset.done $0x0  }
0xba: {  	[sflag:s24] =	ssyncadd.s32 $0xFFFFE000  }
0xbb: {  	v3 =	vld [tilespmem:s31+$0x0];
	_ =	sdelay $0x4  }
0xbc: {  	[tilespmem:$0x6D00] =	vst v3  }
0xbd: {  	v3 =	vld [tilespmem:s31+$0x10];
	_ =	sdelay $0x4  }
0xbe: {  	[tilespmem:$0x6D10] =	vst v3  }
0xbf: {  	v3 =	vld [tilespmem:s31+$0x20];
	_ =	sdelay $0x4  }
0xc0: {  	[tilespmem:$0x6D20] =	vst v3  }
0xc1: {  	v3 =	vld [tilespmem:s31+$0x30];
	_ =	sdelay $0x4  }
0xc2: {  	[tilespmem:$0x6D30] =	vst v3  }
0xc3: {  	p2 =	sne.s32 s3, $0x1;
	_ =	swait.ge [sflag:s25], $0x2000  }
.Ltmp7:
0xc4: {  	[sflag:s25] =	ssyncset.done $0x0;
	(pc) =	sbr.rel @!p2 .LBB2_8-.Ltmp7, $4  }
0xc5: {  	[sflag:s25] =	ssyncadd.s32 $0xFFFFE000  }
0xc6: {  	[spmem:s4] =	stream.indirect.scatter.add.f32 [tilespmem:s22], [sflag:$0x4], $0x80, s23, s20, $0xb8;
	[tilespmem:$0xEC40] =	vst v63  }
0xc7: {  	s14 =	sadd.s32 $0xFFFFFFFF, s3;
	p1 =	por $0x1, $0x1;
	_ =	swait.ge [sflag:s26], $0x2000  }
0xc8: {  	s3 =	simm.s32 $0x51C0;
	s0 =	simm.s32 $0x36C0;
	[sflag:s26] =	ssyncset.done $0x0  }
.LBB2_9:
0xc9: {  	s5 =	sadd.s32 $0xFFFFFFC0, s0;
	[sflag:s26] =	ssyncadd.s32 $0xFFFFE000;
	s3 =	sadd.s32 $0x80, s3  }
0xca: {  	[tilespmem:s21], [sflag:$0x1] =	stream.indirect.gather [hbm4b:s1+s20], $0x80, s5, s20, $0xb8;
	[tilespmem:$0xEC40] =	vst v63  }
0xcb: {  	p2 =	sne.s32 s14, $0x1;
	s14 =	sadd.s32 $0xFFFFFFFF, s14  }
0xcc: {  	[tilespmem:s22], [sflag:$0x2] =	stream.indirect.gather [hbm4b:s1+s20], $0x80, s0, s20, $0xb8;
	[tilespmem:$0xEC40] =	vst v63  }
0xcd: {  	v3 =	vld [tilespmem:s3+$0xFFFFFFC0];
	_ =	sdelay $0x4  }
0xce: {  	[tilespmem:$0x6D00] =	vst v3  }
0xcf: {  	v3 =	vld [tilespmem:s3+$0xFFFFFFD0];
	_ =	sdelay $0x4  }
0xd0: {  	[tilespmem:$0x6D10] =	vst v3  }
0xd1: {  	v3 =	vld [tilespmem:s3+$0xFFFFFFE0];
	_ =	sdelay $0x4  }
0xd2: {  	[tilespmem:$0x6D20] =	vst v3  }
0xd3: {  	v3 =	vld [tilespmem:s3+$0xFFFFFFF0];
	_ =	sdelay $0x4  }
0xd4: {  	[tilespmem:$0x6D30] =	vst v3  }
0xd5: {  	_ =	swait.ge [sflag:s19], $0x2000  }
0xd6: {  	[sflag:s19] =	ssyncset.done $0x0  }
0xd7: {  	[sflag:s19] =	ssyncadd.s32 $0xFFFFE000  }
0xd8: {  	[spmem:s4] =	stream.indirect.scatter.add.f32 [tilespmem:s21], [sflag:$0x3], $0x80, s23, s20, $0xb8;
	[tilespmem:$0xEC40] =	vst v63  }
0xd9: {  	_ =	swait.ge [sflag:s24], $0x2000  }
0xda: {  	[sflag:s24] =	ssyncset.done $0x0  }
0xdb: {  	[sflag:s24] =	ssyncadd.s32 $0xFFFFE000  }
0xdc: {  	v3 =	vld [tilespmem:s3+$0x0];
	_ =	sdelay $0x4  }
0xdd: {  	[tilespmem:$0x6D00] =	vst v3  }
0xde: {  	v3 =	vld [tilespmem:s3+$0x10];
	_ =	sdelay $0x4  }
0xdf: {  	[tilespmem:$0x6D10] =	vst v3  }
0xe0: {  	v3 =	vld [tilespmem:s3+$0x20];
	_ =	sdelay $0x4  }
0xe1: {  	[tilespmem:$0x6D20] =	vst v3  }
0xe2: {  	v3 =	vld [tilespmem:s3+$0x30];
	_ =	sdelay $0x4  }
0xe3: {  	[tilespmem:$0x6D30] =	vst v3  }
0xe4: {  	_ =	swait.ge [sflag:s25], $0x2000  }
.Ltmp8:
0xe5: {  	[sflag:s25] =	ssyncset.done $0x0;
	(pc) =	sbr.rel @p2 .LBB2_9-.Ltmp8, $4  }
0xe6: {  	[sflag:s25] =	ssyncadd.s32 $0xFFFFE000  }
0xe7: {  	[spmem:s4] =	stream.indirect.scatter.add.f32 [tilespmem:s22], [sflag:$0x4], $0x80, s23, s20, $0xb8;
	[tilespmem:$0xEC40] =	vst v63  }
0xe8: {  	_ =	swait.ge [sflag:s26], $0x2000  }
0xe9: {  	s0 =	sadd.s32 $0x80, s0;
	[sflag:s26] =	ssyncset.done $0x0  }
.Ltmp9:
0xea: {  	_ = 	snop;
	(pc) =	sbr.rel .LBB2_10-.Ltmp9, $1  }
0xeb: {  	_ =	sdelay $0x3  }
.LBB2_8:
.Ltmp10:
0xec: {  	(pc) =	sbr.rel .LBB2_10-.Ltmp10, $2  }
0xed: {  	_ =	sdelay $0x2  }
0xee: {  	s3 =	simm.s32 $0x51C0  }
.LBB2_13:
0xef: {  	_ =	sfence.sel $0x180000  }
0xf0: {  	[bflag:$0x0] =	sbarrier.arrive $0xFFFF  }
0xf1: {  	_ =	strace $0x9000004A  }
0xf2: {  	s0 =	stileid.u32;
	[bflag:$0x2] =	sbarrier.arrive $0xFFFF  }
0xf3: {  	p0 =	sne.s32 s0, $0x0;
	s0 =	rddreg [dreg:$0x4]  }
0xf4: {  	s0 =	sadd.s32 @!p0 $0x100000, s0  }
0xf5: {  	[sflag:s0] =	ssyncadd.tile.s32 @!p0 $0x1;
	_ =	shalt  }
.Lfunc_end2:
_tile_overlayer_lowered:
.L_overlay_start_2:
0xf6: {  	(tag) =	ssettag $0x2  }
0xf7: {  	s0 =	rddreg [dreg:$0x0];
	s2 =	stileid.u32  }
0xf8: {  	s1 =	rddreg [dreg:$0x1];
	p0 =	sne.s32 s2, $0x0  }
0xf9: {  	s3 =	rddreg [dreg:$0x2];
	[bflag:$0x3] =	sbarrier.arrive $0xFFFF;
	s2 =	simm.s32 @!p0 $0x1C05  }
0xfa: {  	[timem:s3], [sflag:s2] =	dma.local @!p0 [hbm:s0], s1  }
0xfb: {  	s0 =	simm.s32 @!p0 $0x5  }
0xfc: {  	_ =	swait.ge @!p0 [sflag:s0], s1  }
0xfd: {  	s1 =	ssub.s32 @!p0 $0x0, s1;
	[sflag:s0] =	ssyncset.done @!p0 $0x0  }
0xfe: {  	[sflag:s0] =	ssyncadd.s32 @!p0 s1  }
0xff: {  	[bflag:$0x3] =	sbarrier.arrive $0xFFFF  }
0x100: {  	_ =	shalt  }

</sc_bundles>
